<compile_context>
chip_gen: v7x
topology: tpu7x:2x2x1
jax: 0.10.2.dev20260603
libtpu: 0.0.44.dev20260713+nightly
codegen_flags: <defaults>
</compile_context>

<pallas_src>
import functools

import jax
import jax.numpy as jnp
from jax import lax
from jax.experimental import pallas as pl
from jax.experimental.pallas import tpu as pltpu
from jax.experimental.pallas import tpu_sc as plsc

NC = 2
NS = 16
L = 16

B = 4
T = 4096
D = 2048
K = T // 2
RADIX = 256
PASSES = 4
CHUNK = T // L

RPC = 2 * K
RPW = RPC // NS
GCH = 8
NCH = RPW // GCH


def _digit(k_i32, shift):
    ku = plsc.bitcast(k_i32, jnp.uint32)
    du = jnp.bitwise_and(jnp.right_shift(ku, jnp.uint32(shift)), jnp.uint32(RADIX - 1))
    return plsc.bitcast(du, jnp.int32)


def _desc_key(bits_i32):
    sign = jnp.right_shift(bits_i32, 31)
    mask = jnp.bitwise_and(jnp.bitwise_not(sign), jnp.int32(0x7FFFFFFF))
    return jnp.bitwise_xor(bits_i32, mask)


def _body(scores_hbm, hid_hbm, sel_hbm, bidx_hbm, idx_hbm, vals_hbm,
          sc_v, key_a, key_b, val_a, val_b, hist, offs, rowbase,
          gstage, idx_v, buf0, buf1, sh_grow, sem0, sem1):
    c = lax.axis_index("c")
    s = lax.axis_index("s")

    @pl.when(s < 2)
    def _():
        b = c * 2 + s
        pltpu.sync_copy(scores_hbm.at[pl.ds(b * T, T)], sc_v)

        lane = lax.iota(jnp.int32, L)
        lane_c = lane * CHUNK
        ones = jnp.broadcast_to(jnp.int32(1), (L,))
        fifteen = jnp.broadcast_to(jnp.int32(15), (L,))

        def phys(e):
            return e + jnp.right_shift(e, 8)

        def init_body(i, _):
            x = sc_v[pl.ds(i * L, L)]
            bits = plsc.bitcast(x, jnp.int32)
            e = lane + i * L
            pe = phys(e)
            plsc.store_scatter(key_a, [pe], _desc_key(bits))
            plsc.store_scatter(val_a, [pe], e)
            return 0
        lax.fori_loop(0, T // L, init_body, 0)

        bufs = [(key_a, val_a), (key_b, val_b)]
        for p in range(PASSES):
            shift = 8 * p
            src_k, src_v = bufs[p % 2]
            dst_k, dst_v = bufs[(p + 1) % 2]

            def zero_body(j, _):
                hist[j, :] = jnp.broadcast_to(jnp.int32(0), (L,))
                return 0
            lax.fori_loop(0, RADIX, zero_body, 0)

            def hist_body(i, _):
                idxv = lane_c + i + lane
                k = plsc.load_gather(src_k, [idxv])
                d = _digit(k, shift)
                plsc.addupdate_scatter(hist, [d, lane], ones)
                return 0
            lax.fori_loop(0, CHUNK, hist_body, 0)

            def cs1_body(dd, _):
                offs[dd, :] = plsc.cumsum(hist[dd, :])
                return 0
            lax.fori_loop(0, RADIX, cs1_body, 0)

            def rb_body(jj, carry):
                rows_vec = lane + jj * L
                tot = plsc.load_gather(offs, [rows_vec, fifteen])
                cs2 = plsc.cumsum(tot)
                plsc.store_scatter(rowbase, [rows_vec], cs2 - tot + carry)
                return carry + jnp.sum(tot)
            lax.fori_loop(0, RADIX // L, rb_body, jnp.int32(0))

            def fin_body(dd, _):
                rb_b = plsc.load_gather(rowbase, [jnp.broadcast_to(dd, (L,))])
                offs[dd, :] = offs[dd, :] - hist[dd, :] + rb_b
                return 0
            lax.fori_loop(0, RADIX, fin_body, 0)

            def perm_body(i, _):
                idxv = lane_c + i + lane
                k = plsc.load_gather(src_k, [idxv])
                v = plsc.load_gather(src_v, [idxv])
                d = _digit(k, shift)
                ofs = plsc.load_gather(offs, [d, lane])
                po = phys(ofs)
                plsc.store_scatter(dst_k, [po], k)
                plsc.store_scatter(dst_v, [po], v)
                plsc.addupdate_scatter(offs, [d, lane], ones)
                return 0
            lax.fori_loop(0, CHUNK, perm_body, 0)

        def out_body(i, _):
            pe = phys(lane + i * L)
            k = plsc.load_gather(key_a, [pe])
            v = plsc.load_gather(val_a, [pe])
            sc_v[pl.ds(i * L, L)] = plsc.bitcast(_desc_key(k), jnp.float32)
            gstage[pl.ds(i * L, L)] = v
            return 0
        lax.fori_loop(0, K // L, out_body, 0)

        pltpu.sync_copy(sc_v.at[pl.ds(0, K)], vals_hbm.at[pl.ds(b * K, K)])
        pltpu.sync_copy(gstage, idx_hbm.at[pl.ds(b * K, K)])

        def grow_body(i, _):
            gstage[pl.ds(i * L, L)] = gstage[pl.ds(i * L, L)] + b * T
            return 0
        lax.fori_loop(0, K // L, grow_body, 0)
        pltpu.sync_copy(gstage, sh_grow.at[pl.ds(s * K, K)])

        def bidx_body(i, _):
            gstage[pl.ds(i * L, L)] = jnp.broadcast_to(b, (L,))
            return 0
        lax.fori_loop(0, K // L, bidx_body, 0)
        pltpu.sync_copy(gstage, bidx_hbm.at[pl.ds(b * K, K)])

    plsc.subcore_barrier()

    pltpu.sync_copy(sh_grow.at[pl.ds(s * RPW, RPW)], idx_v)
    gbase = c * RPC + s * RPW

    bufs2 = (buf0, buf1)
    sems2 = (sem0, sem1)

    def start(ch):
        return pltpu.async_copy(
            hid_hbm.at[idx_v.at[pl.ds(ch * GCH, GCH)]], bufs2[ch % 2], sems2[ch % 2])

    pending = start(0)
    for ch in range(NCH):
        nxt = start(ch + 1) if ch + 1 < NCH else None
        pending.wait()
        pltpu.sync_copy(bufs2[ch % 2], sel_hbm.at[pl.ds(gbase + ch * GCH, GCH)])
        pending = nxt


_fused_call = functools.partial(
    pl.kernel,
    out_type=(
        jax.ShapeDtypeStruct((B * K, D), jnp.float32),
        jax.ShapeDtypeStruct((B * K,), jnp.int32),
        jax.ShapeDtypeStruct((B * K,), jnp.int32),
        jax.ShapeDtypeStruct((B * K,), jnp.float32),
    ),
    mesh=plsc.VectorSubcoreMesh(core_axis_name="c", subcore_axis_name="s"),
    compiler_params=pltpu.CompilerParams(needs_layout_passes=False),
    scratch_types=[
        pltpu.VMEM((T,), jnp.float32),
        pltpu.VMEM((T + 16,), jnp.int32),
        pltpu.VMEM((T + 16,), jnp.int32),
        pltpu.VMEM((T + 16,), jnp.int32),
        pltpu.VMEM((T + 16,), jnp.int32),
        pltpu.VMEM((RADIX, L), jnp.int32),
        pltpu.VMEM((RADIX, L), jnp.int32),
        pltpu.VMEM((RADIX,), jnp.int32),
        pltpu.VMEM((K,), jnp.int32),
        pltpu.VMEM((RPW,), jnp.int32),
        pltpu.VMEM((GCH, D), jnp.float32),
        pltpu.VMEM((GCH, D), jnp.float32),
        pltpu.VMEM_SHARED((RPC,), jnp.int32),
        pltpu.SemaphoreType.DMA,
        pltpu.SemaphoreType.DMA,
    ],
)(_body)


def kernel(scores, hidden_states):
    b, t, d = hidden_states.shape
    sel, bidx, idx, vals = _fused_call(
        scores.reshape(-1), hidden_states.reshape(b * t, d))
    return sel, bidx, idx, vals

# --- scband reference (transcript-rebuilt; emitter-appended) ---
"""Pipeline reference for scband-base-router-73031623901311 (READ-ONLY COPY).

The authoritative reference and input builder live on the scoring server;
editing this copy changes nothing except your own understanding.
"""

import jax, jax.numpy as jnp
import numpy as np

CAPACITY = 0.5

def setup_inputs(seed: int = 0) -> dict:
    key = jax.random.key(seed)
    k1, k2 = jax.random.split(key)
    scores = jax.random.normal(k1, (4, 4096), dtype=jnp.float32)
    hidden_states = jax.random.normal(k2, (4, 4096, 2048), dtype=jnp.float32)
    return {"scores": scores, "hidden_states": hidden_states}

def reference(scores, hidden_states):
    B, T, D = hidden_states.shape
    k = max(1, int(T * CAPACITY))
    if k > T:
        k = T
    topk_vals, topk_idx = jax.lax.top_k(scores, k)
    batch_idx = jnp.broadcast_to(jnp.arange(B)[:, None], (B, k))
    selected_hidden = hidden_states[batch_idx, topk_idx]
    return (selected_hidden.reshape(-1, D),
            batch_idx.reshape(-1),
            topk_idx.reshape(-1),
            topk_vals.reshape(-1))

if __name__ == "__main__":
    import jax
    _d = setup_inputs()
    print(jax.jit(kernel)(*tuple(_d.values())))

</pallas_src>

<mosaic_0001>
#map = affine_map<(d0, d1) -> (0)>
#map1 = affine_map<(d0, d1) -> (0, 0)>
module attributes {stable_mosaic.version = 14 : i64} {
  func.func @_body(%arg0: i32, %arg1: i32, %arg2: memref<16384xf32, #tpu.memory_space<hbm>>, %arg3: memref<16384x2048xf32, #tpu.memory_space<hbm>>, %arg4: memref<8192x2048xf32, #tpu.memory_space<hbm>>, %arg5: memref<8192xi32, #tpu.memory_space<hbm>>, %arg6: memref<8192xi32, #tpu.memory_space<hbm>>, %arg7: memref<8192xf32, #tpu.memory_space<hbm>>, %arg8: memref<4096xf32, #tpu.memory_space<vmem>>, %arg9: memref<4112xi32, #tpu.memory_space<vmem>>, %arg10: memref<4112xi32, #tpu.memory_space<vmem>>, %arg11: memref<4112xi32, #tpu.memory_space<vmem>>, %arg12: memref<4112xi32, #tpu.memory_space<vmem>>, %arg13: memref<256x16xi32, #tpu.memory_space<vmem>>, %arg14: memref<256x16xi32, #tpu.memory_space<vmem>>, %arg15: memref<256xi32, #tpu.memory_space<vmem>>, %arg16: memref<2048xi32, #tpu.memory_space<vmem>>, %arg17: memref<256xi32, #tpu.memory_space<vmem>>, %arg18: memref<8x2048xf32, #tpu.memory_space<vmem>>, %arg19: memref<8x2048xf32, #tpu.memory_space<vmem>>, %arg20: memref<4096xi32, #tpu.memory_space<vmem_shared>>, %arg21: memref<!tpu.dma_semaphore, #tpu.memory_space<semaphore_mem>>, %arg22: memref<!tpu.dma_semaphore, #tpu.memory_space<semaphore_mem>>) attributes {dimension_semantics = [#tpu.dimension_semantics<core_parallel>, #tpu.dimension_semantics<subcore_parallel>], iteration_bounds = array<i64: 2, 16>, scalar_prefetch = 0 : i64, scratch_operands = 15 : i64, tpu.core_type = #tpu.core_type<sc_vector_subcore>, window_params = [{transform_indices = #map}, {transform_indices = #map1}, {transform_indices = #map1}, {transform_indices = #map}, {transform_indices = #map}, {transform_indices = #map}]} {
    %lt3A = arith.constant 2 : i32
    %lt3A_0 = arith.cmpi slt, %arg1, %lt3A : i32
    %convert_element_type3A = arith.extui %lt3A_0 : i1 to i32
    %cond3A = arith.constant 0 : i32
    %cond3A_1 = arith.cmpi ne, %convert_element_type3A, %cond3A : i32
    scf.if %cond3A_1 {
      %mul3A_389 = arith.constant 2 : i32
      %mul3A_390 = arith.muli %arg0, %mul3A_389 : i32
      %add3A_391 = arith.addi %mul3A_390, %arg1 : i32
      %mul3A_392 = arith.constant 4096 : i32
      %mul3A_393 = arith.muli %add3A_391, %mul3A_392 : i32
      "tpu.region"() ({
        %run_scoped3A = tpu.sem_alloc : memref<!tpu.dma_semaphore, #tpu.memory_space<semaphore_mem>>
        %dma_start3A_603 = tpu.memref_slice %arg2[%mul3A_393] : memref<16384xf32, #tpu.memory_space<hbm>> -> memref<4096xf32, #tpu.memory_space<hbm>>
        %dma_start3A_604 = tpu.memref_slice %arg2[%mul3A_393] : memref<16384xf32, #tpu.memory_space<hbm>> -> memref<4096xf32, #tpu.memory_space<hbm>>
        tpu.enqueue_dma source(%dma_start3A_604 : memref<4096xf32, #tpu.memory_space<hbm>>) target(%arg8 : memref<4096xf32, #tpu.memory_space<vmem>>) target_semaphore(%run_scoped3A : memref<!tpu.dma_semaphore, #tpu.memory_space<semaphore_mem>>)
        %dma_wait3A_605 = tpu.memref_slice %arg2[%mul3A_393] : memref<16384xf32, #tpu.memory_space<hbm>> -> memref<4096xf32, #tpu.memory_space<hbm>>
        %dma_wait3A_606 = tpu.memref_slice %arg2[%mul3A_393] : memref<16384xf32, #tpu.memory_space<hbm>> -> memref<4096xf32, #tpu.memory_space<hbm>>
        tpu.wait_dma2 semaphore(%run_scoped3A : memref<!tpu.dma_semaphore, #tpu.memory_space<semaphore_mem>>) src(%dma_wait3A_606 : memref<4096xf32, #tpu.memory_space<hbm>>) dst(%arg8 : memref<4096xf32, #tpu.memory_space<vmem>>)
        tpu.yield
      }) : () -> ()
      %iota3A = tpu.iota {dimensions = array<i32: 0>} : vector<16xi32>
      %mul3A_394 = arith.constant 256 : i32
      %mul3A_395 = vector.broadcast %mul3A_394 : i32 to vector<16xi32>
      %mul3A_396 = arith.muli %iota3A, %mul3A_395 : vector<16xi32>
      %broadcast_in_dim3A = arith.constant 1 : i32
      %broadcast_in_dim3A_397 = vector.broadcast %broadcast_in_dim3A : i32 to vector<16xi32>
      %broadcast_in_dim3A_398 = arith.constant 15 : i32
      %broadcast_in_dim3A_399 = vector.broadcast %broadcast_in_dim3A_398 : i32 to vector<16xi32>
      %scan3A = arith.constant 0 : i32
      %scan3A_400 = arith.constant 0 : i32
      %scan3A_401 = arith.constant 256 : i32
      %scan3A_402 = arith.addi %scan3A_400, %scan3A_401 : i32
      %scan3A_403 = arith.constant 1 : i32
      %scan3A_404 = scf.for %scan3A_603 = %scan3A_400 to %scan3A_402 step %scan3A_403 iter_args(%scan3A_604 = %scan3A) -> (i32)  : i32 {
        %mul3A_605 = arith.constant 16 : i32
        %mul3A_606 = arith.muli %scan3A_603, %mul3A_605 : i32
        %get3A = arith.index_cast %mul3A_606 : i32 to index
        %get3A_607 = tpu.vector_load %arg8[%get3A] {strides = array<i32>} : memref<4096xf32, #tpu.memory_space<vmem>>, vector<16xf32>,
        %bitcast3A = vector.bitcast %get3A_607 : vector<16xf32> to vector<16xi32>
        %mul3A_608 = arith.constant 16 : i32
        %mul3A_609 = arith.muli %scan3A_603, %mul3A_608 : i32
        %add3A_610 = vector.broadcast %mul3A_609 : i32 to vector<16xi32>
        %add3A_611 = arith.addi %iota3A, %add3A_610 : vector<16xi32>
        %shift_right_arithmetic3A = arith.constant 8 : i32
        %shift_right_arithmetic3A_612 = vector.broadcast %shift_right_arithmetic3A : i32 to vector<16xi32>
        %shift_right_arithmetic3A_613 = arith.shrsi %add3A_611, %shift_right_arithmetic3A_612 : vector<16xi32>
        %add3A_614 = arith.addi %add3A_611, %shift_right_arithmetic3A_613 : vector<16xi32>
        %shift_right_arithmetic3A_615 = arith.constant 31 : i32
        %shift_right_arithmetic3A_616 = vector.broadcast %shift_right_arithmetic3A_615 : i32 to vector<16xi32>
        %shift_right_arithmetic3A_617 = arith.shrsi %bitcast3A, %shift_right_arithmetic3A_616 : vector<16xi32>
        %not3A = arith.constant dense<-1> : vector<16xi32>
        %not3A_618 = arith.xori %shift_right_arithmetic3A_617, %not3A : vector<16xi32>
        %and3A = arith.constant 2147483647 : i32
        %and3A_619 = vector.broadcast %and3A : i32 to vector<16xi32>
        %and3A_620 = arith.andi %not3A_618, %and3A_619 : vector<16xi32>
        %xor3A = arith.xori %bitcast3A, %and3A_620 : vector<16xi32>
        tpu.vector_store_idx %arg9[%add3A_614], %xor3A : memref<4112xi32, #tpu.memory_space<vmem>>[vector<16xi32>], vector<16xi32>,
        tpu.vector_store_idx %arg11[%add3A_614], %add3A_611 : memref<4112xi32, #tpu.memory_space<vmem>>[vector<16xi32>], vector<16xi32>,
        %scan3A_621 = arith.constant 0 : i32
        scf.yield %scan3A_621 : i32
      }
      %scan3A_405 = arith.constant 256 : i32
      %scan3A_406 = arith.constant 0 : i32
      %scan3A_407 = arith.constant 0 : i32
      %scan3A_408 = arith.constant 256 : i32
      %scan3A_409 = arith.addi %scan3A_407, %scan3A_408 : i32
      %scan3A_410 = arith.constant 1 : i32
      %scan3A_411 = scf.for %scan3A_603 = %scan3A_407 to %scan3A_409 step %scan3A_410 iter_args(%scan3A_604 = %scan3A_406) -> (i32)  : i32 {
        %broadcast_in_dim3A_605 = arith.constant 0 : i32
        %broadcast_in_dim3A_606 = vector.broadcast %broadcast_in_dim3A_605 : i32 to vector<16xi32>
        %swap3A = arith.index_cast %scan3A_603 : i32 to index
        %swap3A_607 = arith.constant 0 : index
        %swap3A_608 = tpu.vector_load %arg13[%swap3A, %swap3A_607] {strides = array<i32>} : memref<256x16xi32, #tpu.memory_space<vmem>>, vector<16xi32>,
        tpu.vector_store %arg13[%swap3A, %swap3A_607], %broadcast_in_dim3A_606 {strides = array<i32>} : memref<256x16xi32, #tpu.memory_space<vmem>>, vector<16xi32>,
        %scan3A_609 = arith.constant 0 : i32
        scf.yield %scan3A_609 : i32
      }
      %scan3A_412 = arith.constant 256 : i32
      %scan3A_413 = arith.constant 0 : i32
      %scan3A_414 = arith.constant 0 : i32
      %scan3A_415 = arith.constant 256 : i32
      %scan3A_416 = arith.addi %scan3A_414, %scan3A_415 : i32
      %scan3A_417 = arith.constant 1 : i32
      %scan3A_418 = scf.for %scan3A_603 = %scan3A_414 to %scan3A_416 step %scan3A_417 iter_args(%scan3A_604 = %scan3A_413) -> (i32)  : i32 {
        %add3A_605 = vector.broadcast %scan3A_603 : i32 to vector<16xi32>
        %add3A_606 = arith.addi %mul3A_396, %add3A_605 : vector<16xi32>
        %add3A_607 = arith.addi %add3A_606, %iota3A : vector<16xi32>
        %gather3A = tpu.vector_load_idx %arg9[%add3A_607] : memref<4112xi32, #tpu.memory_space<vmem>>[vector<16xi32>], vector<16xi32>,
        %bitcast3A = vector.bitcast %gather3A : vector<16xi32> to vector<16xi32>
        %shift_right_logical3A = arith.constant 0 : i32
        %shift_right_logical3A_608 = vector.broadcast %shift_right_logical3A : i32 to vector<16xi32>
        %shift_right_logical3A_609 = arith.shrui %bitcast3A, %shift_right_logical3A_608 : vector<16xi32>
        %and3A = arith.constant 255 : i32
        %and3A_610 = vector.broadcast %and3A : i32 to vector<16xi32>
        %and3A_611 = arith.andi %shift_right_logical3A_609, %and3A_610 : vector<16xi32>
        %bitcast3A_612 = vector.bitcast %and3A_611 : vector<16xi32> to vector<16xi32>
        tpu.vector_store_idx %arg13[%bitcast3A_612, %iota3A], %broadcast_in_dim3A_397 {add = true} : memref<256x16xi32, #tpu.memory_space<vmem>>[vector<16xi32>, vector<16xi32>], vector<16xi32>,
        %scan3A_613 = arith.constant 0 : i32
        scf.yield %scan3A_613 : i32
      }
      %scan3A_419 = arith.constant 256 : i32
      %scan3A_420 = arith.constant 0 : i32
      %scan3A_421 = arith.constant 0 : i32
      %scan3A_422 = arith.constant 256 : i32
      %scan3A_423 = arith.addi %scan3A_421, %scan3A_422 : i32
      %scan3A_424 = arith.constant 1 : i32
      %scan3A_425 = scf.for %scan3A_603 = %scan3A_421 to %scan3A_423 step %scan3A_424 iter_args(%scan3A_604 = %scan3A_420) -> (i32)  : i32 {
        %get3A = arith.index_cast %scan3A_603 : i32 to index
        %get3A_605 = arith.constant 0 : index
        %get3A_606 = tpu.vector_load %arg13[%get3A, %get3A_605] {strides = array<i32>} : memref<256x16xi32, #tpu.memory_space<vmem>>, vector<16xi32>,
        %broadcast_in_dim3A_607 = arith.constant true
        %broadcast_in_dim3A_608 = vector.broadcast %broadcast_in_dim3A_607 : i1 to vector<16xi1>
        %masked_cumsum3A = tpu.scan <sum>, %get3A_606 masked %broadcast_in_dim3A_608 : vector<16xi32>, vector<16xi1> -> vector<16xi32>
        %swap3A = arith.index_cast %scan3A_603 : i32 to index
        %swap3A_609 = arith.constant 0 : index
        %swap3A_610 = tpu.vector_load %arg14[%swap3A, %swap3A_609] {strides = array<i32>} : memref<256x16xi32, #tpu.memory_space<vmem>>, vector<16xi32>,
        tpu.vector_store %arg14[%swap3A, %swap3A_609], %masked_cumsum3A {strides = array<i32>} : memref<256x16xi32, #tpu.memory_space<vmem>>, vector<16xi32>,
        %scan3A_611 = arith.constant 0 : i32
        scf.yield %scan3A_611 : i32
      }
      %scan3A_426 = arith.constant 256 : i32
      %scan3A_427 = arith.constant 0 : i32
      %scan3A_428 = arith.constant 0 : i32
      %scan3A_429 = arith.constant 16 : i32
      %scan3A_430 = arith.addi %scan3A_428, %scan3A_429 : i32
      %scan3A_431 = arith.constant 1 : i32
      %scan3A_432 = scf.for %scan3A_603 = %scan3A_428 to %scan3A_430 step %scan3A_431 iter_args(%scan3A_604 = %scan3A_427) -> (i32)  : i32 {
        %mul3A_605 = arith.constant 16 : i32
        %mul3A_606 = arith.muli %scan3A_603, %mul3A_605 : i32
        %add3A_607 = vector.broadcast %mul3A_606 : i32 to vector<16xi32>
        %add3A_608 = arith.addi %iota3A, %add3A_607 : vector<16xi32>
        %gather3A = tpu.vector_load_idx %arg14[%add3A_608, %broadcast_in_dim3A_399] : memref<256x16xi32, #tpu.memory_space<vmem>>[vector<16xi32>, vector<16xi32>], vector<16xi32>,
        %broadcast_in_dim3A_609 = arith.constant true
        %broadcast_in_dim3A_610 = vector.broadcast %broadcast_in_dim3A_609 : i1 to vector<16xi1>
        %masked_cumsum3A = tpu.scan <sum>, %gather3A masked %broadcast_in_dim3A_610 : vector<16xi32>, vector<16xi1> -> vector<16xi32>
        %sub3A = arith.subi %masked_cumsum3A, %gather3A : vector<16xi32>
        %add3A_611 = vector.broadcast %scan3A_604 : i32 to vector<16xi32>
        %add3A_612 = arith.addi %sub3A, %add3A_611 : vector<16xi32>
        tpu.vector_store_idx %arg15[%add3A_608], %add3A_612 : memref<256xi32, #tpu.memory_space<vmem>>[vector<16xi32>], vector<16xi32>,
        %reduce_sum3A = arith.constant true
        %reduce_sum3A_613 = vector.broadcast %reduce_sum3A : i1 to vector<16xi1>
        %reduce_sum3A_614 = tpu.scan <sum>, %gather3A masked %reduce_sum3A_613 : vector<16xi32>, vector<16xi1> -> vector<16xi32>
        %reduce_sum3A_615 = vector.extract %reduce_sum3A_614[15] : i32 from vector<16xi32>
        %add3A_616 = arith.addi %scan3A_604, %reduce_sum3A_615 : i32
        scf.yield %add3A_616 : i32
      }
      %scan3A_433 = arith.constant 16 : i32
      %scan3A_434 = arith.constant 0 : i32
      %scan3A_435 = arith.constant 0 : i32
      %scan3A_436 = arith.constant 256 : i32
      %scan3A_437 = arith.addi %scan3A_435, %scan3A_436 : i32
      %scan3A_438 = arith.constant 1 : i32
      %scan3A_439 = scf.for %scan3A_603 = %scan3A_435 to %scan3A_437 step %scan3A_438 iter_args(%scan3A_604 = %scan3A_434) -> (i32)  : i32 {
        %broadcast_in_dim3A_605 = vector.broadcast %scan3A_603 : i32 to vector<16xi32>
        %gather3A = tpu.vector_load_idx %arg15[%broadcast_in_dim3A_605] : memref<256xi32, #tpu.memory_space<vmem>>[vector<16xi32>], vector<16xi32>,
        %get3A = arith.index_cast %scan3A_603 : i32 to index
        %get3A_606 = arith.constant 0 : index
        %get3A_607 = tpu.vector_load %arg14[%get3A, %get3A_606] {strides = array<i32>} : memref<256x16xi32, #tpu.memory_space<vmem>>, vector<16xi32>,
        %get3A_608 = arith.index_cast %scan3A_603 : i32 to index
        %get3A_609 = arith.constant 0 : index
        %get3A_610 = tpu.vector_load %arg13[%get3A_608, %get3A_609] {strides = array<i32>} : memref<256x16xi32, #tpu.memory_space<vmem>>, vector<16xi32>,
        %sub3A = arith.subi %get3A_607, %get3A_610 : vector<16xi32>
        %add3A_611 = arith.addi %sub3A, %gather3A : vector<16xi32>
        %swap3A = arith.index_cast %scan3A_603 : i32 to index
        %swap3A_612 = arith.constant 0 : index
        %swap3A_613 = tpu.vector_load %arg14[%swap3A, %swap3A_612] {strides = array<i32>} : memref<256x16xi32, #tpu.memory_space<vmem>>, vector<16xi32>,
        tpu.vector_store %arg14[%swap3A, %swap3A_612], %add3A_611 {strides = array<i32>} : memref<256x16xi32, #tpu.memory_space<vmem>>, vector<16xi32>,
        %scan3A_614 = arith.constant 0 : i32
        scf.yield %scan3A_614 : i32
      }
      %scan3A_440 = arith.constant 256 : i32
      %scan3A_441 = arith.constant 0 : i32
      %scan3A_442 = arith.constant 0 : i32
      %scan3A_443 = arith.constant 256 : i32
      %scan3A_444 = arith.addi %scan3A_442, %scan3A_443 : i32
      %scan3A_445 = arith.constant 1 : i32
      %scan3A_446 = scf.for %scan3A_603 = %scan3A_442 to %scan3A_444 step %scan3A_445 iter_args(%scan3A_604 = %scan3A_441) -> (i32)  : i32 {
        %add3A_605 = vector.broadcast %scan3A_603 : i32 to vector<16xi32>
        %add3A_606 = arith.addi %mul3A_396, %add3A_605 : vector<16xi32>
        %add3A_607 = arith.addi %add3A_606, %iota3A : vector<16xi32>
        %gather3A = tpu.vector_load_idx %arg9[%add3A_607] : memref<4112xi32, #tpu.memory_space<vmem>>[vector<16xi32>], vector<16xi32>,
        %gather3A_608 = tpu.vector_load_idx %arg11[%add3A_607] : memref<4112xi32, #tpu.memory_space<vmem>>[vector<16xi32>], vector<16xi32>,
        %bitcast3A = vector.bitcast %gather3A : vector<16xi32> to vector<16xi32>
        %shift_right_logical3A = arith.constant 0 : i32
        %shift_right_logical3A_609 = vector.broadcast %shift_right_logical3A : i32 to vector<16xi32>
        %shift_right_logical3A_610 = arith.shrui %bitcast3A, %shift_right_logical3A_609 : vector<16xi32>
        %and3A = arith.constant 255 : i32
        %and3A_611 = vector.broadcast %and3A : i32 to vector<16xi32>
        %and3A_612 = arith.andi %shift_right_logical3A_610, %and3A_611 : vector<16xi32>
        %bitcast3A_613 = vector.bitcast %and3A_612 : vector<16xi32> to vector<16xi32>
        %gather3A_614 = tpu.vector_load_idx %arg14[%bitcast3A_613, %iota3A] : memref<256x16xi32, #tpu.memory_space<vmem>>[vector<16xi32>, vector<16xi32>], vector<16xi32>,
        %shift_right_arithmetic3A = arith.constant 8 : i32
        %shift_right_arithmetic3A_615 = vector.broadcast %shift_right_arithmetic3A : i32 to vector<16xi32>
        %shift_right_arithmetic3A_616 = arith.shrsi %gather3A_614, %shift_right_arithmetic3A_615 : vector<16xi32>
        %add3A_617 = arith.addi %gather3A_614, %shift_right_arithmetic3A_616 : vector<16xi32>
        tpu.vector_store_idx %arg10[%add3A_617], %gather3A : memref<4112xi32, #tpu.memory_space<vmem>>[vector<16xi32>], vector<16xi32>,
        tpu.vector_store_idx %arg12[%add3A_617], %gather3A_608 : memref<4112xi32, #tpu.memory_space<vmem>>[vector<16xi32>], vector<16xi32>,
        tpu.vector_store_idx %arg14[%bitcast3A_613, %iota3A], %broadcast_in_dim3A_397 {add = true} : memref<256x16xi32, #tpu.memory_space<vmem>>[vector<16xi32>, vector<16xi32>], vector<16xi32>,
        %scan3A_618 = arith.constant 0 : i32
        scf.yield %scan3A_618 : i32
      }
      %scan3A_447 = arith.constant 256 : i32
      %scan3A_448 = arith.constant 0 : i32
      %scan3A_449 = arith.constant 0 : i32
      %scan3A_450 = arith.constant 256 : i32
      %scan3A_451 = arith.addi %scan3A_449, %scan3A_450 : i32
      %scan3A_452 = arith.constant 1 : i32
      %scan3A_453 = scf.for %scan3A_603 = %scan3A_449 to %scan3A_451 step %scan3A_452 iter_args(%scan3A_604 = %scan3A_448) -> (i32)  : i32 {
        %broadcast_in_dim3A_605 = arith.constant 0 : i32
        %broadcast_in_dim3A_606 = vector.broadcast %broadcast_in_dim3A_605 : i32 to vector<16xi32>
        %swap3A = arith.index_cast %scan3A_603 : i32 to index
        %swap3A_607 = arith.constant 0 : index
        %swap3A_608 = tpu.vector_load %arg13[%swap3A, %swap3A_607] {strides = array<i32>} : memref<256x16xi32, #tpu.memory_space<vmem>>, vector<16xi32>,
        tpu.vector_store %arg13[%swap3A, %swap3A_607], %broadcast_in_dim3A_606 {strides = array<i32>} : memref<256x16xi32, #tpu.memory_space<vmem>>, vector<16xi32>,
        %scan3A_609 = arith.constant 0 : i32
        scf.yield %scan3A_609 : i32
      }
      %scan3A_454 = arith.constant 256 : i32
      %scan3A_455 = arith.constant 0 : i32
      %scan3A_456 = arith.constant 0 : i32
      %scan3A_457 = arith.constant 256 : i32
      %scan3A_458 = arith.addi %scan3A_456, %scan3A_457 : i32
      %scan3A_459 = arith.constant 1 : i32
      %scan3A_460 = scf.for %scan3A_603 = %scan3A_456 to %scan3A_458 step %scan3A_459 iter_args(%scan3A_604 = %scan3A_455) -> (i32)  : i32 {
        %add3A_605 = vector.broadcast %scan3A_603 : i32 to vector<16xi32>
        %add3A_606 = arith.addi %mul3A_396, %add3A_605 : vector<16xi32>
        %add3A_607 = arith.addi %add3A_606, %iota3A : vector<16xi32>
        %gather3A = tpu.vector_load_idx %arg10[%add3A_607] : memref<4112xi32, #tpu.memory_space<vmem>>[vector<16xi32>], vector<16xi32>,
        %bitcast3A = vector.bitcast %gather3A : vector<16xi32> to vector<16xi32>
        %shift_right_logical3A = arith.constant 8 : i32
        %shift_right_logical3A_608 = vector.broadcast %shift_right_logical3A : i32 to vector<16xi32>
        %shift_right_logical3A_609 = arith.shrui %bitcast3A, %shift_right_logical3A_608 : vector<16xi32>
        %and3A = arith.constant 255 : i32
        %and3A_610 = vector.broadcast %and3A : i32 to vector<16xi32>
        %and3A_611 = arith.andi %shift_right_logical3A_609, %and3A_610 : vector<16xi32>
        %bitcast3A_612 = vector.bitcast %and3A_611 : vector<16xi32> to vector<16xi32>
        tpu.vector_store_idx %arg13[%bitcast3A_612, %iota3A], %broadcast_in_dim3A_397 {add = true} : memref<256x16xi32, #tpu.memory_space<vmem>>[vector<16xi32>, vector<16xi32>], vector<16xi32>,
        %scan3A_613 = arith.constant 0 : i32
        scf.yield %scan3A_613 : i32
      }
      %scan3A_461 = arith.constant 256 : i32
      %scan3A_462 = arith.constant 0 : i32
      %scan3A_463 = arith.constant 0 : i32
      %scan3A_464 = arith.constant 256 : i32
      %scan3A_465 = arith.addi %scan3A_463, %scan3A_464 : i32
      %scan3A_466 = arith.constant 1 : i32
      %scan3A_467 = scf.for %scan3A_603 = %scan3A_463 to %scan3A_465 step %scan3A_466 iter_args(%scan3A_604 = %scan3A_462) -> (i32)  : i32 {
        %get3A = arith.index_cast %scan3A_603 : i32 to index
        %get3A_605 = arith.constant 0 : index
        %get3A_606 = tpu.vector_load %arg13[%get3A, %get3A_605] {strides = array<i32>} : memref<256x16xi32, #tpu.memory_space<vmem>>, vector<16xi32>,
        %broadcast_in_dim3A_607 = arith.constant true
        %broadcast_in_dim3A_608 = vector.broadcast %broadcast_in_dim3A_607 : i1 to vector<16xi1>
        %masked_cumsum3A = tpu.scan <sum>, %get3A_606 masked %broadcast_in_dim3A_608 : vector<16xi32>, vector<16xi1> -> vector<16xi32>
        %swap3A = arith.index_cast %scan3A_603 : i32 to index
        %swap3A_609 = arith.constant 0 : index
        %swap3A_610 = tpu.vector_load %arg14[%swap3A, %swap3A_609] {strides = array<i32>} : memref<256x16xi32, #tpu.memory_space<vmem>>, vector<16xi32>,
        tpu.vector_store %arg14[%swap3A, %swap3A_609], %masked_cumsum3A {strides = array<i32>} : memref<256x16xi32, #tpu.memory_space<vmem>>, vector<16xi32>,
        %scan3A_611 = arith.constant 0 : i32
        scf.yield %scan3A_611 : i32
      }
      %scan3A_468 = arith.constant 256 : i32
      %scan3A_469 = arith.constant 0 : i32
      %scan3A_470 = arith.constant 0 : i32
      %scan3A_471 = arith.constant 16 : i32
      %scan3A_472 = arith.addi %scan3A_470, %scan3A_471 : i32
      %scan3A_473 = arith.constant 1 : i32
      %scan3A_474 = scf.for %scan3A_603 = %scan3A_470 to %scan3A_472 step %scan3A_473 iter_args(%scan3A_604 = %scan3A_469) -> (i32)  : i32 {
        %mul3A_605 = arith.constant 16 : i32
        %mul3A_606 = arith.muli %scan3A_603, %mul3A_605 : i32
        %add3A_607 = vector.broadcast %mul3A_606 : i32 to vector<16xi32>
        %add3A_608 = arith.addi %iota3A, %add3A_607 : vector<16xi32>
        %gather3A = tpu.vector_load_idx %arg14[%add3A_608, %broadcast_in_dim3A_399] : memref<256x16xi32, #tpu.memory_space<vmem>>[vector<16xi32>, vector<16xi32>], vector<16xi32>,
        %broadcast_in_dim3A_609 = arith.constant true
        %broadcast_in_dim3A_610 = vector.broadcast %broadcast_in_dim3A_609 : i1 to vector<16xi1>
        %masked_cumsum3A = tpu.scan <sum>, %gather3A masked %broadcast_in_dim3A_610 : vector<16xi32>, vector<16xi1> -> vector<16xi32>
        %sub3A = arith.subi %masked_cumsum3A, %gather3A : vector<16xi32>
        %add3A_611 = vector.broadcast %scan3A_604 : i32 to vector<16xi32>
        %add3A_612 = arith.addi %sub3A, %add3A_611 : vector<16xi32>
        tpu.vector_store_idx %arg15[%add3A_608], %add3A_612 : memref<256xi32, #tpu.memory_space<vmem>>[vector<16xi32>], vector<16xi32>,
        %reduce_sum3A = arith.constant true
        %reduce_sum3A_613 = vector.broadcast %reduce_sum3A : i1 to vector<16xi1>
        %reduce_sum3A_614 = tpu.scan <sum>, %gather3A masked %reduce_sum3A_613 : vector<16xi32>, vector<16xi1> -> vector<16xi32>
        %reduce_sum3A_615 = vector.extract %reduce_sum3A_614[15] : i32 from vector<16xi32>
        %add3A_616 = arith.addi %scan3A_604, %reduce_sum3A_615 : i32
        scf.yield %add3A_616 : i32
      }
      %scan3A_475 = arith.constant 16 : i32
      %scan3A_476 = arith.constant 0 : i32
      %scan3A_477 = arith.constant 0 : i32
      %scan3A_478 = arith.constant 256 : i32
      %scan3A_479 = arith.addi %scan3A_477, %scan3A_478 : i32
      %scan3A_480 = arith.constant 1 : i32
      %scan3A_481 = scf.for %scan3A_603 = %scan3A_477 to %scan3A_479 step %scan3A_480 iter_args(%scan3A_604 = %scan3A_476) -> (i32)  : i32 {
        %broadcast_in_dim3A_605 = vector.broadcast %scan3A_603 : i32 to vector<16xi32>
        %gather3A = tpu.vector_load_idx %arg15[%broadcast_in_dim3A_605] : memref<256xi32, #tpu.memory_space<vmem>>[vector<16xi32>], vector<16xi32>,
        %get3A = arith.index_cast %scan3A_603 : i32 to index
        %get3A_606 = arith.constant 0 : index
        %get3A_607 = tpu.vector_load %arg14[%get3A, %get3A_606] {strides = array<i32>} : memref<256x16xi32, #tpu.memory_space<vmem>>, vector<16xi32>,
        %get3A_608 = arith.index_cast %scan3A_603 : i32 to index
        %get3A_609 = arith.constant 0 : index
        %get3A_610 = tpu.vector_load %arg13[%get3A_608, %get3A_609] {strides = array<i32>} : memref<256x16xi32, #tpu.memory_space<vmem>>, vector<16xi32>,
        %sub3A = arith.subi %get3A_607, %get3A_610 : vector<16xi32>
        %add3A_611 = arith.addi %sub3A, %gather3A : vector<16xi32>
        %swap3A = arith.index_cast %scan3A_603 : i32 to index
        %swap3A_612 = arith.constant 0 : index
        %swap3A_613 = tpu.vector_load %arg14[%swap3A, %swap3A_612] {strides = array<i32>} : memref<256x16xi32, #tpu.memory_space<vmem>>, vector<16xi32>,
        tpu.vector_store %arg14[%swap3A, %swap3A_612], %add3A_611 {strides = array<i32>} : memref<256x16xi32, #tpu.memory_space<vmem>>, vector<16xi32>,
        %scan3A_614 = arith.constant 0 : i32
        scf.yield %scan3A_614 : i32
      }
      %scan3A_482 = arith.constant 256 : i32
      %scan3A_483 = arith.constant 0 : i32
      %scan3A_484 = arith.constant 0 : i32
      %scan3A_485 = arith.constant 256 : i32
      %scan3A_486 = arith.addi %scan3A_484, %scan3A_485 : i32
      %scan3A_487 = arith.constant 1 : i32
      %scan3A_488 = scf.for %scan3A_603 = %scan3A_484 to %scan3A_486 step %scan3A_487 iter_args(%scan3A_604 = %scan3A_483) -> (i32)  : i32 {
        %add3A_605 = vector.broadcast %scan3A_603 : i32 to vector<16xi32>
        %add3A_606 = arith.addi %mul3A_396, %add3A_605 : vector<16xi32>
        %add3A_607 = arith.addi %add3A_606, %iota3A : vector<16xi32>
        %gather3A = tpu.vector_load_idx %arg10[%add3A_607] : memref<4112xi32, #tpu.memory_space<vmem>>[vector<16xi32>], vector<16xi32>,
        %gather3A_608 = tpu.vector_load_idx %arg12[%add3A_607] : memref<4112xi32, #tpu.memory_space<vmem>>[vector<16xi32>], vector<16xi32>,
        %bitcast3A = vector.bitcast %gather3A : vector<16xi32> to vector<16xi32>
        %shift_right_logical3A = arith.constant 8 : i32
        %shift_right_logical3A_609 = vector.broadcast %shift_right_logical3A : i32 to vector<16xi32>
        %shift_right_logical3A_610 = arith.shrui %bitcast3A, %shift_right_logical3A_609 : vector<16xi32>
        %and3A = arith.constant 255 : i32
        %and3A_611 = vector.broadcast %and3A : i32 to vector<16xi32>
        %and3A_612 = arith.andi %shift_right_logical3A_610, %and3A_611 : vector<16xi32>
        %bitcast3A_613 = vector.bitcast %and3A_612 : vector<16xi32> to vector<16xi32>
        %gather3A_614 = tpu.vector_load_idx %arg14[%bitcast3A_613, %iota3A] : memref<256x16xi32, #tpu.memory_space<vmem>>[vector<16xi32>, vector<16xi32>], vector<16xi32>,
        %shift_right_arithmetic3A = arith.constant 8 : i32
        %shift_right_arithmetic3A_615 = vector.broadcast %shift_right_arithmetic3A : i32 to vector<16xi32>
        %shift_right_arithmetic3A_616 = arith.shrsi %gather3A_614, %shift_right_arithmetic3A_615 : vector<16xi32>
        %add3A_617 = arith.addi %gather3A_614, %shift_right_arithmetic3A_616 : vector<16xi32>
        tpu.vector_store_idx %arg9[%add3A_617], %gather3A : memref<4112xi32, #tpu.memory_space<vmem>>[vector<16xi32>], vector<16xi32>,
        tpu.vector_store_idx %arg11[%add3A_617], %gather3A_608 : memref<4112xi32, #tpu.memory_space<vmem>>[vector<16xi32>], vector<16xi32>,
        tpu.vector_store_idx %arg14[%bitcast3A_613, %iota3A], %broadcast_in_dim3A_397 {add = true} : memref<256x16xi32, #tpu.memory_space<vmem>>[vector<16xi32>, vector<16xi32>], vector<16xi32>,
        %scan3A_618 = arith.constant 0 : i32
        scf.yield %scan3A_618 : i32
      }
      %scan3A_489 = arith.constant 256 : i32
      %scan3A_490 = arith.constant 0 : i32
      %scan3A_491 = arith.constant 0 : i32
      %scan3A_492 = arith.constant 256 : i32
      %scan3A_493 = arith.addi %scan3A_491, %scan3A_492 : i32
      %scan3A_494 = arith.constant 1 : i32
      %scan3A_495 = scf.for %scan3A_603 = %scan3A_491 to %scan3A_493 step %scan3A_494 iter_args(%scan3A_604 = %scan3A_490) -> (i32)  : i32 {
        %broadcast_in_dim3A_605 = arith.constant 0 : i32
        %broadcast_in_dim3A_606 = vector.broadcast %broadcast_in_dim3A_605 : i32 to vector<16xi32>
        %swap3A = arith.index_cast %scan3A_603 : i32 to index
        %swap3A_607 = arith.constant 0 : index
        %swap3A_608 = tpu.vector_load %arg13[%swap3A, %swap3A_607] {strides = array<i32>} : memref<256x16xi32, #tpu.memory_space<vmem>>, vector<16xi32>,
        tpu.vector_store %arg13[%swap3A, %swap3A_607], %broadcast_in_dim3A_606 {strides = array<i32>} : memref<256x16xi32, #tpu.memory_space<vmem>>, vector<16xi32>,
        %scan3A_609 = arith.constant 0 : i32
        scf.yield %scan3A_609 : i32
      }
      %scan3A_496 = arith.constant 256 : i32
      %scan3A_497 = arith.constant 0 : i32
      %scan3A_498 = arith.constant 0 : i32
      %scan3A_499 = arith.constant 256 : i32
      %scan3A_500 = arith.addi %scan3A_498, %scan3A_499 : i32
      %scan3A_501 = arith.constant 1 : i32
      %scan3A_502 = scf.for %scan3A_603 = %scan3A_498 to %scan3A_500 step %scan3A_501 iter_args(%scan3A_604 = %scan3A_497) -> (i32)  : i32 {
        %add3A_605 = vector.broadcast %scan3A_603 : i32 to vector<16xi32>
        %add3A_606 = arith.addi %mul3A_396, %add3A_605 : vector<16xi32>
        %add3A_607 = arith.addi %add3A_606, %iota3A : vector<16xi32>
        %gather3A = tpu.vector_load_idx %arg9[%add3A_607] : memref<4112xi32, #tpu.memory_space<vmem>>[vector<16xi32>], vector<16xi32>,
        %bitcast3A = vector.bitcast %gather3A : vector<16xi32> to vector<16xi32>
        %shift_right_logical3A = arith.constant 16 : i32
        %shift_right_logical3A_608 = vector.broadcast %shift_right_logical3A : i32 to vector<16xi32>
        %shift_right_logical3A_609 = arith.shrui %bitcast3A, %shift_right_logical3A_608 : vector<16xi32>
        %and3A = arith.constant 255 : i32
        %and3A_610 = vector.broadcast %and3A : i32 to vector<16xi32>
        %and3A_611 = arith.andi %shift_right_logical3A_609, %and3A_610 : vector<16xi32>
        %bitcast3A_612 = vector.bitcast %and3A_611 : vector<16xi32> to vector<16xi32>
        tpu.vector_store_idx %arg13[%bitcast3A_612, %iota3A], %broadcast_in_dim3A_397 {add = true} : memref<256x16xi32, #tpu.memory_space<vmem>>[vector<16xi32>, vector<16xi32>], vector<16xi32>,
        %scan3A_613 = arith.constant 0 : i32
        scf.yield %scan3A_613 : i32
      }
      %scan3A_503 = arith.constant 256 : i32
      %scan3A_504 = arith.constant 0 : i32
      %scan3A_505 = arith.constant 0 : i32
      %scan3A_506 = arith.constant 256 : i32
      %scan3A_507 = arith.addi %scan3A_505, %scan3A_506 : i32
      %scan3A_508 = arith.constant 1 : i32
      %scan3A_509 = scf.for %scan3A_603 = %scan3A_505 to %scan3A_507 step %scan3A_508 iter_args(%scan3A_604 = %scan3A_504) -> (i32)  : i32 {
        %get3A = arith.index_cast %scan3A_603 : i32 to index
        %get3A_605 = arith.constant 0 : index
        %get3A_606 = tpu.vector_load %arg13[%get3A, %get3A_605] {strides = array<i32>} : memref<256x16xi32, #tpu.memory_space<vmem>>, vector<16xi32>,
        %broadcast_in_dim3A_607 = arith.constant true
        %broadcast_in_dim3A_608 = vector.broadcast %broadcast_in_dim3A_607 : i1 to vector<16xi1>
        %masked_cumsum3A = tpu.scan <sum>, %get3A_606 masked %broadcast_in_dim3A_608 : vector<16xi32>, vector<16xi1> -> vector<16xi32>
        %swap3A = arith.index_cast %scan3A_603 : i32 to index
        %swap3A_609 = arith.constant 0 : index
        %swap3A_610 = tpu.vector_load %arg14[%swap3A, %swap3A_609] {strides = array<i32>} : memref<256x16xi32, #tpu.memory_space<vmem>>, vector<16xi32>,
        tpu.vector_store %arg14[%swap3A, %swap3A_609], %masked_cumsum3A {strides = array<i32>} : memref<256x16xi32, #tpu.memory_space<vmem>>, vector<16xi32>,
        %scan3A_611 = arith.constant 0 : i32
        scf.yield %scan3A_611 : i32
      }
      %scan3A_510 = arith.constant 256 : i32
      %scan3A_511 = arith.constant 0 : i32
      %scan3A_512 = arith.constant 0 : i32
      %scan3A_513 = arith.constant 16 : i32
      %scan3A_514 = arith.addi %scan3A_512, %scan3A_513 : i32
      %scan3A_515 = arith.constant 1 : i32
      %scan3A_516 = scf.for %scan3A_603 = %scan3A_512 to %scan3A_514 step %scan3A_515 iter_args(%scan3A_604 = %scan3A_511) -> (i32)  : i32 {
        %mul3A_605 = arith.constant 16 : i32
        %mul3A_606 = arith.muli %scan3A_603, %mul3A_605 : i32
        %add3A_607 = vector.broadcast %mul3A_606 : i32 to vector<16xi32>
        %add3A_608 = arith.addi %iota3A, %add3A_607 : vector<16xi32>
        %gather3A = tpu.vector_load_idx %arg14[%add3A_608, %broadcast_in_dim3A_399] : memref<256x16xi32, #tpu.memory_space<vmem>>[vector<16xi32>, vector<16xi32>], vector<16xi32>,
        %broadcast_in_dim3A_609 = arith.constant true
        %broadcast_in_dim3A_610 = vector.broadcast %broadcast_in_dim3A_609 : i1 to vector<16xi1>
        %masked_cumsum3A = tpu.scan <sum>, %gather3A masked %broadcast_in_dim3A_610 : vector<16xi32>, vector<16xi1> -> vector<16xi32>
        %sub3A = arith.subi %masked_cumsum3A, %gather3A : vector<16xi32>
        %add3A_611 = vector.broadcast %scan3A_604 : i32 to vector<16xi32>
        %add3A_612 = arith.addi %sub3A, %add3A_611 : vector<16xi32>
        tpu.vector_store_idx %arg15[%add3A_608], %add3A_612 : memref<256xi32, #tpu.memory_space<vmem>>[vector<16xi32>], vector<16xi32>,
        %reduce_sum3A = arith.constant true
        %reduce_sum3A_613 = vector.broadcast %reduce_sum3A : i1 to vector<16xi1>
        %reduce_sum3A_614 = tpu.scan <sum>, %gather3A masked %reduce_sum3A_613 : vector<16xi32>, vector<16xi1> -> vector<16xi32>
        %reduce_sum3A_615 = vector.extract %reduce_sum3A_614[15] : i32 from vector<16xi32>
        %add3A_616 = arith.addi %scan3A_604, %reduce_sum3A_615 : i32
        scf.yield %add3A_616 : i32
      }
      %scan3A_517 = arith.constant 16 : i32
      %scan3A_518 = arith.constant 0 : i32
      %scan3A_519 = arith.constant 0 : i32
      %scan3A_520 = arith.constant 256 : i32
      %scan3A_521 = arith.addi %scan3A_519, %scan3A_520 : i32
      %scan3A_522 = arith.constant 1 : i32
      %scan3A_523 = scf.for %scan3A_603 = %scan3A_519 to %scan3A_521 step %scan3A_522 iter_args(%scan3A_604 = %scan3A_518) -> (i32)  : i32 {
        %broadcast_in_dim3A_605 = vector.broadcast %scan3A_603 : i32 to vector<16xi32>
        %gather3A = tpu.vector_load_idx %arg15[%broadcast_in_dim3A_605] : memref<256xi32, #tpu.memory_space<vmem>>[vector<16xi32>], vector<16xi32>,
        %get3A = arith.index_cast %scan3A_603 : i32 to index
        %get3A_606 = arith.constant 0 : index
        %get3A_607 = tpu.vector_load %arg14[%get3A, %get3A_606] {strides = array<i32>} : memref<256x16xi32, #tpu.memory_space<vmem>>, vector<16xi32>,
        %get3A_608 = arith.index_cast %scan3A_603 : i32 to index
        %get3A_609 = arith.constant 0 : index
        %get3A_610 = tpu.vector_load %arg13[%get3A_608, %get3A_609] {strides = array<i32>} : memref<256x16xi32, #tpu.memory_space<vmem>>, vector<16xi32>,
        %sub3A = arith.subi %get3A_607, %get3A_610 : vector<16xi32>
        %add3A_611 = arith.addi %sub3A, %gather3A : vector<16xi32>
        %swap3A = arith.index_cast %scan3A_603 : i32 to index
        %swap3A_612 = arith.constant 0 : index
        %swap3A_613 = tpu.vector_load %arg14[%swap3A, %swap3A_612] {strides = array<i32>} : memref<256x16xi32, #tpu.memory_space<vmem>>, vector<16xi32>,
        tpu.vector_store %arg14[%swap3A, %swap3A_612], %add3A_611 {strides = array<i32>} : memref<256x16xi32, #tpu.memory_space<vmem>>, vector<16xi32>,
        %scan3A_614 = arith.constant 0 : i32
        scf.yield %scan3A_614 : i32
      }
      %scan3A_524 = arith.constant 256 : i32
      %scan3A_525 = arith.constant 0 : i32
      %scan3A_526 = arith.constant 0 : i32
      %scan3A_527 = arith.constant 256 : i32
      %scan3A_528 = arith.addi %scan3A_526, %scan3A_527 : i32
      %scan3A_529 = arith.constant 1 : i32
      %scan3A_530 = scf.for %scan3A_603 = %scan3A_526 to %scan3A_528 step %scan3A_529 iter_args(%scan3A_604 = %scan3A_525) -> (i32)  : i32 {
        %add3A_605 = vector.broadcast %scan3A_603 : i32 to vector<16xi32>
        %add3A_606 = arith.addi %mul3A_396, %add3A_605 : vector<16xi32>
        %add3A_607 = arith.addi %add3A_606, %iota3A : vector<16xi32>
        %gather3A = tpu.vector_load_idx %arg9[%add3A_607] : memref<4112xi32, #tpu.memory_space<vmem>>[vector<16xi32>], vector<16xi32>,
        %gather3A_608 = tpu.vector_load_idx %arg11[%add3A_607] : memref<4112xi32, #tpu.memory_space<vmem>>[vector<16xi32>], vector<16xi32>,
        %bitcast3A = vector.bitcast %gather3A : vector<16xi32> to vector<16xi32>
        %shift_right_logical3A = arith.constant 16 : i32
        %shift_right_logical3A_609 = vector.broadcast %shift_right_logical3A : i32 to vector<16xi32>
        %shift_right_logical3A_610 = arith.shrui %bitcast3A, %shift_right_logical3A_609 : vector<16xi32>
        %and3A = arith.constant 255 : i32
        %and3A_611 = vector.broadcast %and3A : i32 to vector<16xi32>
        %and3A_612 = arith.andi %shift_right_logical3A_610, %and3A_611 : vector<16xi32>
        %bitcast3A_613 = vector.bitcast %and3A_612 : vector<16xi32> to vector<16xi32>
        %gather3A_614 = tpu.vector_load_idx %arg14[%bitcast3A_613, %iota3A] : memref<256x16xi32, #tpu.memory_space<vmem>>[vector<16xi32>, vector<16xi32>], vector<16xi32>,
        %shift_right_arithmetic3A = arith.constant 8 : i32
        %shift_right_arithmetic3A_615 = vector.broadcast %shift_right_arithmetic3A : i32 to vector<16xi32>
        %shift_right_arithmetic3A_616 = arith.shrsi %gather3A_614, %shift_right_arithmetic3A_615 : vector<16xi32>
        %add3A_617 = arith.addi %gather3A_614, %shift_right_arithmetic3A_616 : vector<16xi32>
        tpu.vector_store_idx %arg10[%add3A_617], %gather3A : memref<4112xi32, #tpu.memory_space<vmem>>[vector<16xi32>], vector<16xi32>,
        tpu.vector_store_idx %arg12[%add3A_617], %gather3A_608 : memref<4112xi32, #tpu.memory_space<vmem>>[vector<16xi32>], vector<16xi32>,
        tpu.vector_store_idx %arg14[%bitcast3A_613, %iota3A], %broadcast_in_dim3A_397 {add = true} : memref<256x16xi32, #tpu.memory_space<vmem>>[vector<16xi32>, vector<16xi32>], vector<16xi32>,
        %scan3A_618 = arith.constant 0 : i32
        scf.yield %scan3A_618 : i32
      }
      %scan3A_531 = arith.constant 256 : i32
      %scan3A_532 = arith.constant 0 : i32
      %scan3A_533 = arith.constant 0 : i32
      %scan3A_534 = arith.constant 256 : i32
      %scan3A_535 = arith.addi %scan3A_533, %scan3A_534 : i32
      %scan3A_536 = arith.constant 1 : i32
      %scan3A_537 = scf.for %scan3A_603 = %scan3A_533 to %scan3A_535 step %scan3A_536 iter_args(%scan3A_604 = %scan3A_532) -> (i32)  : i32 {
        %broadcast_in_dim3A_605 = arith.constant 0 : i32
        %broadcast_in_dim3A_606 = vector.broadcast %broadcast_in_dim3A_605 : i32 to vector<16xi32>
        %swap3A = arith.index_cast %scan3A_603 : i32 to index
        %swap3A_607 = arith.constant 0 : index
        %swap3A_608 = tpu.vector_load %arg13[%swap3A, %swap3A_607] {strides = array<i32>} : memref<256x16xi32, #tpu.memory_space<vmem>>, vector<16xi32>,
        tpu.vector_store %arg13[%swap3A, %swap3A_607], %broadcast_in_dim3A_606 {strides = array<i32>} : memref<256x16xi32, #tpu.memory_space<vmem>>, vector<16xi32>,
        %scan3A_609 = arith.constant 0 : i32
        scf.yield %scan3A_609 : i32
      }
      %scan3A_538 = arith.constant 256 : i32
      %scan3A_539 = arith.constant 0 : i32
      %scan3A_540 = arith.constant 0 : i32
      %scan3A_541 = arith.constant 256 : i32
      %scan3A_542 = arith.addi %scan3A_540, %scan3A_541 : i32
      %scan3A_543 = arith.constant 1 : i32
      %scan3A_544 = scf.for %scan3A_603 = %scan3A_540 to %scan3A_542 step %scan3A_543 iter_args(%scan3A_604 = %scan3A_539) -> (i32)  : i32 {
        %add3A_605 = vector.broadcast %scan3A_603 : i32 to vector<16xi32>
        %add3A_606 = arith.addi %mul3A_396, %add3A_605 : vector<16xi32>
        %add3A_607 = arith.addi %add3A_606, %iota3A : vector<16xi32>
        %gather3A = tpu.vector_load_idx %arg10[%add3A_607] : memref<4112xi32, #tpu.memory_space<vmem>>[vector<16xi32>], vector<16xi32>,
        %bitcast3A = vector.bitcast %gather3A : vector<16xi32> to vector<16xi32>
        %shift_right_logical3A = arith.constant 24 : i32
        %shift_right_logical3A_608 = vector.broadcast %shift_right_logical3A : i32 to vector<16xi32>
        %shift_right_logical3A_609 = arith.shrui %bitcast3A, %shift_right_logical3A_608 : vector<16xi32>
        %and3A = arith.constant 255 : i32
        %and3A_610 = vector.broadcast %and3A : i32 to vector<16xi32>
        %and3A_611 = arith.andi %shift_right_logical3A_609, %and3A_610 : vector<16xi32>
        %bitcast3A_612 = vector.bitcast %and3A_611 : vector<16xi32> to vector<16xi32>
        tpu.vector_store_idx %arg13[%bitcast3A_612, %iota3A], %broadcast_in_dim3A_397 {add = true} : memref<256x16xi32, #tpu.memory_space<vmem>>[vector<16xi32>, vector<16xi32>], vector<16xi32>,
        %scan3A_613 = arith.constant 0 : i32
        scf.yield %scan3A_613 : i32
      }
      %scan3A_545 = arith.constant 256 : i32
      %scan3A_546 = arith.constant 0 : i32
      %scan3A_547 = arith.constant 0 : i32
      %scan3A_548 = arith.constant 256 : i32
      %scan3A_549 = arith.addi %scan3A_547, %scan3A_548 : i32
      %scan3A_550 = arith.constant 1 : i32
      %scan3A_551 = scf.for %scan3A_603 = %scan3A_547 to %scan3A_549 step %scan3A_550 iter_args(%scan3A_604 = %scan3A_546) -> (i32)  : i32 {
        %get3A = arith.index_cast %scan3A_603 : i32 to index
        %get3A_605 = arith.constant 0 : index
        %get3A_606 = tpu.vector_load %arg13[%get3A, %get3A_605] {strides = array<i32>} : memref<256x16xi32, #tpu.memory_space<vmem>>, vector<16xi32>,
        %broadcast_in_dim3A_607 = arith.constant true
        %broadcast_in_dim3A_608 = vector.broadcast %broadcast_in_dim3A_607 : i1 to vector<16xi1>
        %masked_cumsum3A = tpu.scan <sum>, %get3A_606 masked %broadcast_in_dim3A_608 : vector<16xi32>, vector<16xi1> -> vector<16xi32>
        %swap3A = arith.index_cast %scan3A_603 : i32 to index
        %swap3A_609 = arith.constant 0 : index
        %swap3A_610 = tpu.vector_load %arg14[%swap3A, %swap3A_609] {strides = array<i32>} : memref<256x16xi32, #tpu.memory_space<vmem>>, vector<16xi32>,
        tpu.vector_store %arg14[%swap3A, %swap3A_609], %masked_cumsum3A {strides = array<i32>} : memref<256x16xi32, #tpu.memory_space<vmem>>, vector<16xi32>,
        %scan3A_611 = arith.constant 0 : i32
        scf.yield %scan3A_611 : i32
      }
      %scan3A_552 = arith.constant 256 : i32
      %scan3A_553 = arith.constant 0 : i32
      %scan3A_554 = arith.constant 0 : i32
      %scan3A_555 = arith.constant 16 : i32
      %scan3A_556 = arith.addi %scan3A_554, %scan3A_555 : i32
      %scan3A_557 = arith.constant 1 : i32
      %scan3A_558 = scf.for %scan3A_603 = %scan3A_554 to %scan3A_556 step %scan3A_557 iter_args(%scan3A_604 = %scan3A_553) -> (i32)  : i32 {
        %mul3A_605 = arith.constant 16 : i32
        %mul3A_606 = arith.muli %scan3A_603, %mul3A_605 : i32
        %add3A_607 = vector.broadcast %mul3A_606 : i32 to vector<16xi32>
        %add3A_608 = arith.addi %iota3A, %add3A_607 : vector<16xi32>
        %gather3A = tpu.vector_load_idx %arg14[%add3A_608, %broadcast_in_dim3A_399] : memref<256x16xi32, #tpu.memory_space<vmem>>[vector<16xi32>, vector<16xi32>], vector<16xi32>,
        %broadcast_in_dim3A_609 = arith.constant true
        %broadcast_in_dim3A_610 = vector.broadcast %broadcast_in_dim3A_609 : i1 to vector<16xi1>
        %masked_cumsum3A = tpu.scan <sum>, %gather3A masked %broadcast_in_dim3A_610 : vector<16xi32>, vector<16xi1> -> vector<16xi32>
        %sub3A = arith.subi %masked_cumsum3A, %gather3A : vector<16xi32>
        %add3A_611 = vector.broadcast %scan3A_604 : i32 to vector<16xi32>
        %add3A_612 = arith.addi %sub3A, %add3A_611 : vector<16xi32>
        tpu.vector_store_idx %arg15[%add3A_608], %add3A_612 : memref<256xi32, #tpu.memory_space<vmem>>[vector<16xi32>], vector<16xi32>,
        %reduce_sum3A = arith.constant true
        %reduce_sum3A_613 = vector.broadcast %reduce_sum3A : i1 to vector<16xi1>
        %reduce_sum3A_614 = tpu.scan <sum>, %gather3A masked %reduce_sum3A_613 : vector<16xi32>, vector<16xi1> -> vector<16xi32>
        %reduce_sum3A_615 = vector.extract %reduce_sum3A_614[15] : i32 from vector<16xi32>
        %add3A_616 = arith.addi %scan3A_604, %reduce_sum3A_615 : i32
        scf.yield %add3A_616 : i32
      }
      %scan3A_559 = arith.constant 16 : i32
      %scan3A_560 = arith.constant 0 : i32
      %scan3A_561 = arith.constant 0 : i32
      %scan3A_562 = arith.constant 256 : i32
      %scan3A_563 = arith.addi %scan3A_561, %scan3A_562 : i32
      %scan3A_564 = arith.constant 1 : i32
      %scan3A_565 = scf.for %scan3A_603 = %scan3A_561 to %scan3A_563 step %scan3A_564 iter_args(%scan3A_604 = %scan3A_560) -> (i32)  : i32 {
        %broadcast_in_dim3A_605 = vector.broadcast %scan3A_603 : i32 to vector<16xi32>
        %gather3A = tpu.vector_load_idx %arg15[%broadcast_in_dim3A_605] : memref<256xi32, #tpu.memory_space<vmem>>[vector<16xi32>], vector<16xi32>,
        %get3A = arith.index_cast %scan3A_603 : i32 to index
        %get3A_606 = arith.constant 0 : index
        %get3A_607 = tpu.vector_load %arg14[%get3A, %get3A_606] {strides = array<i32>} : memref<256x16xi32, #tpu.memory_space<vmem>>, vector<16xi32>,
        %get3A_608 = arith.index_cast %scan3A_603 : i32 to index
        %get3A_609 = arith.constant 0 : index
        %get3A_610 = tpu.vector_load %arg13[%get3A_608, %get3A_609] {strides = array<i32>} : memref<256x16xi32, #tpu.memory_space<vmem>>, vector<16xi32>,
        %sub3A = arith.subi %get3A_607, %get3A_610 : vector<16xi32>
        %add3A_611 = arith.addi %sub3A, %gather3A : vector<16xi32>
        %swap3A = arith.index_cast %scan3A_603 : i32 to index
        %swap3A_612 = arith.constant 0 : index
        %swap3A_613 = tpu.vector_load %arg14[%swap3A, %swap3A_612] {strides = array<i32>} : memref<256x16xi32, #tpu.memory_space<vmem>>, vector<16xi32>,
        tpu.vector_store %arg14[%swap3A, %swap3A_612], %add3A_611 {strides = array<i32>} : memref<256x16xi32, #tpu.memory_space<vmem>>, vector<16xi32>,
        %scan3A_614 = arith.constant 0 : i32
        scf.yield %scan3A_614 : i32
      }
      %scan3A_566 = arith.constant 256 : i32
      %scan3A_567 = arith.constant 0 : i32
      %scan3A_568 = arith.constant 0 : i32
      %scan3A_569 = arith.constant 256 : i32
      %scan3A_570 = arith.addi %scan3A_568, %scan3A_569 : i32
      %scan3A_571 = arith.constant 1 : i32
      %scan3A_572 = scf.for %scan3A_603 = %scan3A_568 to %scan3A_570 step %scan3A_571 iter_args(%scan3A_604 = %scan3A_567) -> (i32)  : i32 {
        %add3A_605 = vector.broadcast %scan3A_603 : i32 to vector<16xi32>
        %add3A_606 = arith.addi %mul3A_396, %add3A_605 : vector<16xi32>
        %add3A_607 = arith.addi %add3A_606, %iota3A : vector<16xi32>
        %gather3A = tpu.vector_load_idx %arg10[%add3A_607] : memref<4112xi32, #tpu.memory_space<vmem>>[vector<16xi32>], vector<16xi32>,
        %gather3A_608 = tpu.vector_load_idx %arg12[%add3A_607] : memref<4112xi32, #tpu.memory_space<vmem>>[vector<16xi32>], vector<16xi32>,
        %bitcast3A = vector.bitcast %gather3A : vector<16xi32> to vector<16xi32>
        %shift_right_logical3A = arith.constant 24 : i32
        %shift_right_logical3A_609 = vector.broadcast %shift_right_logical3A : i32 to vector<16xi32>
        %shift_right_logical3A_610 = arith.shrui %bitcast3A, %shift_right_logical3A_609 : vector<16xi32>
        %and3A = arith.constant 255 : i32
        %and3A_611 = vector.broadcast %and3A : i32 to vector<16xi32>
        %and3A_612 = arith.andi %shift_right_logical3A_610, %and3A_611 : vector<16xi32>
        %bitcast3A_613 = vector.bitcast %and3A_612 : vector<16xi32> to vector<16xi32>
        %gather3A_614 = tpu.vector_load_idx %arg14[%bitcast3A_613, %iota3A] : memref<256x16xi32, #tpu.memory_space<vmem>>[vector<16xi32>, vector<16xi32>], vector<16xi32>,
        %shift_right_arithmetic3A = arith.constant 8 : i32
        %shift_right_arithmetic3A_615 = vector.broadcast %shift_right_arithmetic3A : i32 to vector<16xi32>
        %shift_right_arithmetic3A_616 = arith.shrsi %gather3A_614, %shift_right_arithmetic3A_615 : vector<16xi32>
        %add3A_617 = arith.addi %gather3A_614, %shift_right_arithmetic3A_616 : vector<16xi32>
        tpu.vector_store_idx %arg9[%add3A_617], %gather3A : memref<4112xi32, #tpu.memory_space<vmem>>[vector<16xi32>], vector<16xi32>,
        tpu.vector_store_idx %arg11[%add3A_617], %gather3A_608 : memref<4112xi32, #tpu.memory_space<vmem>>[vector<16xi32>], vector<16xi32>,
        tpu.vector_store_idx %arg14[%bitcast3A_613, %iota3A], %broadcast_in_dim3A_397 {add = true} : memref<256x16xi32, #tpu.memory_space<vmem>>[vector<16xi32>, vector<16xi32>], vector<16xi32>,
        %scan3A_618 = arith.constant 0 : i32
        scf.yield %scan3A_618 : i32
      }
      %scan3A_573 = arith.constant 256 : i32
      %scan3A_574 = arith.constant 0 : i32
      %scan3A_575 = arith.constant 0 : i32
      %scan3A_576 = arith.constant 128 : i32
      %scan3A_577 = arith.addi %scan3A_575, %scan3A_576 : i32
      %scan3A_578 = arith.constant 1 : i32
      %scan3A_579 = scf.for %scan3A_603 = %scan3A_575 to %scan3A_577 step %scan3A_578 iter_args(%scan3A_604 = %scan3A_574) -> (i32)  : i32 {
        %mul3A_605 = arith.constant 16 : i32
        %mul3A_606 = arith.muli %scan3A_603, %mul3A_605 : i32
        %add3A_607 = vector.broadcast %mul3A_606 : i32 to vector<16xi32>
        %add3A_608 = arith.addi %iota3A, %add3A_607 : vector<16xi32>
        %shift_right_arithmetic3A = arith.constant 8 : i32
        %shift_right_arithmetic3A_609 = vector.broadcast %shift_right_arithmetic3A : i32 to vector<16xi32>
        %shift_right_arithmetic3A_610 = arith.shrsi %add3A_608, %shift_right_arithmetic3A_609 : vector<16xi32>
        %add3A_611 = arith.addi %add3A_608, %shift_right_arithmetic3A_610 : vector<16xi32>
        %gather3A = tpu.vector_load_idx %arg9[%add3A_611] : memref<4112xi32, #tpu.memory_space<vmem>>[vector<16xi32>], vector<16xi32>,
        %gather3A_612 = tpu.vector_load_idx %arg11[%add3A_611] : memref<4112xi32, #tpu.memory_space<vmem>>[vector<16xi32>], vector<16xi32>,
        %shift_right_arithmetic3A_613 = arith.constant 31 : i32
        %shift_right_arithmetic3A_614 = vector.broadcast %shift_right_arithmetic3A_613 : i32 to vector<16xi32>
        %shift_right_arithmetic3A_615 = arith.shrsi %gather3A, %shift_right_arithmetic3A_614 : vector<16xi32>
        %not3A = arith.constant dense<-1> : vector<16xi32>
        %not3A_616 = arith.xori %shift_right_arithmetic3A_615, %not3A : vector<16xi32>
        %and3A = arith.constant 2147483647 : i32
        %and3A_617 = vector.broadcast %and3A : i32 to vector<16xi32>
        %and3A_618 = arith.andi %not3A_616, %and3A_617 : vector<16xi32>
        %xor3A = arith.xori %gather3A, %and3A_618 : vector<16xi32>
        %bitcast3A = vector.bitcast %xor3A : vector<16xi32> to vector<16xf32>
        %mul3A_619 = arith.constant 16 : i32
        %mul3A_620 = arith.muli %scan3A_603, %mul3A_619 : i32
        %swap3A = arith.index_cast %mul3A_620 : i32 to index
        %swap3A_621 = tpu.vector_load %arg8[%swap3A] {strides = array<i32>} : memref<4096xf32, #tpu.memory_space<vmem>>, vector<16xf32>,
        tpu.vector_store %arg8[%swap3A], %bitcast3A {strides = array<i32>} : memref<4096xf32, #tpu.memory_space<vmem>>, vector<16xf32>,
        %mul3A_622 = arith.constant 16 : i32
        %mul3A_623 = arith.muli %scan3A_603, %mul3A_622 : i32
        %swap3A_624 = arith.index_cast %mul3A_623 : i32 to index
        %swap3A_625 = tpu.vector_load %arg16[%swap3A_624] {strides = array<i32>} : memref<2048xi32, #tpu.memory_space<vmem>>, vector<16xi32>,
        tpu.vector_store %arg16[%swap3A_624], %gather3A_612 {strides = array<i32>} : memref<2048xi32, #tpu.memory_space<vmem>>, vector<16xi32>,
        %scan3A_626 = arith.constant 0 : i32
        scf.yield %scan3A_626 : i32
      }
      %scan3A_580 = arith.constant 128 : i32
      %mul3A_581 = arith.constant 2048 : i32
      %mul3A_582 = arith.muli %add3A_391, %mul3A_581 : i32
      "tpu.region"() ({
        %run_scoped3A = tpu.sem_alloc : memref<!tpu.dma_semaphore, #tpu.memory_space<semaphore_mem>>
        %dma_start3A_603 = arith.constant 0 : i32
        %dma_start3A_604 = tpu.memref_slice %arg8[%dma_start3A_603] : memref<4096xf32, #tpu.memory_space<vmem>> -> memref<2048xf32, #tpu.memory_space<vmem>>
        %dma_start3A_605 = tpu.memref_slice %arg7[%mul3A_582] : memref<8192xf32, #tpu.memory_space<hbm>> -> memref<2048xf32, #tpu.memory_space<hbm>>
        %dma_start3A_606 = tpu.memref_slice %arg7[%mul3A_582] : memref<8192xf32, #tpu.memory_space<hbm>> -> memref<2048xf32, #tpu.memory_space<hbm>>
        %dma_start3A_607 = arith.constant 0 : i32
        %dma_start3A_608 = tpu.memref_slice %arg8[%dma_start3A_607] : memref<4096xf32, #tpu.memory_space<vmem>> -> memref<2048xf32, #tpu.memory_space<vmem>>
        tpu.enqueue_dma source(%dma_start3A_608 : memref<2048xf32, #tpu.memory_space<vmem>>) target(%dma_start3A_606 : memref<2048xf32, #tpu.memory_space<hbm>>) target_semaphore(%run_scoped3A : memref<!tpu.dma_semaphore, #tpu.memory_space<semaphore_mem>>)
        %dma_wait3A_609 = arith.constant 0 : i32
        %dma_wait3A_610 = tpu.memref_slice %arg8[%dma_wait3A_609] : memref<4096xf32, #tpu.memory_space<vmem>> -> memref<2048xf32, #tpu.memory_space<vmem>>
        %dma_wait3A_611 = tpu.memref_slice %arg7[%mul3A_582] : memref<8192xf32, #tpu.memory_space<hbm>> -> memref<2048xf32, #tpu.memory_space<hbm>>
        %dma_wait3A_612 = tpu.memref_slice %arg7[%mul3A_582] : memref<8192xf32, #tpu.memory_space<hbm>> -> memref<2048xf32, #tpu.memory_space<hbm>>
        %dma_wait3A_613 = arith.constant 0 : i32
        %dma_wait3A_614 = tpu.memref_slice %arg8[%dma_wait3A_613] : memref<4096xf32, #tpu.memory_space<vmem>> -> memref<2048xf32, #tpu.memory_space<vmem>>
        tpu.wait_dma2 semaphore(%run_scoped3A : memref<!tpu.dma_semaphore, #tpu.memory_space<semaphore_mem>>) src(%dma_wait3A_614 : memref<2048xf32, #tpu.memory_space<vmem>>) dst(%dma_wait3A_612 : memref<2048xf32, #tpu.memory_space<hbm>>)
        tpu.yield
      }) : () -> ()
      %mul3A_583 = arith.constant 2048 : i32
      %mul3A_584 = arith.muli %add3A_391, %mul3A_583 : i32
      "tpu.region"() ({
        %run_scoped3A = tpu.sem_alloc : memref<!tpu.dma_semaphore, #tpu.memory_space<semaphore_mem>>
        %dma_start3A_603 = tpu.memref_slice %arg6[%mul3A_584] : memref<8192xi32, #tpu.memory_space<hbm>> -> memref<2048xi32, #tpu.memory_space<hbm>>
        %dma_start3A_604 = tpu.memref_slice %arg6[%mul3A_584] : memref<8192xi32, #tpu.memory_space<hbm>> -> memref<2048xi32, #tpu.memory_space<hbm>>
        tpu.enqueue_dma source(%arg16 : memref<2048xi32, #tpu.memory_space<vmem>>) target(%dma_start3A_604 : memref<2048xi32, #tpu.memory_space<hbm>>) target_semaphore(%run_scoped3A : memref<!tpu.dma_semaphore, #tpu.memory_space<semaphore_mem>>)
        %dma_wait3A_605 = tpu.memref_slice %arg6[%mul3A_584] : memref<8192xi32, #tpu.memory_space<hbm>> -> memref<2048xi32, #tpu.memory_space<hbm>>
        %dma_wait3A_606 = tpu.memref_slice %arg6[%mul3A_584] : memref<8192xi32, #tpu.memory_space<hbm>> -> memref<2048xi32, #tpu.memory_space<hbm>>
        tpu.wait_dma2 semaphore(%run_scoped3A : memref<!tpu.dma_semaphore, #tpu.memory_space<semaphore_mem>>) src(%arg16 : memref<2048xi32, #tpu.memory_space<vmem>>) dst(%dma_wait3A_606 : memref<2048xi32, #tpu.memory_space<hbm>>)
        tpu.yield
      }) : () -> ()
      %scan3A_585 = arith.constant 0 : i32
      %scan3A_586 = arith.constant 0 : i32
      %scan3A_587 = arith.constant 128 : i32
      %scan3A_588 = arith.addi %scan3A_586, %scan3A_587 : i32
      %scan3A_589 = arith.constant 1 : i32
      %scan3A_590 = scf.for %scan3A_603 = %scan3A_586 to %scan3A_588 step %scan3A_589 iter_args(%scan3A_604 = %scan3A_585) -> (i32)  : i32 {
        %mul3A_605 = arith.constant 16 : i32
        %mul3A_606 = arith.muli %scan3A_603, %mul3A_605 : i32
        %get3A = arith.index_cast %mul3A_606 : i32 to index
        %get3A_607 = tpu.vector_load %arg16[%get3A] {strides = array<i32>} : memref<2048xi32, #tpu.memory_space<vmem>>, vector<16xi32>,
        %mul3A_608 = arith.constant 4096 : i32
        %mul3A_609 = arith.muli %add3A_391, %mul3A_608 : i32
        %add3A_610 = vector.broadcast %mul3A_609 : i32 to vector<16xi32>
        %add3A_611 = arith.addi %get3A_607, %add3A_610 : vector<16xi32>
        %mul3A_612 = arith.constant 16 : i32
        %mul3A_613 = arith.muli %scan3A_603, %mul3A_612 : i32
        %swap3A = arith.index_cast %mul3A_613 : i32 to index
        %swap3A_614 = tpu.vector_load %arg16[%swap3A] {strides = array<i32>} : memref<2048xi32, #tpu.memory_space<vmem>>, vector<16xi32>,
        tpu.vector_store %arg16[%swap3A], %add3A_611 {strides = array<i32>} : memref<2048xi32, #tpu.memory_space<vmem>>, vector<16xi32>,
        %scan3A_615 = arith.constant 0 : i32
        scf.yield %scan3A_615 : i32
      }
      %scan3A_591 = arith.constant 128 : i32
      %mul3A_592 = arith.constant 2048 : i32
      %mul3A_593 = arith.muli %arg1, %mul3A_592 : i32
      "tpu.region"() ({
        %run_scoped3A = tpu.sem_alloc : memref<!tpu.dma_semaphore, #tpu.memory_space<semaphore_mem>>
        %dma_start3A_603 = tpu.memref_slice %arg20[%mul3A_593] : memref<4096xi32, #tpu.memory_space<vmem_shared>> -> memref<2048xi32, #tpu.memory_space<vmem_shared>>
        %dma_start3A_604 = tpu.memref_slice %arg20[%mul3A_593] : memref<4096xi32, #tpu.memory_space<vmem_shared>> -> memref<2048xi32, #tpu.memory_space<vmem_shared>>
        tpu.enqueue_dma source(%arg16 : memref<2048xi32, #tpu.memory_space<vmem>>) target(%dma_start3A_604 : memref<2048xi32, #tpu.memory_space<vmem_shared>>) target_semaphore(%run_scoped3A : memref<!tpu.dma_semaphore, #tpu.memory_space<semaphore_mem>>)
        %dma_wait3A_605 = tpu.memref_slice %arg20[%mul3A_593] : memref<4096xi32, #tpu.memory_space<vmem_shared>> -> memref<2048xi32, #tpu.memory_space<vmem_shared>>
        %dma_wait3A_606 = tpu.memref_slice %arg20[%mul3A_593] : memref<4096xi32, #tpu.memory_space<vmem_shared>> -> memref<2048xi32, #tpu.memory_space<vmem_shared>>
        tpu.wait_dma2 semaphore(%run_scoped3A : memref<!tpu.dma_semaphore, #tpu.memory_space<semaphore_mem>>) src(%arg16 : memref<2048xi32, #tpu.memory_space<vmem>>) dst(%dma_wait3A_606 : memref<2048xi32, #tpu.memory_space<vmem_shared>>)
        tpu.yield
      }) : () -> ()
      %scan3A_594 = arith.constant 0 : i32
      %scan3A_595 = arith.constant 0 : i32
      %scan3A_596 = arith.constant 128 : i32
      %scan3A_597 = arith.addi %scan3A_595, %scan3A_596 : i32
      %scan3A_598 = arith.constant 1 : i32
      %scan3A_599 = scf.for %scan3A_603 = %scan3A_595 to %scan3A_597 step %scan3A_598 iter_args(%scan3A_604 = %scan3A_594) -> (i32)  : i32 {
        %broadcast_in_dim3A_605 = vector.broadcast %add3A_391 : i32 to vector<16xi32>
        %mul3A_606 = arith.constant 16 : i32
        %mul3A_607 = arith.muli %scan3A_603, %mul3A_606 : i32
        %swap3A = arith.index_cast %mul3A_607 : i32 to index
        %swap3A_608 = tpu.vector_load %arg16[%swap3A] {strides = array<i32>} : memref<2048xi32, #tpu.memory_space<vmem>>, vector<16xi32>,
        tpu.vector_store %arg16[%swap3A], %broadcast_in_dim3A_605 {strides = array<i32>} : memref<2048xi32, #tpu.memory_space<vmem>>, vector<16xi32>,
        %scan3A_609 = arith.constant 0 : i32
        scf.yield %scan3A_609 : i32
      }
      %scan3A_600 = arith.constant 128 : i32
      %mul3A_601 = arith.constant 2048 : i32
      %mul3A_602 = arith.muli %add3A_391, %mul3A_601 : i32
      "tpu.region"() ({
        %run_scoped3A = tpu.sem_alloc : memref<!tpu.dma_semaphore, #tpu.memory_space<semaphore_mem>>
        %dma_start3A_603 = tpu.memref_slice %arg5[%mul3A_602] : memref<8192xi32, #tpu.memory_space<hbm>> -> memref<2048xi32, #tpu.memory_space<hbm>>
        %dma_start3A_604 = tpu.memref_slice %arg5[%mul3A_602] : memref<8192xi32, #tpu.memory_space<hbm>> -> memref<2048xi32, #tpu.memory_space<hbm>>
        tpu.enqueue_dma source(%arg16 : memref<2048xi32, #tpu.memory_space<vmem>>) target(%dma_start3A_604 : memref<2048xi32, #tpu.memory_space<hbm>>) target_semaphore(%run_scoped3A : memref<!tpu.dma_semaphore, #tpu.memory_space<semaphore_mem>>)
        %dma_wait3A_605 = tpu.memref_slice %arg5[%mul3A_602] : memref<8192xi32, #tpu.memory_space<hbm>> -> memref<2048xi32, #tpu.memory_space<hbm>>
        %dma_wait3A_606 = tpu.memref_slice %arg5[%mul3A_602] : memref<8192xi32, #tpu.memory_space<hbm>> -> memref<2048xi32, #tpu.memory_space<hbm>>
        tpu.wait_dma2 semaphore(%run_scoped3A : memref<!tpu.dma_semaphore, #tpu.memory_space<semaphore_mem>>) src(%arg16 : memref<2048xi32, #tpu.memory_space<vmem>>) dst(%dma_wait3A_606 : memref<2048xi32, #tpu.memory_space<hbm>>)
        tpu.yield
      }) : () -> ()
    } else {
    }
    %barrier3A = arith.constant 0 : index
    tpu.barrier barrier_id(%barrier3A)
    %mul3A = arith.constant 256 : i32
    %mul3A_2 = arith.muli %arg1, %mul3A : i32
    "tpu.region"() ({
      %run_scoped3A = tpu.sem_alloc : memref<!tpu.dma_semaphore, #tpu.memory_space<semaphore_mem>>
      %dma_start3A_389 = tpu.memref_slice %arg20[%mul3A_2] : memref<4096xi32, #tpu.memory_space<vmem_shared>> -> memref<256xi32, #tpu.memory_space<vmem_shared>>
      %dma_start3A_390 = tpu.memref_slice %arg20[%mul3A_2] : memref<4096xi32, #tpu.memory_space<vmem_shared>> -> memref<256xi32, #tpu.memory_space<vmem_shared>>
      tpu.enqueue_dma source(%dma_start3A_390 : memref<256xi32, #tpu.memory_space<vmem_shared>>) target(%arg17 : memref<256xi32, #tpu.memory_space<vmem>>) target_semaphore(%run_scoped3A : memref<!tpu.dma_semaphore, #tpu.memory_space<semaphore_mem>>)
      %dma_wait3A_391 = tpu.memref_slice %arg20[%mul3A_2] : memref<4096xi32, #tpu.memory_space<vmem_shared>> -> memref<256xi32, #tpu.memory_space<vmem_shared>>
      %dma_wait3A_392 = tpu.memref_slice %arg20[%mul3A_2] : memref<4096xi32, #tpu.memory_space<vmem_shared>> -> memref<256xi32, #tpu.memory_space<vmem_shared>>
      tpu.wait_dma2 semaphore(%run_scoped3A : memref<!tpu.dma_semaphore, #tpu.memory_space<semaphore_mem>>) src(%dma_wait3A_392 : memref<256xi32, #tpu.memory_space<vmem_shared>>) dst(%arg17 : memref<256xi32, #tpu.memory_space<vmem>>)
      tpu.yield
    }) : () -> ()
    %mul3A_3 = arith.constant 4096 : i32
    %mul3A_4 = arith.muli %arg0, %mul3A_3 : i32
    %mul3A_5 = arith.constant 256 : i32
    %mul3A_6 = arith.muli %arg1, %mul3A_5 : i32
    %add3A = arith.addi %mul3A_4, %mul3A_6 : i32
    %dma_start3A = arith.constant 0 : i32
    %dma_start3A_7 = tpu.memref_slice %arg17[%dma_start3A] : memref<256xi32, #tpu.memory_space<vmem>> -> memref<8xi32, #tpu.memory_space<vmem>>
    %dma_start3A_8 = arith.constant 0 : i32
    %dma_start3A_9 = arith.constant 0 : i32
    %dma_start3A_10 = tpu.memref_slice %arg3[%dma_start3A_8, %dma_start3A_9] : memref<16384x2048xf32, #tpu.memory_space<hbm>> -> memref<16384x2048xf32, #tpu.memory_space<hbm>>
    tpu.enqueue_indirect_dma source(%dma_start3A_10 : memref<16384x2048xf32, #tpu.memory_space<hbm>>) target(%arg18 : memref<8x2048xf32, #tpu.memory_space<vmem>>) offsets(%dma_start3A_7 : memref<8xi32, #tpu.memory_space<vmem>>) semaphore(%arg21 : memref<!tpu.dma_semaphore, #tpu.memory_space<semaphore_mem>>)
    %dma_start3A_11 = arith.constant 8 : i32
    %dma_start3A_12 = tpu.memref_slice %arg17[%dma_start3A_11] : memref<256xi32, #tpu.memory_space<vmem>> -> memref<8xi32, #tpu.memory_space<vmem>>
    %dma_start3A_13 = arith.constant 0 : i32
    %dma_start3A_14 = arith.constant 0 : i32
    %dma_start3A_15 = tpu.memref_slice %arg3[%dma_start3A_13, %dma_start3A_14] : memref<16384x2048xf32, #tpu.memory_space<hbm>> -> memref<16384x2048xf32, #tpu.memory_space<hbm>>
    tpu.enqueue_indirect_dma source(%dma_start3A_15 : memref<16384x2048xf32, #tpu.memory_space<hbm>>) target(%arg19 : memref<8x2048xf32, #tpu.memory_space<vmem>>) offsets(%dma_start3A_12 : memref<8xi32, #tpu.memory_space<vmem>>) semaphore(%arg22 : memref<!tpu.dma_semaphore, #tpu.memory_space<semaphore_mem>>)
    %dma_wait3A = arith.constant 0 : i32
    %dma_wait3A_16 = tpu.memref_slice %arg17[%dma_wait3A] : memref<256xi32, #tpu.memory_space<vmem>> -> memref<8xi32, #tpu.memory_space<vmem>>
    %dma_wait3A_17 = arith.constant 0 : i32
    %dma_wait3A_18 = arith.constant 0 : i32
    %dma_wait3A_19 = tpu.memref_slice %arg3[%dma_wait3A_17, %dma_wait3A_18] : memref<16384x2048xf32, #tpu.memory_space<hbm>> -> memref<16384x2048xf32, #tpu.memory_space<hbm>>
    tpu.wait_indirect_dma semaphore(%arg21 : memref<!tpu.dma_semaphore, #tpu.memory_space<semaphore_mem>>) src(%dma_wait3A_19 : memref<16384x2048xf32, #tpu.memory_space<hbm>>) dst(%arg18 : memref<8x2048xf32, #tpu.memory_space<vmem>>)
    %add3A_20 = arith.constant 0 : i32
    %add3A_21 = arith.addi %add3A, %add3A_20 : i32
    "tpu.region"() ({
      %run_scoped3A = tpu.sem_alloc : memref<!tpu.dma_semaphore, #tpu.memory_space<semaphore_mem>>
      %dma_start3A_389 = arith.constant 0 : i32
      %dma_start3A_390 = tpu.memref_slice %arg4[%add3A_21, %dma_start3A_389] : memref<8192x2048xf32, #tpu.memory_space<hbm>> -> memref<8x2048xf32, #tpu.memory_space<hbm>>
      %dma_start3A_391 = arith.constant 0 : i32
      %dma_start3A_392 = tpu.memref_slice %arg4[%add3A_21, %dma_start3A_391] : memref<8192x2048xf32, #tpu.memory_space<hbm>> -> memref<8x2048xf32, #tpu.memory_space<hbm>>
      tpu.enqueue_dma source(%arg18 : memref<8x2048xf32, #tpu.memory_space<vmem>>) target(%dma_start3A_392 : memref<8x2048xf32, #tpu.memory_space<hbm>>) target_semaphore(%run_scoped3A : memref<!tpu.dma_semaphore, #tpu.memory_space<semaphore_mem>>)
      %dma_wait3A_393 = arith.constant 0 : i32
      %dma_wait3A_394 = tpu.memref_slice %arg4[%add3A_21, %dma_wait3A_393] : memref<8192x2048xf32, #tpu.memory_space<hbm>> -> memref<8x2048xf32, #tpu.memory_space<hbm>>
      %dma_wait3A_395 = arith.constant 0 : i32
      %dma_wait3A_396 = tpu.memref_slice %arg4[%add3A_21, %dma_wait3A_395] : memref<8192x2048xf32, #tpu.memory_space<hbm>> -> memref<8x2048xf32, #tpu.memory_space<hbm>>
      tpu.wait_dma2 semaphore(%run_scoped3A : memref<!tpu.dma_semaphore, #tpu.memory_space<semaphore_mem>>) src(%arg18 : memref<8x2048xf32, #tpu.memory_space<vmem>>) dst(%dma_wait3A_396 : memref<8x2048xf32, #tpu.memory_space<hbm>>)
      tpu.yield
    }) : () -> ()
    %dma_start3A_22 = arith.constant 16 : i32
    %dma_start3A_23 = tpu.memref_slice %arg17[%dma_start3A_22] : memref<256xi32, #tpu.memory_space<vmem>> -> memref<8xi32, #tpu.memory_space<vmem>>
    %dma_start3A_24 = arith.constant 0 : i32
    %dma_start3A_25 = arith.constant 0 : i32
    %dma_start3A_26 = tpu.memref_slice %arg3[%dma_start3A_24, %dma_start3A_25] : memref<16384x2048xf32, #tpu.memory_space<hbm>> -> memref<16384x2048xf32, #tpu.memory_space<hbm>>
    tpu.enqueue_indirect_dma source(%dma_start3A_26 : memref<16384x2048xf32, #tpu.memory_space<hbm>>) target(%arg18 : memref<8x2048xf32, #tpu.memory_space<vmem>>) offsets(%dma_start3A_23 : memref<8xi32, #tpu.memory_space<vmem>>) semaphore(%arg21 : memref<!tpu.dma_semaphore, #tpu.memory_space<semaphore_mem>>)
    %dma_wait3A_27 = arith.constant 8 : i32
    %dma_wait3A_28 = tpu.memref_slice %arg17[%dma_wait3A_27] : memref<256xi32, #tpu.memory_space<vmem>> -> memref<8xi32, #tpu.memory_space<vmem>>
    %dma_wait3A_29 = arith.constant 0 : i32
    %dma_wait3A_30 = arith.constant 0 : i32
    %dma_wait3A_31 = tpu.memref_slice %arg3[%dma_wait3A_29, %dma_wait3A_30] : memref<16384x2048xf32, #tpu.memory_space<hbm>> -> memref<16384x2048xf32, #tpu.memory_space<hbm>>
    tpu.wait_indirect_dma semaphore(%arg22 : memref<!tpu.dma_semaphore, #tpu.memory_space<semaphore_mem>>) src(%dma_wait3A_31 : memref<16384x2048xf32, #tpu.memory_space<hbm>>) dst(%arg19 : memref<8x2048xf32, #tpu.memory_space<vmem>>)
    %add3A_32 = arith.constant 8 : i32
    %add3A_33 = arith.addi %add3A, %add3A_32 : i32
    "tpu.region"() ({
      %run_scoped3A = tpu.sem_alloc : memref<!tpu.dma_semaphore, #tpu.memory_space<semaphore_mem>>
      %dma_start3A_389 = arith.constant 0 : i32
      %dma_start3A_390 = tpu.memref_slice %arg4[%add3A_33, %dma_start3A_389] : memref<8192x2048xf32, #tpu.memory_space<hbm>> -> memref<8x2048xf32, #tpu.memory_space<hbm>>
      %dma_start3A_391 = arith.constant 0 : i32
      %dma_start3A_392 = tpu.memref_slice %arg4[%add3A_33, %dma_start3A_391] : memref<8192x2048xf32, #tpu.memory_space<hbm>> -> memref<8x2048xf32, #tpu.memory_space<hbm>>
      tpu.enqueue_dma source(%arg19 : memref<8x2048xf32, #tpu.memory_space<vmem>>) target(%dma_start3A_392 : memref<8x2048xf32, #tpu.memory_space<hbm>>) target_semaphore(%run_scoped3A : memref<!tpu.dma_semaphore, #tpu.memory_space<semaphore_mem>>)
      %dma_wait3A_393 = arith.constant 0 : i32
      %dma_wait3A_394 = tpu.memref_slice %arg4[%add3A_33, %dma_wait3A_393] : memref<8192x2048xf32, #tpu.memory_space<hbm>> -> memref<8x2048xf32, #tpu.memory_space<hbm>>
      %dma_wait3A_395 = arith.constant 0 : i32
      %dma_wait3A_396 = tpu.memref_slice %arg4[%add3A_33, %dma_wait3A_395] : memref<8192x2048xf32, #tpu.memory_space<hbm>> -> memref<8x2048xf32, #tpu.memory_space<hbm>>
      tpu.wait_dma2 semaphore(%run_scoped3A : memref<!tpu.dma_semaphore, #tpu.memory_space<semaphore_mem>>) src(%arg19 : memref<8x2048xf32, #tpu.memory_space<vmem>>) dst(%dma_wait3A_396 : memref<8x2048xf32, #tpu.memory_space<hbm>>)
      tpu.yield
    }) : () -> ()
    %dma_start3A_34 = arith.constant 24 : i32
    %dma_start3A_35 = tpu.memref_slice %arg17[%dma_start3A_34] : memref<256xi32, #tpu.memory_space<vmem>> -> memref<8xi32, #tpu.memory_space<vmem>>
    %dma_start3A_36 = arith.constant 0 : i32
    %dma_start3A_37 = arith.constant 0 : i32
    %dma_start3A_38 = tpu.memref_slice %arg3[%dma_start3A_36, %dma_start3A_37] : memref<16384x2048xf32, #tpu.memory_space<hbm>> -> memref<16384x2048xf32, #tpu.memory_space<hbm>>
    tpu.enqueue_indirect_dma source(%dma_start3A_38 : memref<16384x2048xf32, #tpu.memory_space<hbm>>) target(%arg19 : memref<8x2048xf32, #tpu.memory_space<vmem>>) offsets(%dma_start3A_35 : memref<8xi32, #tpu.memory_space<vmem>>) semaphore(%arg22 : memref<!tpu.dma_semaphore, #tpu.memory_space<semaphore_mem>>)
    %dma_wait3A_39 = arith.constant 16 : i32
    %dma_wait3A_40 = tpu.memref_slice %arg17[%dma_wait3A_39] : memref<256xi32, #tpu.memory_space<vmem>> -> memref<8xi32, #tpu.memory_space<vmem>>
    %dma_wait3A_41 = arith.constant 0 : i32
    %dma_wait3A_42 = arith.constant 0 : i32
    %dma_wait3A_43 = tpu.memref_slice %arg3[%dma_wait3A_41, %dma_wait3A_42] : memref<16384x2048xf32, #tpu.memory_space<hbm>> -> memref<16384x2048xf32, #tpu.memory_space<hbm>>
    tpu.wait_indirect_dma semaphore(%arg21 : memref<!tpu.dma_semaphore, #tpu.memory_space<semaphore_mem>>) src(%dma_wait3A_43 : memref<16384x2048xf32, #tpu.memory_space<hbm>>) dst(%arg18 : memref<8x2048xf32, #tpu.memory_space<vmem>>)
    %add3A_44 = arith.constant 16 : i32
    %add3A_45 = arith.addi %add3A, %add3A_44 : i32
    "tpu.region"() ({
      %run_scoped3A = tpu.sem_alloc : memref<!tpu.dma_semaphore, #tpu.memory_space<semaphore_mem>>
      %dma_start3A_389 = arith.constant 0 : i32
      %dma_start3A_390 = tpu.memref_slice %arg4[%add3A_45, %dma_start3A_389] : memref<8192x2048xf32, #tpu.memory_space<hbm>> -> memref<8x2048xf32, #tpu.memory_space<hbm>>
      %dma_start3A_391 = arith.constant 0 : i32
      %dma_start3A_392 = tpu.memref_slice %arg4[%add3A_45, %dma_start3A_391] : memref<8192x2048xf32, #tpu.memory_space<hbm>> -> memref<8x2048xf32, #tpu.memory_space<hbm>>
      tpu.enqueue_dma source(%arg18 : memref<8x2048xf32, #tpu.memory_space<vmem>>) target(%dma_start3A_392 : memref<8x2048xf32, #tpu.memory_space<hbm>>) target_semaphore(%run_scoped3A : memref<!tpu.dma_semaphore, #tpu.memory_space<semaphore_mem>>)
      %dma_wait3A_393 = arith.constant 0 : i32
      %dma_wait3A_394 = tpu.memref_slice %arg4[%add3A_45, %dma_wait3A_393] : memref<8192x2048xf32, #tpu.memory_space<hbm>> -> memref<8x2048xf32, #tpu.memory_space<hbm>>
      %dma_wait3A_395 = arith.constant 0 : i32
      %dma_wait3A_396 = tpu.memref_slice %arg4[%add3A_45, %dma_wait3A_395] : memref<8192x2048xf32, #tpu.memory_space<hbm>> -> memref<8x2048xf32, #tpu.memory_space<hbm>>
      tpu.wait_dma2 semaphore(%run_scoped3A : memref<!tpu.dma_semaphore, #tpu.memory_space<semaphore_mem>>) src(%arg18 : memref<8x2048xf32, #tpu.memory_space<vmem>>) dst(%dma_wait3A_396 : memref<8x2048xf32, #tpu.memory_space<hbm>>)
      tpu.yield
    }) : () -> ()
    %dma_start3A_46 = arith.constant 32 : i32
    %dma_start3A_47 = tpu.memref_slice %arg17[%dma_start3A_46] : memref<256xi32, #tpu.memory_space<vmem>> -> memref<8xi32, #tpu.memory_space<vmem>>
    %dma_start3A_48 = arith.constant 0 : i32
    %dma_start3A_49 = arith.constant 0 : i32
    %dma_start3A_50 = tpu.memref_slice %arg3[%dma_start3A_48, %dma_start3A_49] : memref<16384x2048xf32, #tpu.memory_space<hbm>> -> memref<16384x2048xf32, #tpu.memory_space<hbm>>
    tpu.enqueue_indirect_dma source(%dma_start3A_50 : memref<16384x2048xf32, #tpu.memory_space<hbm>>) target(%arg18 : memref<8x2048xf32, #tpu.memory_space<vmem>>) offsets(%dma_start3A_47 : memref<8xi32, #tpu.memory_space<vmem>>) semaphore(%arg21 : memref<!tpu.dma_semaphore, #tpu.memory_space<semaphore_mem>>)
    %dma_wait3A_51 = arith.constant 24 : i32
    %dma_wait3A_52 = tpu.memref_slice %arg17[%dma_wait3A_51] : memref<256xi32, #tpu.memory_space<vmem>> -> memref<8xi32, #tpu.memory_space<vmem>>
    %dma_wait3A_53 = arith.constant 0 : i32
    %dma_wait3A_54 = arith.constant 0 : i32
    %dma_wait3A_55 = tpu.memref_slice %arg3[%dma_wait3A_53, %dma_wait3A_54] : memref<16384x2048xf32, #tpu.memory_space<hbm>> -> memref<16384x2048xf32, #tpu.memory_space<hbm>>
    tpu.wait_indirect_dma semaphore(%arg22 : memref<!tpu.dma_semaphore, #tpu.memory_space<semaphore_mem>>) src(%dma_wait3A_55 : memref<16384x2048xf32, #tpu.memory_space<hbm>>) dst(%arg19 : memref<8x2048xf32, #tpu.memory_space<vmem>>)
    %add3A_56 = arith.constant 24 : i32
    %add3A_57 = arith.addi %add3A, %add3A_56 : i32
    "tpu.region"() ({
      %run_scoped3A = tpu.sem_alloc : memref<!tpu.dma_semaphore, #tpu.memory_space<semaphore_mem>>
      %dma_start3A_389 = arith.constant 0 : i32
      %dma_start3A_390 = tpu.memref_slice %arg4[%add3A_57, %dma_start3A_389] : memref<8192x2048xf32, #tpu.memory_space<hbm>> -> memref<8x2048xf32, #tpu.memory_space<hbm>>
      %dma_start3A_391 = arith.constant 0 : i32
      %dma_start3A_392 = tpu.memref_slice %arg4[%add3A_57, %dma_start3A_391] : memref<8192x2048xf32, #tpu.memory_space<hbm>> -> memref<8x2048xf32, #tpu.memory_space<hbm>>
      tpu.enqueue_dma source(%arg19 : memref<8x2048xf32, #tpu.memory_space<vmem>>) target(%dma_start3A_392 : memref<8x2048xf32, #tpu.memory_space<hbm>>) target_semaphore(%run_scoped3A : memref<!tpu.dma_semaphore, #tpu.memory_space<semaphore_mem>>)
      %dma_wait3A_393 = arith.constant 0 : i32
      %dma_wait3A_394 = tpu.memref_slice %arg4[%add3A_57, %dma_wait3A_393] : memref<8192x2048xf32, #tpu.memory_space<hbm>> -> memref<8x2048xf32, #tpu.memory_space<hbm>>
      %dma_wait3A_395 = arith.constant 0 : i32
      %dma_wait3A_396 = tpu.memref_slice %arg4[%add3A_57, %dma_wait3A_395] : memref<8192x2048xf32, #tpu.memory_space<hbm>> -> memref<8x2048xf32, #tpu.memory_space<hbm>>
      tpu.wait_dma2 semaphore(%run_scoped3A : memref<!tpu.dma_semaphore, #tpu.memory_space<semaphore_mem>>) src(%arg19 : memref<8x2048xf32, #tpu.memory_space<vmem>>) dst(%dma_wait3A_396 : memref<8x2048xf32, #tpu.memory_space<hbm>>)
      tpu.yield
    }) : () -> ()
    %dma_start3A_58 = arith.constant 40 : i32
    %dma_start3A_59 = tpu.memref_slice %arg17[%dma_start3A_58] : memref<256xi32, #tpu.memory_space<vmem>> -> memref<8xi32, #tpu.memory_space<vmem>>
    %dma_start3A_60 = arith.constant 0 : i32
    %dma_start3A_61 = arith.constant 0 : i32
    %dma_start3A_62 = tpu.memref_slice %arg3[%dma_start3A_60, %dma_start3A_61] : memref<16384x2048xf32, #tpu.memory_space<hbm>> -> memref<16384x2048xf32, #tpu.memory_space<hbm>>
    tpu.enqueue_indirect_dma source(%dma_start3A_62 : memref<16384x2048xf32, #tpu.memory_space<hbm>>) target(%arg19 : memref<8x2048xf32, #tpu.memory_space<vmem>>) offsets(%dma_start3A_59 : memref<8xi32, #tpu.memory_space<vmem>>) semaphore(%arg22 : memref<!tpu.dma_semaphore, #tpu.memory_space<semaphore_mem>>)
    %dma_wait3A_63 = arith.constant 32 : i32
    %dma_wait3A_64 = tpu.memref_slice %arg17[%dma_wait3A_63] : memref<256xi32, #tpu.memory_space<vmem>> -> memref<8xi32, #tpu.memory_space<vmem>>
    %dma_wait3A_65 = arith.constant 0 : i32
    %dma_wait3A_66 = arith.constant 0 : i32
    %dma_wait3A_67 = tpu.memref_slice %arg3[%dma_wait3A_65, %dma_wait3A_66] : memref<16384x2048xf32, #tpu.memory_space<hbm>> -> memref<16384x2048xf32, #tpu.memory_space<hbm>>
    tpu.wait_indirect_dma semaphore(%arg21 : memref<!tpu.dma_semaphore, #tpu.memory_space<semaphore_mem>>) src(%dma_wait3A_67 : memref<16384x2048xf32, #tpu.memory_space<hbm>>) dst(%arg18 : memref<8x2048xf32, #tpu.memory_space<vmem>>)
    %add3A_68 = arith.constant 32 : i32
    %add3A_69 = arith.addi %add3A, %add3A_68 : i32
    "tpu.region"() ({
      %run_scoped3A = tpu.sem_alloc : memref<!tpu.dma_semaphore, #tpu.memory_space<semaphore_mem>>
      %dma_start3A_389 = arith.constant 0 : i32
      %dma_start3A_390 = tpu.memref_slice %arg4[%add3A_69, %dma_start3A_389] : memref<8192x2048xf32, #tpu.memory_space<hbm>> -> memref<8x2048xf32, #tpu.memory_space<hbm>>
      %dma_start3A_391 = arith.constant 0 : i32
      %dma_start3A_392 = tpu.memref_slice %arg4[%add3A_69, %dma_start3A_391] : memref<8192x2048xf32, #tpu.memory_space<hbm>> -> memref<8x2048xf32, #tpu.memory_space<hbm>>
      tpu.enqueue_dma source(%arg18 : memref<8x2048xf32, #tpu.memory_space<vmem>>) target(%dma_start3A_392 : memref<8x2048xf32, #tpu.memory_space<hbm>>) target_semaphore(%run_scoped3A : memref<!tpu.dma_semaphore, #tpu.memory_space<semaphore_mem>>)
      %dma_wait3A_393 = arith.constant 0 : i32
      %dma_wait3A_394 = tpu.memref_slice %arg4[%add3A_69, %dma_wait3A_393] : memref<8192x2048xf32, #tpu.memory_space<hbm>> -> memref<8x2048xf32, #tpu.memory_space<hbm>>
      %dma_wait3A_395 = arith.constant 0 : i32
      %dma_wait3A_396 = tpu.memref_slice %arg4[%add3A_69, %dma_wait3A_395] : memref<8192x2048xf32, #tpu.memory_space<hbm>> -> memref<8x2048xf32, #tpu.memory_space<hbm>>
      tpu.wait_dma2 semaphore(%run_scoped3A : memref<!tpu.dma_semaphore, #tpu.memory_space<semaphore_mem>>) src(%arg18 : memref<8x2048xf32, #tpu.memory_space<vmem>>) dst(%dma_wait3A_396 : memref<8x2048xf32, #tpu.memory_space<hbm>>)
      tpu.yield
    }) : () -> ()
    %dma_start3A_70 = arith.constant 48 : i32
    %dma_start3A_71 = tpu.memref_slice %arg17[%dma_start3A_70] : memref<256xi32, #tpu.memory_space<vmem>> -> memref<8xi32, #tpu.memory_space<vmem>>
    %dma_start3A_72 = arith.constant 0 : i32
    %dma_start3A_73 = arith.constant 0 : i32
    %dma_start3A_74 = tpu.memref_slice %arg3[%dma_start3A_72, %dma_start3A_73] : memref<16384x2048xf32, #tpu.memory_space<hbm>> -> memref<16384x2048xf32, #tpu.memory_space<hbm>>
    tpu.enqueue_indirect_dma source(%dma_start3A_74 : memref<16384x2048xf32, #tpu.memory_space<hbm>>) target(%arg18 : memref<8x2048xf32, #tpu.memory_space<vmem>>) offsets(%dma_start3A_71 : memref<8xi32, #tpu.memory_space<vmem>>) semaphore(%arg21 : memref<!tpu.dma_semaphore, #tpu.memory_space<semaphore_mem>>)
    %dma_wait3A_75 = arith.constant 40 : i32
    %dma_wait3A_76 = tpu.memref_slice %arg17[%dma_wait3A_75] : memref<256xi32, #tpu.memory_space<vmem>> -> memref<8xi32, #tpu.memory_space<vmem>>
    %dma_wait3A_77 = arith.constant 0 : i32
    %dma_wait3A_78 = arith.constant 0 : i32
    %dma_wait3A_79 = tpu.memref_slice %arg3[%dma_wait3A_77, %dma_wait3A_78] : memref<16384x2048xf32, #tpu.memory_space<hbm>> -> memref<16384x2048xf32, #tpu.memory_space<hbm>>
    tpu.wait_indirect_dma semaphore(%arg22 : memref<!tpu.dma_semaphore, #tpu.memory_space<semaphore_mem>>) src(%dma_wait3A_79 : memref<16384x2048xf32, #tpu.memory_space<hbm>>) dst(%arg19 : memref<8x2048xf32, #tpu.memory_space<vmem>>)
    %add3A_80 = arith.constant 40 : i32
    %add3A_81 = arith.addi %add3A, %add3A_80 : i32
    "tpu.region"() ({
      %run_scoped3A = tpu.sem_alloc : memref<!tpu.dma_semaphore, #tpu.memory_space<semaphore_mem>>
      %dma_start3A_389 = arith.constant 0 : i32
      %dma_start3A_390 = tpu.memref_slice %arg4[%add3A_81, %dma_start3A_389] : memref<8192x2048xf32, #tpu.memory_space<hbm>> -> memref<8x2048xf32, #tpu.memory_space<hbm>>
      %dma_start3A_391 = arith.constant 0 : i32
      %dma_start3A_392 = tpu.memref_slice %arg4[%add3A_81, %dma_start3A_391] : memref<8192x2048xf32, #tpu.memory_space<hbm>> -> memref<8x2048xf32, #tpu.memory_space<hbm>>
      tpu.enqueue_dma source(%arg19 : memref<8x2048xf32, #tpu.memory_space<vmem>>) target(%dma_start3A_392 : memref<8x2048xf32, #tpu.memory_space<hbm>>) target_semaphore(%run_scoped3A : memref<!tpu.dma_semaphore, #tpu.memory_space<semaphore_mem>>)
      %dma_wait3A_393 = arith.constant 0 : i32
      %dma_wait3A_394 = tpu.memref_slice %arg4[%add3A_81, %dma_wait3A_393] : memref<8192x2048xf32, #tpu.memory_space<hbm>> -> memref<8x2048xf32, #tpu.memory_space<hbm>>
      %dma_wait3A_395 = arith.constant 0 : i32
      %dma_wait3A_396 = tpu.memref_slice %arg4[%add3A_81, %dma_wait3A_395] : memref<8192x2048xf32, #tpu.memory_space<hbm>> -> memref<8x2048xf32, #tpu.memory_space<hbm>>
      tpu.wait_dma2 semaphore(%run_scoped3A : memref<!tpu.dma_semaphore, #tpu.memory_space<semaphore_mem>>) src(%arg19 : memref<8x2048xf32, #tpu.memory_space<vmem>>) dst(%dma_wait3A_396 : memref<8x2048xf32, #tpu.memory_space<hbm>>)
      tpu.yield
    }) : () -> ()
    %dma_start3A_82 = arith.constant 56 : i32
    %dma_start3A_83 = tpu.memref_slice %arg17[%dma_start3A_82] : memref<256xi32, #tpu.memory_space<vmem>> -> memref<8xi32, #tpu.memory_space<vmem>>
    %dma_start3A_84 = arith.constant 0 : i32
    %dma_start3A_85 = arith.constant 0 : i32
    %dma_start3A_86 = tpu.memref_slice %arg3[%dma_start3A_84, %dma_start3A_85] : memref<16384x2048xf32, #tpu.memory_space<hbm>> -> memref<16384x2048xf32, #tpu.memory_space<hbm>>
    tpu.enqueue_indirect_dma source(%dma_start3A_86 : memref<16384x2048xf32, #tpu.memory_space<hbm>>) target(%arg19 : memref<8x2048xf32, #tpu.memory_space<vmem>>) offsets(%dma_start3A_83 : memref<8xi32, #tpu.memory_space<vmem>>) semaphore(%arg22 : memref<!tpu.dma_semaphore, #tpu.memory_space<semaphore_mem>>)
    %dma_wait3A_87 = arith.constant 48 : i32
    %dma_wait3A_88 = tpu.memref_slice %arg17[%dma_wait3A_87] : memref<256xi32, #tpu.memory_space<vmem>> -> memref<8xi32, #tpu.memory_space<vmem>>
    %dma_wait3A_89 = arith.constant 0 : i32
    %dma_wait3A_90 = arith.constant 0 : i32
    %dma_wait3A_91 = tpu.memref_slice %arg3[%dma_wait3A_89, %dma_wait3A_90] : memref<16384x2048xf32, #tpu.memory_space<hbm>> -> memref<16384x2048xf32, #tpu.memory_space<hbm>>
    tpu.wait_indirect_dma semaphore(%arg21 : memref<!tpu.dma_semaphore, #tpu.memory_space<semaphore_mem>>) src(%dma_wait3A_91 : memref<16384x2048xf32, #tpu.memory_space<hbm>>) dst(%arg18 : memref<8x2048xf32, #tpu.memory_space<vmem>>)
    %add3A_92 = arith.constant 48 : i32
    %add3A_93 = arith.addi %add3A, %add3A_92 : i32
    "tpu.region"() ({
      %run_scoped3A = tpu.sem_alloc : memref<!tpu.dma_semaphore, #tpu.memory_space<semaphore_mem>>
      %dma_start3A_389 = arith.constant 0 : i32
      %dma_start3A_390 = tpu.memref_slice %arg4[%add3A_93, %dma_start3A_389] : memref<8192x2048xf32, #tpu.memory_space<hbm>> -> memref<8x2048xf32, #tpu.memory_space<hbm>>
      %dma_start3A_391 = arith.constant 0 : i32
      %dma_start3A_392 = tpu.memref_slice %arg4[%add3A_93, %dma_start3A_391] : memref<8192x2048xf32, #tpu.memory_space<hbm>> -> memref<8x2048xf32, #tpu.memory_space<hbm>>
      tpu.enqueue_dma source(%arg18 : memref<8x2048xf32, #tpu.memory_space<vmem>>) target(%dma_start3A_392 : memref<8x2048xf32, #tpu.memory_space<hbm>>) target_semaphore(%run_scoped3A : memref<!tpu.dma_semaphore, #tpu.memory_space<semaphore_mem>>)
      %dma_wait3A_393 = arith.constant 0 : i32
      %dma_wait3A_394 = tpu.memref_slice %arg4[%add3A_93, %dma_wait3A_393] : memref<8192x2048xf32, #tpu.memory_space<hbm>> -> memref<8x2048xf32, #tpu.memory_space<hbm>>
      %dma_wait3A_395 = arith.constant 0 : i32
      %dma_wait3A_396 = tpu.memref_slice %arg4[%add3A_93, %dma_wait3A_395] : memref<8192x2048xf32, #tpu.memory_space<hbm>> -> memref<8x2048xf32, #tpu.memory_space<hbm>>
      tpu.wait_dma2 semaphore(%run_scoped3A : memref<!tpu.dma_semaphore, #tpu.memory_space<semaphore_mem>>) src(%arg18 : memref<8x2048xf32, #tpu.memory_space<vmem>>) dst(%dma_wait3A_396 : memref<8x2048xf32, #tpu.memory_space<hbm>>)
      tpu.yield
    }) : () -> ()
    %dma_start3A_94 = arith.constant 64 : i32
    %dma_start3A_95 = tpu.memref_slice %arg17[%dma_start3A_94] : memref<256xi32, #tpu.memory_space<vmem>> -> memref<8xi32, #tpu.memory_space<vmem>>
    %dma_start3A_96 = arith.constant 0 : i32
    %dma_start3A_97 = arith.constant 0 : i32
    %dma_start3A_98 = tpu.memref_slice %arg3[%dma_start3A_96, %dma_start3A_97] : memref<16384x2048xf32, #tpu.memory_space<hbm>> -> memref<16384x2048xf32, #tpu.memory_space<hbm>>
    tpu.enqueue_indirect_dma source(%dma_start3A_98 : memref<16384x2048xf32, #tpu.memory_space<hbm>>) target(%arg18 : memref<8x2048xf32, #tpu.memory_space<vmem>>) offsets(%dma_start3A_95 : memref<8xi32, #tpu.memory_space<vmem>>) semaphore(%arg21 : memref<!tpu.dma_semaphore, #tpu.memory_space<semaphore_mem>>)
    %dma_wait3A_99 = arith.constant 56 : i32
    %dma_wait3A_100 = tpu.memref_slice %arg17[%dma_wait3A_99] : memref<256xi32, #tpu.memory_space<vmem>> -> memref<8xi32, #tpu.memory_space<vmem>>
    %dma_wait3A_101 = arith.constant 0 : i32
    %dma_wait3A_102 = arith.constant 0 : i32
    %dma_wait3A_103 = tpu.memref_slice %arg3[%dma_wait3A_101, %dma_wait3A_102] : memref<16384x2048xf32, #tpu.memory_space<hbm>> -> memref<16384x2048xf32, #tpu.memory_space<hbm>>
    tpu.wait_indirect_dma semaphore(%arg22 : memref<!tpu.dma_semaphore, #tpu.memory_space<semaphore_mem>>) src(%dma_wait3A_103 : memref<16384x2048xf32, #tpu.memory_space<hbm>>) dst(%arg19 : memref<8x2048xf32, #tpu.memory_space<vmem>>)
    %add3A_104 = arith.constant 56 : i32
    %add3A_105 = arith.addi %add3A, %add3A_104 : i32
    "tpu.region"() ({
      %run_scoped3A = tpu.sem_alloc : memref<!tpu.dma_semaphore, #tpu.memory_space<semaphore_mem>>
      %dma_start3A_389 = arith.constant 0 : i32
      %dma_start3A_390 = tpu.memref_slice %arg4[%add3A_105, %dma_start3A_389] : memref<8192x2048xf32, #tpu.memory_space<hbm>> -> memref<8x2048xf32, #tpu.memory_space<hbm>>
      %dma_start3A_391 = arith.constant 0 : i32
      %dma_start3A_392 = tpu.memref_slice %arg4[%add3A_105, %dma_start3A_391] : memref<8192x2048xf32, #tpu.memory_space<hbm>> -> memref<8x2048xf32, #tpu.memory_space<hbm>>
      tpu.enqueue_dma source(%arg19 : memref<8x2048xf32, #tpu.memory_space<vmem>>) target(%dma_start3A_392 : memref<8x2048xf32, #tpu.memory_space<hbm>>) target_semaphore(%run_scoped3A : memref<!tpu.dma_semaphore, #tpu.memory_space<semaphore_mem>>)
      %dma_wait3A_393 = arith.constant 0 : i32
      %dma_wait3A_394 = tpu.memref_slice %arg4[%add3A_105, %dma_wait3A_393] : memref<8192x2048xf32, #tpu.memory_space<hbm>> -> memref<8x2048xf32, #tpu.memory_space<hbm>>
      %dma_wait3A_395 = arith.constant 0 : i32
      %dma_wait3A_396 = tpu.memref_slice %arg4[%add3A_105, %dma_wait3A_395] : memref<8192x2048xf32, #tpu.memory_space<hbm>> -> memref<8x2048xf32, #tpu.memory_space<hbm>>
      tpu.wait_dma2 semaphore(%run_scoped3A : memref<!tpu.dma_semaphore, #tpu.memory_space<semaphore_mem>>) src(%arg19 : memref<8x2048xf32, #tpu.memory_space<vmem>>) dst(%dma_wait3A_396 : memref<8x2048xf32, #tpu.memory_space<hbm>>)
      tpu.yield
    }) : () -> ()
    %dma_start3A_106 = arith.constant 72 : i32
    %dma_start3A_107 = tpu.memref_slice %arg17[%dma_start3A_106] : memref<256xi32, #tpu.memory_space<vmem>> -> memref<8xi32, #tpu.memory_space<vmem>>
    %dma_start3A_108 = arith.constant 0 : i32
    %dma_start3A_109 = arith.constant 0 : i32
    %dma_start3A_110 = tpu.memref_slice %arg3[%dma_start3A_108, %dma_start3A_109] : memref<16384x2048xf32, #tpu.memory_space<hbm>> -> memref<16384x2048xf32, #tpu.memory_space<hbm>>
    tpu.enqueue_indirect_dma source(%dma_start3A_110 : memref<16384x2048xf32, #tpu.memory_space<hbm>>) target(%arg19 : memref<8x2048xf32, #tpu.memory_space<vmem>>) offsets(%dma_start3A_107 : memref<8xi32, #tpu.memory_space<vmem>>) semaphore(%arg22 : memref<!tpu.dma_semaphore, #tpu.memory_space<semaphore_mem>>)
    %dma_wait3A_111 = arith.constant 64 : i32
    %dma_wait3A_112 = tpu.memref_slice %arg17[%dma_wait3A_111] : memref<256xi32, #tpu.memory_space<vmem>> -> memref<8xi32, #tpu.memory_space<vmem>>
    %dma_wait3A_113 = arith.constant 0 : i32
    %dma_wait3A_114 = arith.constant 0 : i32
    %dma_wait3A_115 = tpu.memref_slice %arg3[%dma_wait3A_113, %dma_wait3A_114] : memref<16384x2048xf32, #tpu.memory_space<hbm>> -> memref<16384x2048xf32, #tpu.memory_space<hbm>>
    tpu.wait_indirect_dma semaphore(%arg21 : memref<!tpu.dma_semaphore, #tpu.memory_space<semaphore_mem>>) src(%dma_wait3A_115 : memref<16384x2048xf32, #tpu.memory_space<hbm>>) dst(%arg18 : memref<8x2048xf32, #tpu.memory_space<vmem>>)
    %add3A_116 = arith.constant 64 : i32
    %add3A_117 = arith.addi %add3A, %add3A_116 : i32
    "tpu.region"() ({
      %run_scoped3A = tpu.sem_alloc : memref<!tpu.dma_semaphore, #tpu.memory_space<semaphore_mem>>
      %dma_start3A_389 = arith.constant 0 : i32
      %dma_start3A_390 = tpu.memref_slice %arg4[%add3A_117, %dma_start3A_389] : memref<8192x2048xf32, #tpu.memory_space<hbm>> -> memref<8x2048xf32, #tpu.memory_space<hbm>>
      %dma_start3A_391 = arith.constant 0 : i32
      %dma_start3A_392 = tpu.memref_slice %arg4[%add3A_117, %dma_start3A_391] : memref<8192x2048xf32, #tpu.memory_space<hbm>> -> memref<8x2048xf32, #tpu.memory_space<hbm>>
      tpu.enqueue_dma source(%arg18 : memref<8x2048xf32, #tpu.memory_space<vmem>>) target(%dma_start3A_392 : memref<8x2048xf32, #tpu.memory_space<hbm>>) target_semaphore(%run_scoped3A : memref<!tpu.dma_semaphore, #tpu.memory_space<semaphore_mem>>)
      %dma_wait3A_393 = arith.constant 0 : i32
      %dma_wait3A_394 = tpu.memref_slice %arg4[%add3A_117, %dma_wait3A_393] : memref<8192x2048xf32, #tpu.memory_space<hbm>> -> memref<8x2048xf32, #tpu.memory_space<hbm>>
      %dma_wait3A_395 = arith.constant 0 : i32
      %dma_wait3A_396 = tpu.memref_slice %arg4[%add3A_117, %dma_wait3A_395] : memref<8192x2048xf32, #tpu.memory_space<hbm>> -> memref<8x2048xf32, #tpu.memory_space<hbm>>
      tpu.wait_dma2 semaphore(%run_scoped3A : memref<!tpu.dma_semaphore, #tpu.memory_space<semaphore_mem>>) src(%arg18 : memref<8x2048xf32, #tpu.memory_space<vmem>>) dst(%dma_wait3A_396 : memref<8x2048xf32, #tpu.memory_space<hbm>>)
      tpu.yield
    }) : () -> ()
    %dma_start3A_118 = arith.constant 80 : i32
    %dma_start3A_119 = tpu.memref_slice %arg17[%dma_start3A_118] : memref<256xi32, #tpu.memory_space<vmem>> -> memref<8xi32, #tpu.memory_space<vmem>>
    %dma_start3A_120 = arith.constant 0 : i32
    %dma_start3A_121 = arith.constant 0 : i32
    %dma_start3A_122 = tpu.memref_slice %arg3[%dma_start3A_120, %dma_start3A_121] : memref<16384x2048xf32, #tpu.memory_space<hbm>> -> memref<16384x2048xf32, #tpu.memory_space<hbm>>
    tpu.enqueue_indirect_dma source(%dma_start3A_122 : memref<16384x2048xf32, #tpu.memory_space<hbm>>) target(%arg18 : memref<8x2048xf32, #tpu.memory_space<vmem>>) offsets(%dma_start3A_119 : memref<8xi32, #tpu.memory_space<vmem>>) semaphore(%arg21 : memref<!tpu.dma_semaphore, #tpu.memory_space<semaphore_mem>>)
    %dma_wait3A_123 = arith.constant 72 : i32
    %dma_wait3A_124 = tpu.memref_slice %arg17[%dma_wait3A_123] : memref<256xi32, #tpu.memory_space<vmem>> -> memref<8xi32, #tpu.memory_space<vmem>>
    %dma_wait3A_125 = arith.constant 0 : i32
    %dma_wait3A_126 = arith.constant 0 : i32
    %dma_wait3A_127 = tpu.memref_slice %arg3[%dma_wait3A_125, %dma_wait3A_126] : memref<16384x2048xf32, #tpu.memory_space<hbm>> -> memref<16384x2048xf32, #tpu.memory_space<hbm>>
    tpu.wait_indirect_dma semaphore(%arg22 : memref<!tpu.dma_semaphore, #tpu.memory_space<semaphore_mem>>) src(%dma_wait3A_127 : memref<16384x2048xf32, #tpu.memory_space<hbm>>) dst(%arg19 : memref<8x2048xf32, #tpu.memory_space<vmem>>)
    %add3A_128 = arith.constant 72 : i32
    %add3A_129 = arith.addi %add3A, %add3A_128 : i32
    "tpu.region"() ({
      %run_scoped3A = tpu.sem_alloc : memref<!tpu.dma_semaphore, #tpu.memory_space<semaphore_mem>>
      %dma_start3A_389 = arith.constant 0 : i32
      %dma_start3A_390 = tpu.memref_slice %arg4[%add3A_129, %dma_start3A_389] : memref<8192x2048xf32, #tpu.memory_space<hbm>> -> memref<8x2048xf32, #tpu.memory_space<hbm>>
      %dma_start3A_391 = arith.constant 0 : i32
      %dma_start3A_392 = tpu.memref_slice %arg4[%add3A_129, %dma_start3A_391] : memref<8192x2048xf32, #tpu.memory_space<hbm>> -> memref<8x2048xf32, #tpu.memory_space<hbm>>
      tpu.enqueue_dma source(%arg19 : memref<8x2048xf32, #tpu.memory_space<vmem>>) target(%dma_start3A_392 : memref<8x2048xf32, #tpu.memory_space<hbm>>) target_semaphore(%run_scoped3A : memref<!tpu.dma_semaphore, #tpu.memory_space<semaphore_mem>>)
      %dma_wait3A_393 = arith.constant 0 : i32
      %dma_wait3A_394 = tpu.memref_slice %arg4[%add3A_129, %dma_wait3A_393] : memref<8192x2048xf32, #tpu.memory_space<hbm>> -> memref<8x2048xf32, #tpu.memory_space<hbm>>
      %dma_wait3A_395 = arith.constant 0 : i32
      %dma_wait3A_396 = tpu.memref_slice %arg4[%add3A_129, %dma_wait3A_395] : memref<8192x2048xf32, #tpu.memory_space<hbm>> -> memref<8x2048xf32, #tpu.memory_space<hbm>>
      tpu.wait_dma2 semaphore(%run_scoped3A : memref<!tpu.dma_semaphore, #tpu.memory_space<semaphore_mem>>) src(%arg19 : memref<8x2048xf32, #tpu.memory_space<vmem>>) dst(%dma_wait3A_396 : memref<8x2048xf32, #tpu.memory_space<hbm>>)
      tpu.yield
    }) : () -> ()
    %dma_start3A_130 = arith.constant 88 : i32
    %dma_start3A_131 = tpu.memref_slice %arg17[%dma_start3A_130] : memref<256xi32, #tpu.memory_space<vmem>> -> memref<8xi32, #tpu.memory_space<vmem>>
    %dma_start3A_132 = arith.constant 0 : i32
    %dma_start3A_133 = arith.constant 0 : i32
    %dma_start3A_134 = tpu.memref_slice %arg3[%dma_start3A_132, %dma_start3A_133] : memref<16384x2048xf32, #tpu.memory_space<hbm>> -> memref<16384x2048xf32, #tpu.memory_space<hbm>>
    tpu.enqueue_indirect_dma source(%dma_start3A_134 : memref<16384x2048xf32, #tpu.memory_space<hbm>>) target(%arg19 : memref<8x2048xf32, #tpu.memory_space<vmem>>) offsets(%dma_start3A_131 : memref<8xi32, #tpu.memory_space<vmem>>) semaphore(%arg22 : memref<!tpu.dma_semaphore, #tpu.memory_space<semaphore_mem>>)
    %dma_wait3A_135 = arith.constant 80 : i32
    %dma_wait3A_136 = tpu.memref_slice %arg17[%dma_wait3A_135] : memref<256xi32, #tpu.memory_space<vmem>> -> memref<8xi32, #tpu.memory_space<vmem>>
    %dma_wait3A_137 = arith.constant 0 : i32
    %dma_wait3A_138 = arith.constant 0 : i32
    %dma_wait3A_139 = tpu.memref_slice %arg3[%dma_wait3A_137, %dma_wait3A_138] : memref<16384x2048xf32, #tpu.memory_space<hbm>> -> memref<16384x2048xf32, #tpu.memory_space<hbm>>
    tpu.wait_indirect_dma semaphore(%arg21 : memref<!tpu.dma_semaphore, #tpu.memory_space<semaphore_mem>>) src(%dma_wait3A_139 : memref<16384x2048xf32, #tpu.memory_space<hbm>>) dst(%arg18 : memref<8x2048xf32, #tpu.memory_space<vmem>>)
    %add3A_140 = arith.constant 80 : i32
    %add3A_141 = arith.addi %add3A, %add3A_140 : i32
    "tpu.region"() ({
      %run_scoped3A = tpu.sem_alloc : memref<!tpu.dma_semaphore, #tpu.memory_space<semaphore_mem>>
      %dma_start3A_389 = arith.constant 0 : i32
      %dma_start3A_390 = tpu.memref_slice %arg4[%add3A_141, %dma_start3A_389] : memref<8192x2048xf32, #tpu.memory_space<hbm>> -> memref<8x2048xf32, #tpu.memory_space<hbm>>
      %dma_start3A_391 = arith.constant 0 : i32
      %dma_start3A_392 = tpu.memref_slice %arg4[%add3A_141, %dma_start3A_391] : memref<8192x2048xf32, #tpu.memory_space<hbm>> -> memref<8x2048xf32, #tpu.memory_space<hbm>>
      tpu.enqueue_dma source(%arg18 : memref<8x2048xf32, #tpu.memory_space<vmem>>) target(%dma_start3A_392 : memref<8x2048xf32, #tpu.memory_space<hbm>>) target_semaphore(%run_scoped3A : memref<!tpu.dma_semaphore, #tpu.memory_space<semaphore_mem>>)
      %dma_wait3A_393 = arith.constant 0 : i32
      %dma_wait3A_394 = tpu.memref_slice %arg4[%add3A_141, %dma_wait3A_393] : memref<8192x2048xf32, #tpu.memory_space<hbm>> -> memref<8x2048xf32, #tpu.memory_space<hbm>>
      %dma_wait3A_395 = arith.constant 0 : i32
      %dma_wait3A_396 = tpu.memref_slice %arg4[%add3A_141, %dma_wait3A_395] : memref<8192x2048xf32, #tpu.memory_space<hbm>> -> memref<8x2048xf32, #tpu.memory_space<hbm>>
      tpu.wait_dma2 semaphore(%run_scoped3A : memref<!tpu.dma_semaphore, #tpu.memory_space<semaphore_mem>>) src(%arg18 : memref<8x2048xf32, #tpu.memory_space<vmem>>) dst(%dma_wait3A_396 : memref<8x2048xf32, #tpu.memory_space<hbm>>)
      tpu.yield
    }) : () -> ()
    %dma_start3A_142 = arith.constant 96 : i32
    %dma_start3A_143 = tpu.memref_slice %arg17[%dma_start3A_142] : memref<256xi32, #tpu.memory_space<vmem>> -> memref<8xi32, #tpu.memory_space<vmem>>
    %dma_start3A_144 = arith.constant 0 : i32
    %dma_start3A_145 = arith.constant 0 : i32
    %dma_start3A_146 = tpu.memref_slice %arg3[%dma_start3A_144, %dma_start3A_145] : memref<16384x2048xf32, #tpu.memory_space<hbm>> -> memref<16384x2048xf32, #tpu.memory_space<hbm>>
    tpu.enqueue_indirect_dma source(%dma_start3A_146 : memref<16384x2048xf32, #tpu.memory_space<hbm>>) target(%arg18 : memref<8x2048xf32, #tpu.memory_space<vmem>>) offsets(%dma_start3A_143 : memref<8xi32, #tpu.memory_space<vmem>>) semaphore(%arg21 : memref<!tpu.dma_semaphore, #tpu.memory_space<semaphore_mem>>)
    %dma_wait3A_147 = arith.constant 88 : i32
    %dma_wait3A_148 = tpu.memref_slice %arg17[%dma_wait3A_147] : memref<256xi32, #tpu.memory_space<vmem>> -> memref<8xi32, #tpu.memory_space<vmem>>
    %dma_wait3A_149 = arith.constant 0 : i32
    %dma_wait3A_150 = arith.constant 0 : i32
    %dma_wait3A_151 = tpu.memref_slice %arg3[%dma_wait3A_149, %dma_wait3A_150] : memref<16384x2048xf32, #tpu.memory_space<hbm>> -> memref<16384x2048xf32, #tpu.memory_space<hbm>>
    tpu.wait_indirect_dma semaphore(%arg22 : memref<!tpu.dma_semaphore, #tpu.memory_space<semaphore_mem>>) src(%dma_wait3A_151 : memref<16384x2048xf32, #tpu.memory_space<hbm>>) dst(%arg19 : memref<8x2048xf32, #tpu.memory_space<vmem>>)
    %add3A_152 = arith.constant 88 : i32
    %add3A_153 = arith.addi %add3A, %add3A_152 : i32
    "tpu.region"() ({
      %run_scoped3A = tpu.sem_alloc : memref<!tpu.dma_semaphore, #tpu.memory_space<semaphore_mem>>
      %dma_start3A_389 = arith.constant 0 : i32
      %dma_start3A_390 = tpu.memref_slice %arg4[%add3A_153, %dma_start3A_389] : memref<8192x2048xf32, #tpu.memory_space<hbm>> -> memref<8x2048xf32, #tpu.memory_space<hbm>>
      %dma_start3A_391 = arith.constant 0 : i32
      %dma_start3A_392 = tpu.memref_slice %arg4[%add3A_153, %dma_start3A_391] : memref<8192x2048xf32, #tpu.memory_space<hbm>> -> memref<8x2048xf32, #tpu.memory_space<hbm>>
      tpu.enqueue_dma source(%arg19 : memref<8x2048xf32, #tpu.memory_space<vmem>>) target(%dma_start3A_392 : memref<8x2048xf32, #tpu.memory_space<hbm>>) target_semaphore(%run_scoped3A : memref<!tpu.dma_semaphore, #tpu.memory_space<semaphore_mem>>)
      %dma_wait3A_393 = arith.constant 0 : i32
      %dma_wait3A_394 = tpu.memref_slice %arg4[%add3A_153, %dma_wait3A_393] : memref<8192x2048xf32, #tpu.memory_space<hbm>> -> memref<8x2048xf32, #tpu.memory_space<hbm>>
      %dma_wait3A_395 = arith.constant 0 : i32
      %dma_wait3A_396 = tpu.memref_slice %arg4[%add3A_153, %dma_wait3A_395] : memref<8192x2048xf32, #tpu.memory_space<hbm>> -> memref<8x2048xf32, #tpu.memory_space<hbm>>
      tpu.wait_dma2 semaphore(%run_scoped3A : memref<!tpu.dma_semaphore, #tpu.memory_space<semaphore_mem>>) src(%arg19 : memref<8x2048xf32, #tpu.memory_space<vmem>>) dst(%dma_wait3A_396 : memref<8x2048xf32, #tpu.memory_space<hbm>>)
      tpu.yield
    }) : () -> ()
    %dma_start3A_154 = arith.constant 104 : i32
    %dma_start3A_155 = tpu.memref_slice %arg17[%dma_start3A_154] : memref<256xi32, #tpu.memory_space<vmem>> -> memref<8xi32, #tpu.memory_space<vmem>>
    %dma_start3A_156 = arith.constant 0 : i32
    %dma_start3A_157 = arith.constant 0 : i32
    %dma_start3A_158 = tpu.memref_slice %arg3[%dma_start3A_156, %dma_start3A_157] : memref<16384x2048xf32, #tpu.memory_space<hbm>> -> memref<16384x2048xf32, #tpu.memory_space<hbm>>
    tpu.enqueue_indirect_dma source(%dma_start3A_158 : memref<16384x2048xf32, #tpu.memory_space<hbm>>) target(%arg19 : memref<8x2048xf32, #tpu.memory_space<vmem>>) offsets(%dma_start3A_155 : memref<8xi32, #tpu.memory_space<vmem>>) semaphore(%arg22 : memref<!tpu.dma_semaphore, #tpu.memory_space<semaphore_mem>>)
    %dma_wait3A_159 = arith.constant 96 : i32
    %dma_wait3A_160 = tpu.memref_slice %arg17[%dma_wait3A_159] : memref<256xi32, #tpu.memory_space<vmem>> -> memref<8xi32, #tpu.memory_space<vmem>>
    %dma_wait3A_161 = arith.constant 0 : i32
    %dma_wait3A_162 = arith.constant 0 : i32
    %dma_wait3A_163 = tpu.memref_slice %arg3[%dma_wait3A_161, %dma_wait3A_162] : memref<16384x2048xf32, #tpu.memory_space<hbm>> -> memref<16384x2048xf32, #tpu.memory_space<hbm>>
    tpu.wait_indirect_dma semaphore(%arg21 : memref<!tpu.dma_semaphore, #tpu.memory_space<semaphore_mem>>) src(%dma_wait3A_163 : memref<16384x2048xf32, #tpu.memory_space<hbm>>) dst(%arg18 : memref<8x2048xf32, #tpu.memory_space<vmem>>)
    %add3A_164 = arith.constant 96 : i32
    %add3A_165 = arith.addi %add3A, %add3A_164 : i32
    "tpu.region"() ({
      %run_scoped3A = tpu.sem_alloc : memref<!tpu.dma_semaphore, #tpu.memory_space<semaphore_mem>>
      %dma_start3A_389 = arith.constant 0 : i32
      %dma_start3A_390 = tpu.memref_slice %arg4[%add3A_165, %dma_start3A_389] : memref<8192x2048xf32, #tpu.memory_space<hbm>> -> memref<8x2048xf32, #tpu.memory_space<hbm>>
      %dma_start3A_391 = arith.constant 0 : i32
      %dma_start3A_392 = tpu.memref_slice %arg4[%add3A_165, %dma_start3A_391] : memref<8192x2048xf32, #tpu.memory_space<hbm>> -> memref<8x2048xf32, #tpu.memory_space<hbm>>
      tpu.enqueue_dma source(%arg18 : memref<8x2048xf32, #tpu.memory_space<vmem>>) target(%dma_start3A_392 : memref<8x2048xf32, #tpu.memory_space<hbm>>) target_semaphore(%run_scoped3A : memref<!tpu.dma_semaphore, #tpu.memory_space<semaphore_mem>>)
      %dma_wait3A_393 = arith.constant 0 : i32
      %dma_wait3A_394 = tpu.memref_slice %arg4[%add3A_165, %dma_wait3A_393] : memref<8192x2048xf32, #tpu.memory_space<hbm>> -> memref<8x2048xf32, #tpu.memory_space<hbm>>
      %dma_wait3A_395 = arith.constant 0 : i32
      %dma_wait3A_396 = tpu.memref_slice %arg4[%add3A_165, %dma_wait3A_395] : memref<8192x2048xf32, #tpu.memory_space<hbm>> -> memref<8x2048xf32, #tpu.memory_space<hbm>>
      tpu.wait_dma2 semaphore(%run_scoped3A : memref<!tpu.dma_semaphore, #tpu.memory_space<semaphore_mem>>) src(%arg18 : memref<8x2048xf32, #tpu.memory_space<vmem>>) dst(%dma_wait3A_396 : memref<8x2048xf32, #tpu.memory_space<hbm>>)
      tpu.yield
    }) : () -> ()
    %dma_start3A_166 = arith.constant 112 : i32
    %dma_start3A_167 = tpu.memref_slice %arg17[%dma_start3A_166] : memref<256xi32, #tpu.memory_space<vmem>> -> memref<8xi32, #tpu.memory_space<vmem>>
    %dma_start3A_168 = arith.constant 0 : i32
    %dma_start3A_169 = arith.constant 0 : i32
    %dma_start3A_170 = tpu.memref_slice %arg3[%dma_start3A_168, %dma_start3A_169] : memref<16384x2048xf32, #tpu.memory_space<hbm>> -> memref<16384x2048xf32, #tpu.memory_space<hbm>>
    tpu.enqueue_indirect_dma source(%dma_start3A_170 : memref<16384x2048xf32, #tpu.memory_space<hbm>>) target(%arg18 : memref<8x2048xf32, #tpu.memory_space<vmem>>) offsets(%dma_start3A_167 : memref<8xi32, #tpu.memory_space<vmem>>) semaphore(%arg21 : memref<!tpu.dma_semaphore, #tpu.memory_space<semaphore_mem>>)
    %dma_wait3A_171 = arith.constant 104 : i32
    %dma_wait3A_172 = tpu.memref_slice %arg17[%dma_wait3A_171] : memref<256xi32, #tpu.memory_space<vmem>> -> memref<8xi32, #tpu.memory_space<vmem>>
    %dma_wait3A_173 = arith.constant 0 : i32
    %dma_wait3A_174 = arith.constant 0 : i32
    %dma_wait3A_175 = tpu.memref_slice %arg3[%dma_wait3A_173, %dma_wait3A_174] : memref<16384x2048xf32, #tpu.memory_space<hbm>> -> memref<16384x2048xf32, #tpu.memory_space<hbm>>
    tpu.wait_indirect_dma semaphore(%arg22 : memref<!tpu.dma_semaphore, #tpu.memory_space<semaphore_mem>>) src(%dma_wait3A_175 : memref<16384x2048xf32, #tpu.memory_space<hbm>>) dst(%arg19 : memref<8x2048xf32, #tpu.memory_space<vmem>>)
    %add3A_176 = arith.constant 104 : i32
    %add3A_177 = arith.addi %add3A, %add3A_176 : i32
    "tpu.region"() ({
      %run_scoped3A = tpu.sem_alloc : memref<!tpu.dma_semaphore, #tpu.memory_space<semaphore_mem>>
      %dma_start3A_389 = arith.constant 0 : i32
      %dma_start3A_390 = tpu.memref_slice %arg4[%add3A_177, %dma_start3A_389] : memref<8192x2048xf32, #tpu.memory_space<hbm>> -> memref<8x2048xf32, #tpu.memory_space<hbm>>
      %dma_start3A_391 = arith.constant 0 : i32
      %dma_start3A_392 = tpu.memref_slice %arg4[%add3A_177, %dma_start3A_391] : memref<8192x2048xf32, #tpu.memory_space<hbm>> -> memref<8x2048xf32, #tpu.memory_space<hbm>>
      tpu.enqueue_dma source(%arg19 : memref<8x2048xf32, #tpu.memory_space<vmem>>) target(%dma_start3A_392 : memref<8x2048xf32, #tpu.memory_space<hbm>>) target_semaphore(%run_scoped3A : memref<!tpu.dma_semaphore, #tpu.memory_space<semaphore_mem>>)
      %dma_wait3A_393 = arith.constant 0 : i32
      %dma_wait3A_394 = tpu.memref_slice %arg4[%add3A_177, %dma_wait3A_393] : memref<8192x2048xf32, #tpu.memory_space<hbm>> -> memref<8x2048xf32, #tpu.memory_space<hbm>>
      %dma_wait3A_395 = arith.constant 0 : i32
      %dma_wait3A_396 = tpu.memref_slice %arg4[%add3A_177, %dma_wait3A_395] : memref<8192x2048xf32, #tpu.memory_space<hbm>> -> memref<8x2048xf32, #tpu.memory_space<hbm>>
      tpu.wait_dma2 semaphore(%run_scoped3A : memref<!tpu.dma_semaphore, #tpu.memory_space<semaphore_mem>>) src(%arg19 : memref<8x2048xf32, #tpu.memory_space<vmem>>) dst(%dma_wait3A_396 : memref<8x2048xf32, #tpu.memory_space<hbm>>)
      tpu.yield
    }) : () -> ()
    %dma_start3A_178 = arith.constant 120 : i32
    %dma_start3A_179 = tpu.memref_slice %arg17[%dma_start3A_178] : memref<256xi32, #tpu.memory_space<vmem>> -> memref<8xi32, #tpu.memory_space<vmem>>
    %dma_start3A_180 = arith.constant 0 : i32
    %dma_start3A_181 = arith.constant 0 : i32
    %dma_start3A_182 = tpu.memref_slice %arg3[%dma_start3A_180, %dma_start3A_181] : memref<16384x2048xf32, #tpu.memory_space<hbm>> -> memref<16384x2048xf32, #tpu.memory_space<hbm>>
    tpu.enqueue_indirect_dma source(%dma_start3A_182 : memref<16384x2048xf32, #tpu.memory_space<hbm>>) target(%arg19 : memref<8x2048xf32, #tpu.memory_space<vmem>>) offsets(%dma_start3A_179 : memref<8xi32, #tpu.memory_space<vmem>>) semaphore(%arg22 : memref<!tpu.dma_semaphore, #tpu.memory_space<semaphore_mem>>)
    %dma_wait3A_183 = arith.constant 112 : i32
    %dma_wait3A_184 = tpu.memref_slice %arg17[%dma_wait3A_183] : memref<256xi32, #tpu.memory_space<vmem>> -> memref<8xi32, #tpu.memory_space<vmem>>
    %dma_wait3A_185 = arith.constant 0 : i32
    %dma_wait3A_186 = arith.constant 0 : i32
    %dma_wait3A_187 = tpu.memref_slice %arg3[%dma_wait3A_185, %dma_wait3A_186] : memref<16384x2048xf32, #tpu.memory_space<hbm>> -> memref<16384x2048xf32, #tpu.memory_space<hbm>>
    tpu.wait_indirect_dma semaphore(%arg21 : memref<!tpu.dma_semaphore, #tpu.memory_space<semaphore_mem>>) src(%dma_wait3A_187 : memref<16384x2048xf32, #tpu.memory_space<hbm>>) dst(%arg18 : memref<8x2048xf32, #tpu.memory_space<vmem>>)
    %add3A_188 = arith.constant 112 : i32
    %add3A_189 = arith.addi %add3A, %add3A_188 : i32
    "tpu.region"() ({
      %run_scoped3A = tpu.sem_alloc : memref<!tpu.dma_semaphore, #tpu.memory_space<semaphore_mem>>
      %dma_start3A_389 = arith.constant 0 : i32
      %dma_start3A_390 = tpu.memref_slice %arg4[%add3A_189, %dma_start3A_389] : memref<8192x2048xf32, #tpu.memory_space<hbm>> -> memref<8x2048xf32, #tpu.memory_space<hbm>>
      %dma_start3A_391 = arith.constant 0 : i32
      %dma_start3A_392 = tpu.memref_slice %arg4[%add3A_189, %dma_start3A_391] : memref<8192x2048xf32, #tpu.memory_space<hbm>> -> memref<8x2048xf32, #tpu.memory_space<hbm>>
      tpu.enqueue_dma source(%arg18 : memref<8x2048xf32, #tpu.memory_space<vmem>>) target(%dma_start3A_392 : memref<8x2048xf32, #tpu.memory_space<hbm>>) target_semaphore(%run_scoped3A : memref<!tpu.dma_semaphore, #tpu.memory_space<semaphore_mem>>)
      %dma_wait3A_393 = arith.constant 0 : i32
      %dma_wait3A_394 = tpu.memref_slice %arg4[%add3A_189, %dma_wait3A_393] : memref<8192x2048xf32, #tpu.memory_space<hbm>> -> memref<8x2048xf32, #tpu.memory_space<hbm>>
      %dma_wait3A_395 = arith.constant 0 : i32
      %dma_wait3A_396 = tpu.memref_slice %arg4[%add3A_189, %dma_wait3A_395] : memref<8192x2048xf32, #tpu.memory_space<hbm>> -> memref<8x2048xf32, #tpu.memory_space<hbm>>
      tpu.wait_dma2 semaphore(%run_scoped3A : memref<!tpu.dma_semaphore, #tpu.memory_space<semaphore_mem>>) src(%arg18 : memref<8x2048xf32, #tpu.memory_space<vmem>>) dst(%dma_wait3A_396 : memref<8x2048xf32, #tpu.memory_space<hbm>>)
      tpu.yield
    }) : () -> ()
    %dma_start3A_190 = arith.constant 128 : i32
    %dma_start3A_191 = tpu.memref_slice %arg17[%dma_start3A_190] : memref<256xi32, #tpu.memory_space<vmem>> -> memref<8xi32, #tpu.memory_space<vmem>>
    %dma_start3A_192 = arith.constant 0 : i32
    %dma_start3A_193 = arith.constant 0 : i32
    %dma_start3A_194 = tpu.memref_slice %arg3[%dma_start3A_192, %dma_start3A_193] : memref<16384x2048xf32, #tpu.memory_space<hbm>> -> memref<16384x2048xf32, #tpu.memory_space<hbm>>
    tpu.enqueue_indirect_dma source(%dma_start3A_194 : memref<16384x2048xf32, #tpu.memory_space<hbm>>) target(%arg18 : memref<8x2048xf32, #tpu.memory_space<vmem>>) offsets(%dma_start3A_191 : memref<8xi32, #tpu.memory_space<vmem>>) semaphore(%arg21 : memref<!tpu.dma_semaphore, #tpu.memory_space<semaphore_mem>>)
    %dma_wait3A_195 = arith.constant 120 : i32
    %dma_wait3A_196 = tpu.memref_slice %arg17[%dma_wait3A_195] : memref<256xi32, #tpu.memory_space<vmem>> -> memref<8xi32, #tpu.memory_space<vmem>>
    %dma_wait3A_197 = arith.constant 0 : i32
    %dma_wait3A_198 = arith.constant 0 : i32
    %dma_wait3A_199 = tpu.memref_slice %arg3[%dma_wait3A_197, %dma_wait3A_198] : memref<16384x2048xf32, #tpu.memory_space<hbm>> -> memref<16384x2048xf32, #tpu.memory_space<hbm>>
    tpu.wait_indirect_dma semaphore(%arg22 : memref<!tpu.dma_semaphore, #tpu.memory_space<semaphore_mem>>) src(%dma_wait3A_199 : memref<16384x2048xf32, #tpu.memory_space<hbm>>) dst(%arg19 : memref<8x2048xf32, #tpu.memory_space<vmem>>)
    %add3A_200 = arith.constant 120 : i32
    %add3A_201 = arith.addi %add3A, %add3A_200 : i32
    "tpu.region"() ({
      %run_scoped3A = tpu.sem_alloc : memref<!tpu.dma_semaphore, #tpu.memory_space<semaphore_mem>>
      %dma_start3A_389 = arith.constant 0 : i32
      %dma_start3A_390 = tpu.memref_slice %arg4[%add3A_201, %dma_start3A_389] : memref<8192x2048xf32, #tpu.memory_space<hbm>> -> memref<8x2048xf32, #tpu.memory_space<hbm>>
      %dma_start3A_391 = arith.constant 0 : i32
      %dma_start3A_392 = tpu.memref_slice %arg4[%add3A_201, %dma_start3A_391] : memref<8192x2048xf32, #tpu.memory_space<hbm>> -> memref<8x2048xf32, #tpu.memory_space<hbm>>
      tpu.enqueue_dma source(%arg19 : memref<8x2048xf32, #tpu.memory_space<vmem>>) target(%dma_start3A_392 : memref<8x2048xf32, #tpu.memory_space<hbm>>) target_semaphore(%run_scoped3A : memref<!tpu.dma_semaphore, #tpu.memory_space<semaphore_mem>>)
      %dma_wait3A_393 = arith.constant 0 : i32
      %dma_wait3A_394 = tpu.memref_slice %arg4[%add3A_201, %dma_wait3A_393] : memref<8192x2048xf32, #tpu.memory_space<hbm>> -> memref<8x2048xf32, #tpu.memory_space<hbm>>
      %dma_wait3A_395 = arith.constant 0 : i32
      %dma_wait3A_396 = tpu.memref_slice %arg4[%add3A_201, %dma_wait3A_395] : memref<8192x2048xf32, #tpu.memory_space<hbm>> -> memref<8x2048xf32, #tpu.memory_space<hbm>>
      tpu.wait_dma2 semaphore(%run_scoped3A : memref<!tpu.dma_semaphore, #tpu.memory_space<semaphore_mem>>) src(%arg19 : memref<8x2048xf32, #tpu.memory_space<vmem>>) dst(%dma_wait3A_396 : memref<8x2048xf32, #tpu.memory_space<hbm>>)
      tpu.yield
    }) : () -> ()
    %dma_start3A_202 = arith.constant 136 : i32
    %dma_start3A_203 = tpu.memref_slice %arg17[%dma_start3A_202] : memref<256xi32, #tpu.memory_space<vmem>> -> memref<8xi32, #tpu.memory_space<vmem>>
    %dma_start3A_204 = arith.constant 0 : i32
    %dma_start3A_205 = arith.constant 0 : i32
    %dma_start3A_206 = tpu.memref_slice %arg3[%dma_start3A_204, %dma_start3A_205] : memref<16384x2048xf32, #tpu.memory_space<hbm>> -> memref<16384x2048xf32, #tpu.memory_space<hbm>>
    tpu.enqueue_indirect_dma source(%dma_start3A_206 : memref<16384x2048xf32, #tpu.memory_space<hbm>>) target(%arg19 : memref<8x2048xf32, #tpu.memory_space<vmem>>) offsets(%dma_start3A_203 : memref<8xi32, #tpu.memory_space<vmem>>) semaphore(%arg22 : memref<!tpu.dma_semaphore, #tpu.memory_space<semaphore_mem>>)
    %dma_wait3A_207 = arith.constant 128 : i32
    %dma_wait3A_208 = tpu.memref_slice %arg17[%dma_wait3A_207] : memref<256xi32, #tpu.memory_space<vmem>> -> memref<8xi32, #tpu.memory_space<vmem>>
    %dma_wait3A_209 = arith.constant 0 : i32
    %dma_wait3A_210 = arith.constant 0 : i32
    %dma_wait3A_211 = tpu.memref_slice %arg3[%dma_wait3A_209, %dma_wait3A_210] : memref<16384x2048xf32, #tpu.memory_space<hbm>> -> memref<16384x2048xf32, #tpu.memory_space<hbm>>
    tpu.wait_indirect_dma semaphore(%arg21 : memref<!tpu.dma_semaphore, #tpu.memory_space<semaphore_mem>>) src(%dma_wait3A_211 : memref<16384x2048xf32, #tpu.memory_space<hbm>>) dst(%arg18 : memref<8x2048xf32, #tpu.memory_space<vmem>>)
    %add3A_212 = arith.constant 128 : i32
    %add3A_213 = arith.addi %add3A, %add3A_212 : i32
    "tpu.region"() ({
      %run_scoped3A = tpu.sem_alloc : memref<!tpu.dma_semaphore, #tpu.memory_space<semaphore_mem>>
      %dma_start3A_389 = arith.constant 0 : i32
      %dma_start3A_390 = tpu.memref_slice %arg4[%add3A_213, %dma_start3A_389] : memref<8192x2048xf32, #tpu.memory_space<hbm>> -> memref<8x2048xf32, #tpu.memory_space<hbm>>
      %dma_start3A_391 = arith.constant 0 : i32
      %dma_start3A_392 = tpu.memref_slice %arg4[%add3A_213, %dma_start3A_391] : memref<8192x2048xf32, #tpu.memory_space<hbm>> -> memref<8x2048xf32, #tpu.memory_space<hbm>>
      tpu.enqueue_dma source(%arg18 : memref<8x2048xf32, #tpu.memory_space<vmem>>) target(%dma_start3A_392 : memref<8x2048xf32, #tpu.memory_space<hbm>>) target_semaphore(%run_scoped3A : memref<!tpu.dma_semaphore, #tpu.memory_space<semaphore_mem>>)
      %dma_wait3A_393 = arith.constant 0 : i32
      %dma_wait3A_394 = tpu.memref_slice %arg4[%add3A_213, %dma_wait3A_393] : memref<8192x2048xf32, #tpu.memory_space<hbm>> -> memref<8x2048xf32, #tpu.memory_space<hbm>>
      %dma_wait3A_395 = arith.constant 0 : i32
      %dma_wait3A_396 = tpu.memref_slice %arg4[%add3A_213, %dma_wait3A_395] : memref<8192x2048xf32, #tpu.memory_space<hbm>> -> memref<8x2048xf32, #tpu.memory_space<hbm>>
      tpu.wait_dma2 semaphore(%run_scoped3A : memref<!tpu.dma_semaphore, #tpu.memory_space<semaphore_mem>>) src(%arg18 : memref<8x2048xf32, #tpu.memory_space<vmem>>) dst(%dma_wait3A_396 : memref<8x2048xf32, #tpu.memory_space<hbm>>)
      tpu.yield
    }) : () -> ()
    %dma_start3A_214 = arith.constant 144 : i32
    %dma_start3A_215 = tpu.memref_slice %arg17[%dma_start3A_214] : memref<256xi32, #tpu.memory_space<vmem>> -> memref<8xi32, #tpu.memory_space<vmem>>
    %dma_start3A_216 = arith.constant 0 : i32
    %dma_start3A_217 = arith.constant 0 : i32
    %dma_start3A_218 = tpu.memref_slice %arg3[%dma_start3A_216, %dma_start3A_217] : memref<16384x2048xf32, #tpu.memory_space<hbm>> -> memref<16384x2048xf32, #tpu.memory_space<hbm>>
    tpu.enqueue_indirect_dma source(%dma_start3A_218 : memref<16384x2048xf32, #tpu.memory_space<hbm>>) target(%arg18 : memref<8x2048xf32, #tpu.memory_space<vmem>>) offsets(%dma_start3A_215 : memref<8xi32, #tpu.memory_space<vmem>>) semaphore(%arg21 : memref<!tpu.dma_semaphore, #tpu.memory_space<semaphore_mem>>)
    %dma_wait3A_219 = arith.constant 136 : i32
    %dma_wait3A_220 = tpu.memref_slice %arg17[%dma_wait3A_219] : memref<256xi32, #tpu.memory_space<vmem>> -> memref<8xi32, #tpu.memory_space<vmem>>
    %dma_wait3A_221 = arith.constant 0 : i32
    %dma_wait3A_222 = arith.constant 0 : i32
    %dma_wait3A_223 = tpu.memref_slice %arg3[%dma_wait3A_221, %dma_wait3A_222] : memref<16384x2048xf32, #tpu.memory_space<hbm>> -> memref<16384x2048xf32, #tpu.memory_space<hbm>>
    tpu.wait_indirect_dma semaphore(%arg22 : memref<!tpu.dma_semaphore, #tpu.memory_space<semaphore_mem>>) src(%dma_wait3A_223 : memref<16384x2048xf32, #tpu.memory_space<hbm>>) dst(%arg19 : memref<8x2048xf32, #tpu.memory_space<vmem>>)
    %add3A_224 = arith.constant 136 : i32
    %add3A_225 = arith.addi %add3A, %add3A_224 : i32
    "tpu.region"() ({
      %run_scoped3A = tpu.sem_alloc : memref<!tpu.dma_semaphore, #tpu.memory_space<semaphore_mem>>
      %dma_start3A_389 = arith.constant 0 : i32
      %dma_start3A_390 = tpu.memref_slice %arg4[%add3A_225, %dma_start3A_389] : memref<8192x2048xf32, #tpu.memory_space<hbm>> -> memref<8x2048xf32, #tpu.memory_space<hbm>>
      %dma_start3A_391 = arith.constant 0 : i32
      %dma_start3A_392 = tpu.memref_slice %arg4[%add3A_225, %dma_start3A_391] : memref<8192x2048xf32, #tpu.memory_space<hbm>> -> memref<8x2048xf32, #tpu.memory_space<hbm>>
      tpu.enqueue_dma source(%arg19 : memref<8x2048xf32, #tpu.memory_space<vmem>>) target(%dma_start3A_392 : memref<8x2048xf32, #tpu.memory_space<hbm>>) target_semaphore(%run_scoped3A : memref<!tpu.dma_semaphore, #tpu.memory_space<semaphore_mem>>)
      %dma_wait3A_393 = arith.constant 0 : i32
      %dma_wait3A_394 = tpu.memref_slice %arg4[%add3A_225, %dma_wait3A_393] : memref<8192x2048xf32, #tpu.memory_space<hbm>> -> memref<8x2048xf32, #tpu.memory_space<hbm>>
      %dma_wait3A_395 = arith.constant 0 : i32
      %dma_wait3A_396 = tpu.memref_slice %arg4[%add3A_225, %dma_wait3A_395] : memref<8192x2048xf32, #tpu.memory_space<hbm>> -> memref<8x2048xf32, #tpu.memory_space<hbm>>
      tpu.wait_dma2 semaphore(%run_scoped3A : memref<!tpu.dma_semaphore, #tpu.memory_space<semaphore_mem>>) src(%arg19 : memref<8x2048xf32, #tpu.memory_space<vmem>>) dst(%dma_wait3A_396 : memref<8x2048xf32, #tpu.memory_space<hbm>>)
      tpu.yield
    }) : () -> ()
    %dma_start3A_226 = arith.constant 152 : i32
    %dma_start3A_227 = tpu.memref_slice %arg17[%dma_start3A_226] : memref<256xi32, #tpu.memory_space<vmem>> -> memref<8xi32, #tpu.memory_space<vmem>>
    %dma_start3A_228 = arith.constant 0 : i32
    %dma_start3A_229 = arith.constant 0 : i32
    %dma_start3A_230 = tpu.memref_slice %arg3[%dma_start3A_228, %dma_start3A_229] : memref<16384x2048xf32, #tpu.memory_space<hbm>> -> memref<16384x2048xf32, #tpu.memory_space<hbm>>
    tpu.enqueue_indirect_dma source(%dma_start3A_230 : memref<16384x2048xf32, #tpu.memory_space<hbm>>) target(%arg19 : memref<8x2048xf32, #tpu.memory_space<vmem>>) offsets(%dma_start3A_227 : memref<8xi32, #tpu.memory_space<vmem>>) semaphore(%arg22 : memref<!tpu.dma_semaphore, #tpu.memory_space<semaphore_mem>>)
    %dma_wait3A_231 = arith.constant 144 : i32
    %dma_wait3A_232 = tpu.memref_slice %arg17[%dma_wait3A_231] : memref<256xi32, #tpu.memory_space<vmem>> -> memref<8xi32, #tpu.memory_space<vmem>>
    %dma_wait3A_233 = arith.constant 0 : i32
    %dma_wait3A_234 = arith.constant 0 : i32
    %dma_wait3A_235 = tpu.memref_slice %arg3[%dma_wait3A_233, %dma_wait3A_234] : memref<16384x2048xf32, #tpu.memory_space<hbm>> -> memref<16384x2048xf32, #tpu.memory_space<hbm>>
    tpu.wait_indirect_dma semaphore(%arg21 : memref<!tpu.dma_semaphore, #tpu.memory_space<semaphore_mem>>) src(%dma_wait3A_235 : memref<16384x2048xf32, #tpu.memory_space<hbm>>) dst(%arg18 : memref<8x2048xf32, #tpu.memory_space<vmem>>)
    %add3A_236 = arith.constant 144 : i32
    %add3A_237 = arith.addi %add3A, %add3A_236 : i32
    "tpu.region"() ({
      %run_scoped3A = tpu.sem_alloc : memref<!tpu.dma_semaphore, #tpu.memory_space<semaphore_mem>>
      %dma_start3A_389 = arith.constant 0 : i32
      %dma_start3A_390 = tpu.memref_slice %arg4[%add3A_237, %dma_start3A_389] : memref<8192x2048xf32, #tpu.memory_space<hbm>> -> memref<8x2048xf32, #tpu.memory_space<hbm>>
      %dma_start3A_391 = arith.constant 0 : i32
      %dma_start3A_392 = tpu.memref_slice %arg4[%add3A_237, %dma_start3A_391] : memref<8192x2048xf32, #tpu.memory_space<hbm>> -> memref<8x2048xf32, #tpu.memory_space<hbm>>
      tpu.enqueue_dma source(%arg18 : memref<8x2048xf32, #tpu.memory_space<vmem>>) target(%dma_start3A_392 : memref<8x2048xf32, #tpu.memory_space<hbm>>) target_semaphore(%run_scoped3A : memref<!tpu.dma_semaphore, #tpu.memory_space<semaphore_mem>>)
      %dma_wait3A_393 = arith.constant 0 : i32
      %dma_wait3A_394 = tpu.memref_slice %arg4[%add3A_237, %dma_wait3A_393] : memref<8192x2048xf32, #tpu.memory_space<hbm>> -> memref<8x2048xf32, #tpu.memory_space<hbm>>
      %dma_wait3A_395 = arith.constant 0 : i32
      %dma_wait3A_396 = tpu.memref_slice %arg4[%add3A_237, %dma_wait3A_395] : memref<8192x2048xf32, #tpu.memory_space<hbm>> -> memref<8x2048xf32, #tpu.memory_space<hbm>>
      tpu.wait_dma2 semaphore(%run_scoped3A : memref<!tpu.dma_semaphore, #tpu.memory_space<semaphore_mem>>) src(%arg18 : memref<8x2048xf32, #tpu.memory_space<vmem>>) dst(%dma_wait3A_396 : memref<8x2048xf32, #tpu.memory_space<hbm>>)
      tpu.yield
    }) : () -> ()
    %dma_start3A_238 = arith.constant 160 : i32
    %dma_start3A_239 = tpu.memref_slice %arg17[%dma_start3A_238] : memref<256xi32, #tpu.memory_space<vmem>> -> memref<8xi32, #tpu.memory_space<vmem>>
    %dma_start3A_240 = arith.constant 0 : i32
    %dma_start3A_241 = arith.constant 0 : i32
    %dma_start3A_242 = tpu.memref_slice %arg3[%dma_start3A_240, %dma_start3A_241] : memref<16384x2048xf32, #tpu.memory_space<hbm>> -> memref<16384x2048xf32, #tpu.memory_space<hbm>>
    tpu.enqueue_indirect_dma source(%dma_start3A_242 : memref<16384x2048xf32, #tpu.memory_space<hbm>>) target(%arg18 : memref<8x2048xf32, #tpu.memory_space<vmem>>) offsets(%dma_start3A_239 : memref<8xi32, #tpu.memory_space<vmem>>) semaphore(%arg21 : memref<!tpu.dma_semaphore, #tpu.memory_space<semaphore_mem>>)
    %dma_wait3A_243 = arith.constant 152 : i32
    %dma_wait3A_244 = tpu.memref_slice %arg17[%dma_wait3A_243] : memref<256xi32, #tpu.memory_space<vmem>> -> memref<8xi32, #tpu.memory_space<vmem>>
    %dma_wait3A_245 = arith.constant 0 : i32
    %dma_wait3A_246 = arith.constant 0 : i32
    %dma_wait3A_247 = tpu.memref_slice %arg3[%dma_wait3A_245, %dma_wait3A_246] : memref<16384x2048xf32, #tpu.memory_space<hbm>> -> memref<16384x2048xf32, #tpu.memory_space<hbm>>
    tpu.wait_indirect_dma semaphore(%arg22 : memref<!tpu.dma_semaphore, #tpu.memory_space<semaphore_mem>>) src(%dma_wait3A_247 : memref<16384x2048xf32, #tpu.memory_space<hbm>>) dst(%arg19 : memref<8x2048xf32, #tpu.memory_space<vmem>>)
    %add3A_248 = arith.constant 152 : i32
    %add3A_249 = arith.addi %add3A, %add3A_248 : i32
    "tpu.region"() ({
      %run_scoped3A = tpu.sem_alloc : memref<!tpu.dma_semaphore, #tpu.memory_space<semaphore_mem>>
      %dma_start3A_389 = arith.constant 0 : i32
      %dma_start3A_390 = tpu.memref_slice %arg4[%add3A_249, %dma_start3A_389] : memref<8192x2048xf32, #tpu.memory_space<hbm>> -> memref<8x2048xf32, #tpu.memory_space<hbm>>
      %dma_start3A_391 = arith.constant 0 : i32
      %dma_start3A_392 = tpu.memref_slice %arg4[%add3A_249, %dma_start3A_391] : memref<8192x2048xf32, #tpu.memory_space<hbm>> -> memref<8x2048xf32, #tpu.memory_space<hbm>>
      tpu.enqueue_dma source(%arg19 : memref<8x2048xf32, #tpu.memory_space<vmem>>) target(%dma_start3A_392 : memref<8x2048xf32, #tpu.memory_space<hbm>>) target_semaphore(%run_scoped3A : memref<!tpu.dma_semaphore, #tpu.memory_space<semaphore_mem>>)
      %dma_wait3A_393 = arith.constant 0 : i32
      %dma_wait3A_394 = tpu.memref_slice %arg4[%add3A_249, %dma_wait3A_393] : memref<8192x2048xf32, #tpu.memory_space<hbm>> -> memref<8x2048xf32, #tpu.memory_space<hbm>>
      %dma_wait3A_395 = arith.constant 0 : i32
      %dma_wait3A_396 = tpu.memref_slice %arg4[%add3A_249, %dma_wait3A_395] : memref<8192x2048xf32, #tpu.memory_space<hbm>> -> memref<8x2048xf32, #tpu.memory_space<hbm>>
      tpu.wait_dma2 semaphore(%run_scoped3A : memref<!tpu.dma_semaphore, #tpu.memory_space<semaphore_mem>>) src(%arg19 : memref<8x2048xf32, #tpu.memory_space<vmem>>) dst(%dma_wait3A_396 : memref<8x2048xf32, #tpu.memory_space<hbm>>)
      tpu.yield
    }) : () -> ()
    %dma_start3A_250 = arith.constant 168 : i32
    %dma_start3A_251 = tpu.memref_slice %arg17[%dma_start3A_250] : memref<256xi32, #tpu.memory_space<vmem>> -> memref<8xi32, #tpu.memory_space<vmem>>
    %dma_start3A_252 = arith.constant 0 : i32
    %dma_start3A_253 = arith.constant 0 : i32
    %dma_start3A_254 = tpu.memref_slice %arg3[%dma_start3A_252, %dma_start3A_253] : memref<16384x2048xf32, #tpu.memory_space<hbm>> -> memref<16384x2048xf32, #tpu.memory_space<hbm>>
    tpu.enqueue_indirect_dma source(%dma_start3A_254 : memref<16384x2048xf32, #tpu.memory_space<hbm>>) target(%arg19 : memref<8x2048xf32, #tpu.memory_space<vmem>>) offsets(%dma_start3A_251 : memref<8xi32, #tpu.memory_space<vmem>>) semaphore(%arg22 : memref<!tpu.dma_semaphore, #tpu.memory_space<semaphore_mem>>)
    %dma_wait3A_255 = arith.constant 160 : i32
    %dma_wait3A_256 = tpu.memref_slice %arg17[%dma_wait3A_255] : memref<256xi32, #tpu.memory_space<vmem>> -> memref<8xi32, #tpu.memory_space<vmem>>
    %dma_wait3A_257 = arith.constant 0 : i32
    %dma_wait3A_258 = arith.constant 0 : i32
    %dma_wait3A_259 = tpu.memref_slice %arg3[%dma_wait3A_257, %dma_wait3A_258] : memref<16384x2048xf32, #tpu.memory_space<hbm>> -> memref<16384x2048xf32, #tpu.memory_space<hbm>>
    tpu.wait_indirect_dma semaphore(%arg21 : memref<!tpu.dma_semaphore, #tpu.memory_space<semaphore_mem>>) src(%dma_wait3A_259 : memref<16384x2048xf32, #tpu.memory_space<hbm>>) dst(%arg18 : memref<8x2048xf32, #tpu.memory_space<vmem>>)
    %add3A_260 = arith.constant 160 : i32
    %add3A_261 = arith.addi %add3A, %add3A_260 : i32
    "tpu.region"() ({
      %run_scoped3A = tpu.sem_alloc : memref<!tpu.dma_semaphore, #tpu.memory_space<semaphore_mem>>
      %dma_start3A_389 = arith.constant 0 : i32
      %dma_start3A_390 = tpu.memref_slice %arg4[%add3A_261, %dma_start3A_389] : memref<8192x2048xf32, #tpu.memory_space<hbm>> -> memref<8x2048xf32, #tpu.memory_space<hbm>>
      %dma_start3A_391 = arith.constant 0 : i32
      %dma_start3A_392 = tpu.memref_slice %arg4[%add3A_261, %dma_start3A_391] : memref<8192x2048xf32, #tpu.memory_space<hbm>> -> memref<8x2048xf32, #tpu.memory_space<hbm>>
      tpu.enqueue_dma source(%arg18 : memref<8x2048xf32, #tpu.memory_space<vmem>>) target(%dma_start3A_392 : memref<8x2048xf32, #tpu.memory_space<hbm>>) target_semaphore(%run_scoped3A : memref<!tpu.dma_semaphore, #tpu.memory_space<semaphore_mem>>)
      %dma_wait3A_393 = arith.constant 0 : i32
      %dma_wait3A_394 = tpu.memref_slice %arg4[%add3A_261, %dma_wait3A_393] : memref<8192x2048xf32, #tpu.memory_space<hbm>> -> memref<8x2048xf32, #tpu.memory_space<hbm>>
      %dma_wait3A_395 = arith.constant 0 : i32
      %dma_wait3A_396 = tpu.memref_slice %arg4[%add3A_261, %dma_wait3A_395] : memref<8192x2048xf32, #tpu.memory_space<hbm>> -> memref<8x2048xf32, #tpu.memory_space<hbm>>
      tpu.wait_dma2 semaphore(%run_scoped3A : memref<!tpu.dma_semaphore, #tpu.memory_space<semaphore_mem>>) src(%arg18 : memref<8x2048xf32, #tpu.memory_space<vmem>>) dst(%dma_wait3A_396 : memref<8x2048xf32, #tpu.memory_space<hbm>>)
      tpu.yield
    }) : () -> ()
    %dma_start3A_262 = arith.constant 176 : i32
    %dma_start3A_263 = tpu.memref_slice %arg17[%dma_start3A_262] : memref<256xi32, #tpu.memory_space<vmem>> -> memref<8xi32, #tpu.memory_space<vmem>>
    %dma_start3A_264 = arith.constant 0 : i32
    %dma_start3A_265 = arith.constant 0 : i32
    %dma_start3A_266 = tpu.memref_slice %arg3[%dma_start3A_264, %dma_start3A_265] : memref<16384x2048xf32, #tpu.memory_space<hbm>> -> memref<16384x2048xf32, #tpu.memory_space<hbm>>
    tpu.enqueue_indirect_dma source(%dma_start3A_266 : memref<16384x2048xf32, #tpu.memory_space<hbm>>) target(%arg18 : memref<8x2048xf32, #tpu.memory_space<vmem>>) offsets(%dma_start3A_263 : memref<8xi32, #tpu.memory_space<vmem>>) semaphore(%arg21 : memref<!tpu.dma_semaphore, #tpu.memory_space<semaphore_mem>>)
    %dma_wait3A_267 = arith.constant 168 : i32
    %dma_wait3A_268 = tpu.memref_slice %arg17[%dma_wait3A_267] : memref<256xi32, #tpu.memory_space<vmem>> -> memref<8xi32, #tpu.memory_space<vmem>>
    %dma_wait3A_269 = arith.constant 0 : i32
    %dma_wait3A_270 = arith.constant 0 : i32
    %dma_wait3A_271 = tpu.memref_slice %arg3[%dma_wait3A_269, %dma_wait3A_270] : memref<16384x2048xf32, #tpu.memory_space<hbm>> -> memref<16384x2048xf32, #tpu.memory_space<hbm>>
    tpu.wait_indirect_dma semaphore(%arg22 : memref<!tpu.dma_semaphore, #tpu.memory_space<semaphore_mem>>) src(%dma_wait3A_271 : memref<16384x2048xf32, #tpu.memory_space<hbm>>) dst(%arg19 : memref<8x2048xf32, #tpu.memory_space<vmem>>)
    %add3A_272 = arith.constant 168 : i32
    %add3A_273 = arith.addi %add3A, %add3A_272 : i32
    "tpu.region"() ({
      %run_scoped3A = tpu.sem_alloc : memref<!tpu.dma_semaphore, #tpu.memory_space<semaphore_mem>>
      %dma_start3A_389 = arith.constant 0 : i32
      %dma_start3A_390 = tpu.memref_slice %arg4[%add3A_273, %dma_start3A_389] : memref<8192x2048xf32, #tpu.memory_space<hbm>> -> memref<8x2048xf32, #tpu.memory_space<hbm>>
      %dma_start3A_391 = arith.constant 0 : i32
      %dma_start3A_392 = tpu.memref_slice %arg4[%add3A_273, %dma_start3A_391] : memref<8192x2048xf32, #tpu.memory_space<hbm>> -> memref<8x2048xf32, #tpu.memory_space<hbm>>
      tpu.enqueue_dma source(%arg19 : memref<8x2048xf32, #tpu.memory_space<vmem>>) target(%dma_start3A_392 : memref<8x2048xf32, #tpu.memory_space<hbm>>) target_semaphore(%run_scoped3A : memref<!tpu.dma_semaphore, #tpu.memory_space<semaphore_mem>>)
      %dma_wait3A_393 = arith.constant 0 : i32
      %dma_wait3A_394 = tpu.memref_slice %arg4[%add3A_273, %dma_wait3A_393] : memref<8192x2048xf32, #tpu.memory_space<hbm>> -> memref<8x2048xf32, #tpu.memory_space<hbm>>
      %dma_wait3A_395 = arith.constant 0 : i32
      %dma_wait3A_396 = tpu.memref_slice %arg4[%add3A_273, %dma_wait3A_395] : memref<8192x2048xf32, #tpu.memory_space<hbm>> -> memref<8x2048xf32, #tpu.memory_space<hbm>>
      tpu.wait_dma2 semaphore(%run_scoped3A : memref<!tpu.dma_semaphore, #tpu.memory_space<semaphore_mem>>) src(%arg19 : memref<8x2048xf32, #tpu.memory_space<vmem>>) dst(%dma_wait3A_396 : memref<8x2048xf32, #tpu.memory_space<hbm>>)
      tpu.yield
    }) : () -> ()
    %dma_start3A_274 = arith.constant 184 : i32
    %dma_start3A_275 = tpu.memref_slice %arg17[%dma_start3A_274] : memref<256xi32, #tpu.memory_space<vmem>> -> memref<8xi32, #tpu.memory_space<vmem>>
    %dma_start3A_276 = arith.constant 0 : i32
    %dma_start3A_277 = arith.constant 0 : i32
    %dma_start3A_278 = tpu.memref_slice %arg3[%dma_start3A_276, %dma_start3A_277] : memref<16384x2048xf32, #tpu.memory_space<hbm>> -> memref<16384x2048xf32, #tpu.memory_space<hbm>>
    tpu.enqueue_indirect_dma source(%dma_start3A_278 : memref<16384x2048xf32, #tpu.memory_space<hbm>>) target(%arg19 : memref<8x2048xf32, #tpu.memory_space<vmem>>) offsets(%dma_start3A_275 : memref<8xi32, #tpu.memory_space<vmem>>) semaphore(%arg22 : memref<!tpu.dma_semaphore, #tpu.memory_space<semaphore_mem>>)
    %dma_wait3A_279 = arith.constant 176 : i32
    %dma_wait3A_280 = tpu.memref_slice %arg17[%dma_wait3A_279] : memref<256xi32, #tpu.memory_space<vmem>> -> memref<8xi32, #tpu.memory_space<vmem>>
    %dma_wait3A_281 = arith.constant 0 : i32
    %dma_wait3A_282 = arith.constant 0 : i32
    %dma_wait3A_283 = tpu.memref_slice %arg3[%dma_wait3A_281, %dma_wait3A_282] : memref<16384x2048xf32, #tpu.memory_space<hbm>> -> memref<16384x2048xf32, #tpu.memory_space<hbm>>
    tpu.wait_indirect_dma semaphore(%arg21 : memref<!tpu.dma_semaphore, #tpu.memory_space<semaphore_mem>>) src(%dma_wait3A_283 : memref<16384x2048xf32, #tpu.memory_space<hbm>>) dst(%arg18 : memref<8x2048xf32, #tpu.memory_space<vmem>>)
    %add3A_284 = arith.constant 176 : i32
    %add3A_285 = arith.addi %add3A, %add3A_284 : i32
    "tpu.region"() ({
      %run_scoped3A = tpu.sem_alloc : memref<!tpu.dma_semaphore, #tpu.memory_space<semaphore_mem>>
      %dma_start3A_389 = arith.constant 0 : i32
      %dma_start3A_390 = tpu.memref_slice %arg4[%add3A_285, %dma_start3A_389] : memref<8192x2048xf32, #tpu.memory_space<hbm>> -> memref<8x2048xf32, #tpu.memory_space<hbm>>
      %dma_start3A_391 = arith.constant 0 : i32
      %dma_start3A_392 = tpu.memref_slice %arg4[%add3A_285, %dma_start3A_391] : memref<8192x2048xf32, #tpu.memory_space<hbm>> -> memref<8x2048xf32, #tpu.memory_space<hbm>>
      tpu.enqueue_dma source(%arg18 : memref<8x2048xf32, #tpu.memory_space<vmem>>) target(%dma_start3A_392 : memref<8x2048xf32, #tpu.memory_space<hbm>>) target_semaphore(%run_scoped3A : memref<!tpu.dma_semaphore, #tpu.memory_space<semaphore_mem>>)
      %dma_wait3A_393 = arith.constant 0 : i32
      %dma_wait3A_394 = tpu.memref_slice %arg4[%add3A_285, %dma_wait3A_393] : memref<8192x2048xf32, #tpu.memory_space<hbm>> -> memref<8x2048xf32, #tpu.memory_space<hbm>>
      %dma_wait3A_395 = arith.constant 0 : i32
      %dma_wait3A_396 = tpu.memref_slice %arg4[%add3A_285, %dma_wait3A_395] : memref<8192x2048xf32, #tpu.memory_space<hbm>> -> memref<8x2048xf32, #tpu.memory_space<hbm>>
      tpu.wait_dma2 semaphore(%run_scoped3A : memref<!tpu.dma_semaphore, #tpu.memory_space<semaphore_mem>>) src(%arg18 : memref<8x2048xf32, #tpu.memory_space<vmem>>) dst(%dma_wait3A_396 : memref<8x2048xf32, #tpu.memory_space<hbm>>)
      tpu.yield
    }) : () -> ()
    %dma_start3A_286 = arith.constant 192 : i32
    %dma_start3A_287 = tpu.memref_slice %arg17[%dma_start3A_286] : memref<256xi32, #tpu.memory_space<vmem>> -> memref<8xi32, #tpu.memory_space<vmem>>
    %dma_start3A_288 = arith.constant 0 : i32
    %dma_start3A_289 = arith.constant 0 : i32
    %dma_start3A_290 = tpu.memref_slice %arg3[%dma_start3A_288, %dma_start3A_289] : memref<16384x2048xf32, #tpu.memory_space<hbm>> -> memref<16384x2048xf32, #tpu.memory_space<hbm>>
    tpu.enqueue_indirect_dma source(%dma_start3A_290 : memref<16384x2048xf32, #tpu.memory_space<hbm>>) target(%arg18 : memref<8x2048xf32, #tpu.memory_space<vmem>>) offsets(%dma_start3A_287 : memref<8xi32, #tpu.memory_space<vmem>>) semaphore(%arg21 : memref<!tpu.dma_semaphore, #tpu.memory_space<semaphore_mem>>)
    %dma_wait3A_291 = arith.constant 184 : i32
    %dma_wait3A_292 = tpu.memref_slice %arg17[%dma_wait3A_291] : memref<256xi32, #tpu.memory_space<vmem>> -> memref<8xi32, #tpu.memory_space<vmem>>
    %dma_wait3A_293 = arith.constant 0 : i32
    %dma_wait3A_294 = arith.constant 0 : i32
    %dma_wait3A_295 = tpu.memref_slice %arg3[%dma_wait3A_293, %dma_wait3A_294] : memref<16384x2048xf32, #tpu.memory_space<hbm>> -> memref<16384x2048xf32, #tpu.memory_space<hbm>>
    tpu.wait_indirect_dma semaphore(%arg22 : memref<!tpu.dma_semaphore, #tpu.memory_space<semaphore_mem>>) src(%dma_wait3A_295 : memref<16384x2048xf32, #tpu.memory_space<hbm>>) dst(%arg19 : memref<8x2048xf32, #tpu.memory_space<vmem>>)
    %add3A_296 = arith.constant 184 : i32
    %add3A_297 = arith.addi %add3A, %add3A_296 : i32
    "tpu.region"() ({
      %run_scoped3A = tpu.sem_alloc : memref<!tpu.dma_semaphore, #tpu.memory_space<semaphore_mem>>
      %dma_start3A_389 = arith.constant 0 : i32
      %dma_start3A_390 = tpu.memref_slice %arg4[%add3A_297, %dma_start3A_389] : memref<8192x2048xf32, #tpu.memory_space<hbm>> -> memref<8x2048xf32, #tpu.memory_space<hbm>>
      %dma_start3A_391 = arith.constant 0 : i32
      %dma_start3A_392 = tpu.memref_slice %arg4[%add3A_297, %dma_start3A_391] : memref<8192x2048xf32, #tpu.memory_space<hbm>> -> memref<8x2048xf32, #tpu.memory_space<hbm>>
      tpu.enqueue_dma source(%arg19 : memref<8x2048xf32, #tpu.memory_space<vmem>>) target(%dma_start3A_392 : memref<8x2048xf32, #tpu.memory_space<hbm>>) target_semaphore(%run_scoped3A : memref<!tpu.dma_semaphore, #tpu.memory_space<semaphore_mem>>)
      %dma_wait3A_393 = arith.constant 0 : i32
      %dma_wait3A_394 = tpu.memref_slice %arg4[%add3A_297, %dma_wait3A_393] : memref<8192x2048xf32, #tpu.memory_space<hbm>> -> memref<8x2048xf32, #tpu.memory_space<hbm>>
      %dma_wait3A_395 = arith.constant 0 : i32
      %dma_wait3A_396 = tpu.memref_slice %arg4[%add3A_297, %dma_wait3A_395] : memref<8192x2048xf32, #tpu.memory_space<hbm>> -> memref<8x2048xf32, #tpu.memory_space<hbm>>
      tpu.wait_dma2 semaphore(%run_scoped3A : memref<!tpu.dma_semaphore, #tpu.memory_space<semaphore_mem>>) src(%arg19 : memref<8x2048xf32, #tpu.memory_space<vmem>>) dst(%dma_wait3A_396 : memref<8x2048xf32, #tpu.memory_space<hbm>>)
      tpu.yield
    }) : () -> ()
    %dma_start3A_298 = arith.constant 200 : i32
    %dma_start3A_299 = tpu.memref_slice %arg17[%dma_start3A_298] : memref<256xi32, #tpu.memory_space<vmem>> -> memref<8xi32, #tpu.memory_space<vmem>>
    %dma_start3A_300 = arith.constant 0 : i32
    %dma_start3A_301 = arith.constant 0 : i32
    %dma_start3A_302 = tpu.memref_slice %arg3[%dma_start3A_300, %dma_start3A_301] : memref<16384x2048xf32, #tpu.memory_space<hbm>> -> memref<16384x2048xf32, #tpu.memory_space<hbm>>
    tpu.enqueue_indirect_dma source(%dma_start3A_302 : memref<16384x2048xf32, #tpu.memory_space<hbm>>) target(%arg19 : memref<8x2048xf32, #tpu.memory_space<vmem>>) offsets(%dma_start3A_299 : memref<8xi32, #tpu.memory_space<vmem>>) semaphore(%arg22 : memref<!tpu.dma_semaphore, #tpu.memory_space<semaphore_mem>>)
    %dma_wait3A_303 = arith.constant 192 : i32
    %dma_wait3A_304 = tpu.memref_slice %arg17[%dma_wait3A_303] : memref<256xi32, #tpu.memory_space<vmem>> -> memref<8xi32, #tpu.memory_space<vmem>>
    %dma_wait3A_305 = arith.constant 0 : i32
    %dma_wait3A_306 = arith.constant 0 : i32
    %dma_wait3A_307 = tpu.memref_slice %arg3[%dma_wait3A_305, %dma_wait3A_306] : memref<16384x2048xf32, #tpu.memory_space<hbm>> -> memref<16384x2048xf32, #tpu.memory_space<hbm>>
    tpu.wait_indirect_dma semaphore(%arg21 : memref<!tpu.dma_semaphore, #tpu.memory_space<semaphore_mem>>) src(%dma_wait3A_307 : memref<16384x2048xf32, #tpu.memory_space<hbm>>) dst(%arg18 : memref<8x2048xf32, #tpu.memory_space<vmem>>)
    %add3A_308 = arith.constant 192 : i32
    %add3A_309 = arith.addi %add3A, %add3A_308 : i32
    "tpu.region"() ({
      %run_scoped3A = tpu.sem_alloc : memref<!tpu.dma_semaphore, #tpu.memory_space<semaphore_mem>>
      %dma_start3A_389 = arith.constant 0 : i32
      %dma_start3A_390 = tpu.memref_slice %arg4[%add3A_309, %dma_start3A_389] : memref<8192x2048xf32, #tpu.memory_space<hbm>> -> memref<8x2048xf32, #tpu.memory_space<hbm>>
      %dma_start3A_391 = arith.constant 0 : i32
      %dma_start3A_392 = tpu.memref_slice %arg4[%add3A_309, %dma_start3A_391] : memref<8192x2048xf32, #tpu.memory_space<hbm>> -> memref<8x2048xf32, #tpu.memory_space<hbm>>
      tpu.enqueue_dma source(%arg18 : memref<8x2048xf32, #tpu.memory_space<vmem>>) target(%dma_start3A_392 : memref<8x2048xf32, #tpu.memory_space<hbm>>) target_semaphore(%run_scoped3A : memref<!tpu.dma_semaphore, #tpu.memory_space<semaphore_mem>>)
      %dma_wait3A_393 = arith.constant 0 : i32
      %dma_wait3A_394 = tpu.memref_slice %arg4[%add3A_309, %dma_wait3A_393] : memref<8192x2048xf32, #tpu.memory_space<hbm>> -> memref<8x2048xf32, #tpu.memory_space<hbm>>
      %dma_wait3A_395 = arith.constant 0 : i32
      %dma_wait3A_396 = tpu.memref_slice %arg4[%add3A_309, %dma_wait3A_395] : memref<8192x2048xf32, #tpu.memory_space<hbm>> -> memref<8x2048xf32, #tpu.memory_space<hbm>>
      tpu.wait_dma2 semaphore(%run_scoped3A : memref<!tpu.dma_semaphore, #tpu.memory_space<semaphore_mem>>) src(%arg18 : memref<8x2048xf32, #tpu.memory_space<vmem>>) dst(%dma_wait3A_396 : memref<8x2048xf32, #tpu.memory_space<hbm>>)
      tpu.yield
    }) : () -> ()
    %dma_start3A_310 = arith.constant 208 : i32
    %dma_start3A_311 = tpu.memref_slice %arg17[%dma_start3A_310] : memref<256xi32, #tpu.memory_space<vmem>> -> memref<8xi32, #tpu.memory_space<vmem>>
    %dma_start3A_312 = arith.constant 0 : i32
    %dma_start3A_313 = arith.constant 0 : i32
    %dma_start3A_314 = tpu.memref_slice %arg3[%dma_start3A_312, %dma_start3A_313] : memref<16384x2048xf32, #tpu.memory_space<hbm>> -> memref<16384x2048xf32, #tpu.memory_space<hbm>>
    tpu.enqueue_indirect_dma source(%dma_start3A_314 : memref<16384x2048xf32, #tpu.memory_space<hbm>>) target(%arg18 : memref<8x2048xf32, #tpu.memory_space<vmem>>) offsets(%dma_start3A_311 : memref<8xi32, #tpu.memory_space<vmem>>) semaphore(%arg21 : memref<!tpu.dma_semaphore, #tpu.memory_space<semaphore_mem>>)
    %dma_wait3A_315 = arith.constant 200 : i32
    %dma_wait3A_316 = tpu.memref_slice %arg17[%dma_wait3A_315] : memref<256xi32, #tpu.memory_space<vmem>> -> memref<8xi32, #tpu.memory_space<vmem>>
    %dma_wait3A_317 = arith.constant 0 : i32
    %dma_wait3A_318 = arith.constant 0 : i32
    %dma_wait3A_319 = tpu.memref_slice %arg3[%dma_wait3A_317, %dma_wait3A_318] : memref<16384x2048xf32, #tpu.memory_space<hbm>> -> memref<16384x2048xf32, #tpu.memory_space<hbm>>
    tpu.wait_indirect_dma semaphore(%arg22 : memref<!tpu.dma_semaphore, #tpu.memory_space<semaphore_mem>>) src(%dma_wait3A_319 : memref<16384x2048xf32, #tpu.memory_space<hbm>>) dst(%arg19 : memref<8x2048xf32, #tpu.memory_space<vmem>>)
    %add3A_320 = arith.constant 200 : i32
    %add3A_321 = arith.addi %add3A, %add3A_320 : i32
    "tpu.region"() ({
      %run_scoped3A = tpu.sem_alloc : memref<!tpu.dma_semaphore, #tpu.memory_space<semaphore_mem>>
      %dma_start3A_389 = arith.constant 0 : i32
      %dma_start3A_390 = tpu.memref_slice %arg4[%add3A_321, %dma_start3A_389] : memref<8192x2048xf32, #tpu.memory_space<hbm>> -> memref<8x2048xf32, #tpu.memory_space<hbm>>
      %dma_start3A_391 = arith.constant 0 : i32
      %dma_start3A_392 = tpu.memref_slice %arg4[%add3A_321, %dma_start3A_391] : memref<8192x2048xf32, #tpu.memory_space<hbm>> -> memref<8x2048xf32, #tpu.memory_space<hbm>>
      tpu.enqueue_dma source(%arg19 : memref<8x2048xf32, #tpu.memory_space<vmem>>) target(%dma_start3A_392 : memref<8x2048xf32, #tpu.memory_space<hbm>>) target_semaphore(%run_scoped3A : memref<!tpu.dma_semaphore, #tpu.memory_space<semaphore_mem>>)
      %dma_wait3A_393 = arith.constant 0 : i32
      %dma_wait3A_394 = tpu.memref_slice %arg4[%add3A_321, %dma_wait3A_393] : memref<8192x2048xf32, #tpu.memory_space<hbm>> -> memref<8x2048xf32, #tpu.memory_space<hbm>>
      %dma_wait3A_395 = arith.constant 0 : i32
      %dma_wait3A_396 = tpu.memref_slice %arg4[%add3A_321, %dma_wait3A_395] : memref<8192x2048xf32, #tpu.memory_space<hbm>> -> memref<8x2048xf32, #tpu.memory_space<hbm>>
      tpu.wait_dma2 semaphore(%run_scoped3A : memref<!tpu.dma_semaphore, #tpu.memory_space<semaphore_mem>>) src(%arg19 : memref<8x2048xf32, #tpu.memory_space<vmem>>) dst(%dma_wait3A_396 : memref<8x2048xf32, #tpu.memory_space<hbm>>)
      tpu.yield
    }) : () -> ()
    %dma_start3A_322 = arith.constant 216 : i32
    %dma_start3A_323 = tpu.memref_slice %arg17[%dma_start3A_322] : memref<256xi32, #tpu.memory_space<vmem>> -> memref<8xi32, #tpu.memory_space<vmem>>
    %dma_start3A_324 = arith.constant 0 : i32
    %dma_start3A_325 = arith.constant 0 : i32
    %dma_start3A_326 = tpu.memref_slice %arg3[%dma_start3A_324, %dma_start3A_325] : memref<16384x2048xf32, #tpu.memory_space<hbm>> -> memref<16384x2048xf32, #tpu.memory_space<hbm>>
    tpu.enqueue_indirect_dma source(%dma_start3A_326 : memref<16384x2048xf32, #tpu.memory_space<hbm>>) target(%arg19 : memref<8x2048xf32, #tpu.memory_space<vmem>>) offsets(%dma_start3A_323 : memref<8xi32, #tpu.memory_space<vmem>>) semaphore(%arg22 : memref<!tpu.dma_semaphore, #tpu.memory_space<semaphore_mem>>)
    %dma_wait3A_327 = arith.constant 208 : i32
    %dma_wait3A_328 = tpu.memref_slice %arg17[%dma_wait3A_327] : memref<256xi32, #tpu.memory_space<vmem>> -> memref<8xi32, #tpu.memory_space<vmem>>
    %dma_wait3A_329 = arith.constant 0 : i32
    %dma_wait3A_330 = arith.constant 0 : i32
    %dma_wait3A_331 = tpu.memref_slice %arg3[%dma_wait3A_329, %dma_wait3A_330] : memref<16384x2048xf32, #tpu.memory_space<hbm>> -> memref<16384x2048xf32, #tpu.memory_space<hbm>>
    tpu.wait_indirect_dma semaphore(%arg21 : memref<!tpu.dma_semaphore, #tpu.memory_space<semaphore_mem>>) src(%dma_wait3A_331 : memref<16384x2048xf32, #tpu.memory_space<hbm>>) dst(%arg18 : memref<8x2048xf32, #tpu.memory_space<vmem>>)
    %add3A_332 = arith.constant 208 : i32
    %add3A_333 = arith.addi %add3A, %add3A_332 : i32
    "tpu.region"() ({
      %run_scoped3A = tpu.sem_alloc : memref<!tpu.dma_semaphore, #tpu.memory_space<semaphore_mem>>
      %dma_start3A_389 = arith.constant 0 : i32
      %dma_start3A_390 = tpu.memref_slice %arg4[%add3A_333, %dma_start3A_389] : memref<8192x2048xf32, #tpu.memory_space<hbm>> -> memref<8x2048xf32, #tpu.memory_space<hbm>>
      %dma_start3A_391 = arith.constant 0 : i32
      %dma_start3A_392 = tpu.memref_slice %arg4[%add3A_333, %dma_start3A_391] : memref<8192x2048xf32, #tpu.memory_space<hbm>> -> memref<8x2048xf32, #tpu.memory_space<hbm>>
      tpu.enqueue_dma source(%arg18 : memref<8x2048xf32, #tpu.memory_space<vmem>>) target(%dma_start3A_392 : memref<8x2048xf32, #tpu.memory_space<hbm>>) target_semaphore(%run_scoped3A : memref<!tpu.dma_semaphore, #tpu.memory_space<semaphore_mem>>)
      %dma_wait3A_393 = arith.constant 0 : i32
      %dma_wait3A_394 = tpu.memref_slice %arg4[%add3A_333, %dma_wait3A_393] : memref<8192x2048xf32, #tpu.memory_space<hbm>> -> memref<8x2048xf32, #tpu.memory_space<hbm>>
      %dma_wait3A_395 = arith.constant 0 : i32
      %dma_wait3A_396 = tpu.memref_slice %arg4[%add3A_333, %dma_wait3A_395] : memref<8192x2048xf32, #tpu.memory_space<hbm>> -> memref<8x2048xf32, #tpu.memory_space<hbm>>
      tpu.wait_dma2 semaphore(%run_scoped3A : memref<!tpu.dma_semaphore, #tpu.memory_space<semaphore_mem>>) src(%arg18 : memref<8x2048xf32, #tpu.memory_space<vmem>>) dst(%dma_wait3A_396 : memref<8x2048xf32, #tpu.memory_space<hbm>>)
      tpu.yield
    }) : () -> ()
    %dma_start3A_334 = arith.constant 224 : i32
    %dma_start3A_335 = tpu.memref_slice %arg17[%dma_start3A_334] : memref<256xi32, #tpu.memory_space<vmem>> -> memref<8xi32, #tpu.memory_space<vmem>>
    %dma_start3A_336 = arith.constant 0 : i32
    %dma_start3A_337 = arith.constant 0 : i32
    %dma_start3A_338 = tpu.memref_slice %arg3[%dma_start3A_336, %dma_start3A_337] : memref<16384x2048xf32, #tpu.memory_space<hbm>> -> memref<16384x2048xf32, #tpu.memory_space<hbm>>
    tpu.enqueue_indirect_dma source(%dma_start3A_338 : memref<16384x2048xf32, #tpu.memory_space<hbm>>) target(%arg18 : memref<8x2048xf32, #tpu.memory_space<vmem>>) offsets(%dma_start3A_335 : memref<8xi32, #tpu.memory_space<vmem>>) semaphore(%arg21 : memref<!tpu.dma_semaphore, #tpu.memory_space<semaphore_mem>>)
    %dma_wait3A_339 = arith.constant 216 : i32
    %dma_wait3A_340 = tpu.memref_slice %arg17[%dma_wait3A_339] : memref<256xi32, #tpu.memory_space<vmem>> -> memref<8xi32, #tpu.memory_space<vmem>>
    %dma_wait3A_341 = arith.constant 0 : i32
    %dma_wait3A_342 = arith.constant 0 : i32
    %dma_wait3A_343 = tpu.memref_slice %arg3[%dma_wait3A_341, %dma_wait3A_342] : memref<16384x2048xf32, #tpu.memory_space<hbm>> -> memref<16384x2048xf32, #tpu.memory_space<hbm>>
    tpu.wait_indirect_dma semaphore(%arg22 : memref<!tpu.dma_semaphore, #tpu.memory_space<semaphore_mem>>) src(%dma_wait3A_343 : memref<16384x2048xf32, #tpu.memory_space<hbm>>) dst(%arg19 : memref<8x2048xf32, #tpu.memory_space<vmem>>)
    %add3A_344 = arith.constant 216 : i32
    %add3A_345 = arith.addi %add3A, %add3A_344 : i32
    "tpu.region"() ({
      %run_scoped3A = tpu.sem_alloc : memref<!tpu.dma_semaphore, #tpu.memory_space<semaphore_mem>>
      %dma_start3A_389 = arith.constant 0 : i32
      %dma_start3A_390 = tpu.memref_slice %arg4[%add3A_345, %dma_start3A_389] : memref<8192x2048xf32, #tpu.memory_space<hbm>> -> memref<8x2048xf32, #tpu.memory_space<hbm>>
      %dma_start3A_391 = arith.constant 0 : i32
      %dma_start3A_392 = tpu.memref_slice %arg4[%add3A_345, %dma_start3A_391] : memref<8192x2048xf32, #tpu.memory_space<hbm>> -> memref<8x2048xf32, #tpu.memory_space<hbm>>
      tpu.enqueue_dma source(%arg19 : memref<8x2048xf32, #tpu.memory_space<vmem>>) target(%dma_start3A_392 : memref<8x2048xf32, #tpu.memory_space<hbm>>) target_semaphore(%run_scoped3A : memref<!tpu.dma_semaphore, #tpu.memory_space<semaphore_mem>>)
      %dma_wait3A_393 = arith.constant 0 : i32
      %dma_wait3A_394 = tpu.memref_slice %arg4[%add3A_345, %dma_wait3A_393] : memref<8192x2048xf32, #tpu.memory_space<hbm>> -> memref<8x2048xf32, #tpu.memory_space<hbm>>
      %dma_wait3A_395 = arith.constant 0 : i32
      %dma_wait3A_396 = tpu.memref_slice %arg4[%add3A_345, %dma_wait3A_395] : memref<8192x2048xf32, #tpu.memory_space<hbm>> -> memref<8x2048xf32, #tpu.memory_space<hbm>>
      tpu.wait_dma2 semaphore(%run_scoped3A : memref<!tpu.dma_semaphore, #tpu.memory_space<semaphore_mem>>) src(%arg19 : memref<8x2048xf32, #tpu.memory_space<vmem>>) dst(%dma_wait3A_396 : memref<8x2048xf32, #tpu.memory_space<hbm>>)
      tpu.yield
    }) : () -> ()
    %dma_start3A_346 = arith.constant 232 : i32
    %dma_start3A_347 = tpu.memref_slice %arg17[%dma_start3A_346] : memref<256xi32, #tpu.memory_space<vmem>> -> memref<8xi32, #tpu.memory_space<vmem>>
    %dma_start3A_348 = arith.constant 0 : i32
    %dma_start3A_349 = arith.constant 0 : i32
    %dma_start3A_350 = tpu.memref_slice %arg3[%dma_start3A_348, %dma_start3A_349] : memref<16384x2048xf32, #tpu.memory_space<hbm>> -> memref<16384x2048xf32, #tpu.memory_space<hbm>>
    tpu.enqueue_indirect_dma source(%dma_start3A_350 : memref<16384x2048xf32, #tpu.memory_space<hbm>>) target(%arg19 : memref<8x2048xf32, #tpu.memory_space<vmem>>) offsets(%dma_start3A_347 : memref<8xi32, #tpu.memory_space<vmem>>) semaphore(%arg22 : memref<!tpu.dma_semaphore, #tpu.memory_space<semaphore_mem>>)
    %dma_wait3A_351 = arith.constant 224 : i32
    %dma_wait3A_352 = tpu.memref_slice %arg17[%dma_wait3A_351] : memref<256xi32, #tpu.memory_space<vmem>> -> memref<8xi32, #tpu.memory_space<vmem>>
    %dma_wait3A_353 = arith.constant 0 : i32
    %dma_wait3A_354 = arith.constant 0 : i32
    %dma_wait3A_355 = tpu.memref_slice %arg3[%dma_wait3A_353, %dma_wait3A_354] : memref<16384x2048xf32, #tpu.memory_space<hbm>> -> memref<16384x2048xf32, #tpu.memory_space<hbm>>
    tpu.wait_indirect_dma semaphore(%arg21 : memref<!tpu.dma_semaphore, #tpu.memory_space<semaphore_mem>>) src(%dma_wait3A_355 : memref<16384x2048xf32, #tpu.memory_space<hbm>>) dst(%arg18 : memref<8x2048xf32, #tpu.memory_space<vmem>>)
    %add3A_356 = arith.constant 224 : i32
    %add3A_357 = arith.addi %add3A, %add3A_356 : i32
    "tpu.region"() ({
      %run_scoped3A = tpu.sem_alloc : memref<!tpu.dma_semaphore, #tpu.memory_space<semaphore_mem>>
      %dma_start3A_389 = arith.constant 0 : i32
      %dma_start3A_390 = tpu.memref_slice %arg4[%add3A_357, %dma_start3A_389] : memref<8192x2048xf32, #tpu.memory_space<hbm>> -> memref<8x2048xf32, #tpu.memory_space<hbm>>
      %dma_start3A_391 = arith.constant 0 : i32
      %dma_start3A_392 = tpu.memref_slice %arg4[%add3A_357, %dma_start3A_391] : memref<8192x2048xf32, #tpu.memory_space<hbm>> -> memref<8x2048xf32, #tpu.memory_space<hbm>>
      tpu.enqueue_dma source(%arg18 : memref<8x2048xf32, #tpu.memory_space<vmem>>) target(%dma_start3A_392 : memref<8x2048xf32, #tpu.memory_space<hbm>>) target_semaphore(%run_scoped3A : memref<!tpu.dma_semaphore, #tpu.memory_space<semaphore_mem>>)
      %dma_wait3A_393 = arith.constant 0 : i32
      %dma_wait3A_394 = tpu.memref_slice %arg4[%add3A_357, %dma_wait3A_393] : memref<8192x2048xf32, #tpu.memory_space<hbm>> -> memref<8x2048xf32, #tpu.memory_space<hbm>>
      %dma_wait3A_395 = arith.constant 0 : i32
      %dma_wait3A_396 = tpu.memref_slice %arg4[%add3A_357, %dma_wait3A_395] : memref<8192x2048xf32, #tpu.memory_space<hbm>> -> memref<8x2048xf32, #tpu.memory_space<hbm>>
      tpu.wait_dma2 semaphore(%run_scoped3A : memref<!tpu.dma_semaphore, #tpu.memory_space<semaphore_mem>>) src(%arg18 : memref<8x2048xf32, #tpu.memory_space<vmem>>) dst(%dma_wait3A_396 : memref<8x2048xf32, #tpu.memory_space<hbm>>)
      tpu.yield
    }) : () -> ()
    %dma_start3A_358 = arith.constant 240 : i32
    %dma_start3A_359 = tpu.memref_slice %arg17[%dma_start3A_358] : memref<256xi32, #tpu.memory_space<vmem>> -> memref<8xi32, #tpu.memory_space<vmem>>
    %dma_start3A_360 = arith.constant 0 : i32
    %dma_start3A_361 = arith.constant 0 : i32
    %dma_start3A_362 = tpu.memref_slice %arg3[%dma_start3A_360, %dma_start3A_361] : memref<16384x2048xf32, #tpu.memory_space<hbm>> -> memref<16384x2048xf32, #tpu.memory_space<hbm>>
    tpu.enqueue_indirect_dma source(%dma_start3A_362 : memref<16384x2048xf32, #tpu.memory_space<hbm>>) target(%arg18 : memref<8x2048xf32, #tpu.memory_space<vmem>>) offsets(%dma_start3A_359 : memref<8xi32, #tpu.memory_space<vmem>>) semaphore(%arg21 : memref<!tpu.dma_semaphore, #tpu.memory_space<semaphore_mem>>)
    %dma_wait3A_363 = arith.constant 232 : i32
    %dma_wait3A_364 = tpu.memref_slice %arg17[%dma_wait3A_363] : memref<256xi32, #tpu.memory_space<vmem>> -> memref<8xi32, #tpu.memory_space<vmem>>
    %dma_wait3A_365 = arith.constant 0 : i32
    %dma_wait3A_366 = arith.constant 0 : i32
    %dma_wait3A_367 = tpu.memref_slice %arg3[%dma_wait3A_365, %dma_wait3A_366] : memref<16384x2048xf32, #tpu.memory_space<hbm>> -> memref<16384x2048xf32, #tpu.memory_space<hbm>>
    tpu.wait_indirect_dma semaphore(%arg22 : memref<!tpu.dma_semaphore, #tpu.memory_space<semaphore_mem>>) src(%dma_wait3A_367 : memref<16384x2048xf32, #tpu.memory_space<hbm>>) dst(%arg19 : memref<8x2048xf32, #tpu.memory_space<vmem>>)
    %add3A_368 = arith.constant 232 : i32
    %add3A_369 = arith.addi %add3A, %add3A_368 : i32
    "tpu.region"() ({
      %run_scoped3A = tpu.sem_alloc : memref<!tpu.dma_semaphore, #tpu.memory_space<semaphore_mem>>
      %dma_start3A_389 = arith.constant 0 : i32
      %dma_start3A_390 = tpu.memref_slice %arg4[%add3A_369, %dma_start3A_389] : memref<8192x2048xf32, #tpu.memory_space<hbm>> -> memref<8x2048xf32, #tpu.memory_space<hbm>>
      %dma_start3A_391 = arith.constant 0 : i32
      %dma_start3A_392 = tpu.memref_slice %arg4[%add3A_369, %dma_start3A_391] : memref<8192x2048xf32, #tpu.memory_space<hbm>> -> memref<8x2048xf32, #tpu.memory_space<hbm>>
      tpu.enqueue_dma source(%arg19 : memref<8x2048xf32, #tpu.memory_space<vmem>>) target(%dma_start3A_392 : memref<8x2048xf32, #tpu.memory_space<hbm>>) target_semaphore(%run_scoped3A : memref<!tpu.dma_semaphore, #tpu.memory_space<semaphore_mem>>)
      %dma_wait3A_393 = arith.constant 0 : i32
      %dma_wait3A_394 = tpu.memref_slice %arg4[%add3A_369, %dma_wait3A_393] : memref<8192x2048xf32, #tpu.memory_space<hbm>> -> memref<8x2048xf32, #tpu.memory_space<hbm>>
      %dma_wait3A_395 = arith.constant 0 : i32
      %dma_wait3A_396 = tpu.memref_slice %arg4[%add3A_369, %dma_wait3A_395] : memref<8192x2048xf32, #tpu.memory_space<hbm>> -> memref<8x2048xf32, #tpu.memory_space<hbm>>
      tpu.wait_dma2 semaphore(%run_scoped3A : memref<!tpu.dma_semaphore, #tpu.memory_space<semaphore_mem>>) src(%arg19 : memref<8x2048xf32, #tpu.memory_space<vmem>>) dst(%dma_wait3A_396 : memref<8x2048xf32, #tpu.memory_space<hbm>>)
      tpu.yield
    }) : () -> ()
    %dma_start3A_370 = arith.constant 248 : i32
    %dma_start3A_371 = tpu.memref_slice %arg17[%dma_start3A_370] : memref<256xi32, #tpu.memory_space<vmem>> -> memref<8xi32, #tpu.memory_space<vmem>>
    %dma_start3A_372 = arith.constant 0 : i32
    %dma_start3A_373 = arith.constant 0 : i32
    %dma_start3A_374 = tpu.memref_slice %arg3[%dma_start3A_372, %dma_start3A_373] : memref<16384x2048xf32, #tpu.memory_space<hbm>> -> memref<16384x2048xf32, #tpu.memory_space<hbm>>
    tpu.enqueue_indirect_dma source(%dma_start3A_374 : memref<16384x2048xf32, #tpu.memory_space<hbm>>) target(%arg19 : memref<8x2048xf32, #tpu.memory_space<vmem>>) offsets(%dma_start3A_371 : memref<8xi32, #tpu.memory_space<vmem>>) semaphore(%arg22 : memref<!tpu.dma_semaphore, #tpu.memory_space<semaphore_mem>>)
    %dma_wait3A_375 = arith.constant 240 : i32
    %dma_wait3A_376 = tpu.memref_slice %arg17[%dma_wait3A_375] : memref<256xi32, #tpu.memory_space<vmem>> -> memref<8xi32, #tpu.memory_space<vmem>>
    %dma_wait3A_377 = arith.constant 0 : i32
    %dma_wait3A_378 = arith.constant 0 : i32
    %dma_wait3A_379 = tpu.memref_slice %arg3[%dma_wait3A_377, %dma_wait3A_378] : memref<16384x2048xf32, #tpu.memory_space<hbm>> -> memref<16384x2048xf32, #tpu.memory_space<hbm>>
    tpu.wait_indirect_dma semaphore(%arg21 : memref<!tpu.dma_semaphore, #tpu.memory_space<semaphore_mem>>) src(%dma_wait3A_379 : memref<16384x2048xf32, #tpu.memory_space<hbm>>) dst(%arg18 : memref<8x2048xf32, #tpu.memory_space<vmem>>)
    %add3A_380 = arith.constant 240 : i32
    %add3A_381 = arith.addi %add3A, %add3A_380 : i32
    "tpu.region"() ({
      %run_scoped3A = tpu.sem_alloc : memref<!tpu.dma_semaphore, #tpu.memory_space<semaphore_mem>>
      %dma_start3A_389 = arith.constant 0 : i32
      %dma_start3A_390 = tpu.memref_slice %arg4[%add3A_381, %dma_start3A_389] : memref<8192x2048xf32, #tpu.memory_space<hbm>> -> memref<8x2048xf32, #tpu.memory_space<hbm>>
      %dma_start3A_391 = arith.constant 0 : i32
      %dma_start3A_392 = tpu.memref_slice %arg4[%add3A_381, %dma_start3A_391] : memref<8192x2048xf32, #tpu.memory_space<hbm>> -> memref<8x2048xf32, #tpu.memory_space<hbm>>
      tpu.enqueue_dma source(%arg18 : memref<8x2048xf32, #tpu.memory_space<vmem>>) target(%dma_start3A_392 : memref<8x2048xf32, #tpu.memory_space<hbm>>) target_semaphore(%run_scoped3A : memref<!tpu.dma_semaphore, #tpu.memory_space<semaphore_mem>>)
      %dma_wait3A_393 = arith.constant 0 : i32
      %dma_wait3A_394 = tpu.memref_slice %arg4[%add3A_381, %dma_wait3A_393] : memref<8192x2048xf32, #tpu.memory_space<hbm>> -> memref<8x2048xf32, #tpu.memory_space<hbm>>
      %dma_wait3A_395 = arith.constant 0 : i32
      %dma_wait3A_396 = tpu.memref_slice %arg4[%add3A_381, %dma_wait3A_395] : memref<8192x2048xf32, #tpu.memory_space<hbm>> -> memref<8x2048xf32, #tpu.memory_space<hbm>>
      tpu.wait_dma2 semaphore(%run_scoped3A : memref<!tpu.dma_semaphore, #tpu.memory_space<semaphore_mem>>) src(%arg18 : memref<8x2048xf32, #tpu.memory_space<vmem>>) dst(%dma_wait3A_396 : memref<8x2048xf32, #tpu.memory_space<hbm>>)
      tpu.yield
    }) : () -> ()
    %dma_wait3A_382 = arith.constant 248 : i32
    %dma_wait3A_383 = tpu.memref_slice %arg17[%dma_wait3A_382] : memref<256xi32, #tpu.memory_space<vmem>> -> memref<8xi32, #tpu.memory_space<vmem>>
    %dma_wait3A_384 = arith.constant 0 : i32
    %dma_wait3A_385 = arith.constant 0 : i32
    %dma_wait3A_386 = tpu.memref_slice %arg3[%dma_wait3A_384, %dma_wait3A_385] : memref<16384x2048xf32, #tpu.memory_space<hbm>> -> memref<16384x2048xf32, #tpu.memory_space<hbm>>
    tpu.wait_indirect_dma semaphore(%arg22 : memref<!tpu.dma_semaphore, #tpu.memory_space<semaphore_mem>>) src(%dma_wait3A_386 : memref<16384x2048xf32, #tpu.memory_space<hbm>>) dst(%arg19 : memref<8x2048xf32, #tpu.memory_space<vmem>>)
    %add3A_387 = arith.constant 248 : i32
    %add3A_388 = arith.addi %add3A, %add3A_387 : i32
    "tpu.region"() ({
      %run_scoped3A = tpu.sem_alloc : memref<!tpu.dma_semaphore, #tpu.memory_space<semaphore_mem>>
      %dma_start3A_389 = arith.constant 0 : i32
      %dma_start3A_390 = tpu.memref_slice %arg4[%add3A_388, %dma_start3A_389] : memref<8192x2048xf32, #tpu.memory_space<hbm>> -> memref<8x2048xf32, #tpu.memory_space<hbm>>
      %dma_start3A_391 = arith.constant 0 : i32
      %dma_start3A_392 = tpu.memref_slice %arg4[%add3A_388, %dma_start3A_391] : memref<8192x2048xf32, #tpu.memory_space<hbm>> -> memref<8x2048xf32, #tpu.memory_space<hbm>>
      tpu.enqueue_dma source(%arg19 : memref<8x2048xf32, #tpu.memory_space<vmem>>) target(%dma_start3A_392 : memref<8x2048xf32, #tpu.memory_space<hbm>>) target_semaphore(%run_scoped3A : memref<!tpu.dma_semaphore, #tpu.memory_space<semaphore_mem>>)
      %dma_wait3A_393 = arith.constant 0 : i32
      %dma_wait3A_394 = tpu.memref_slice %arg4[%add3A_388, %dma_wait3A_393] : memref<8192x2048xf32, #tpu.memory_space<hbm>> -> memref<8x2048xf32, #tpu.memory_space<hbm>>
      %dma_wait3A_395 = arith.constant 0 : i32
      %dma_wait3A_396 = tpu.memref_slice %arg4[%add3A_388, %dma_wait3A_395] : memref<8192x2048xf32, #tpu.memory_space<hbm>> -> memref<8x2048xf32, #tpu.memory_space<hbm>>
      tpu.wait_dma2 semaphore(%run_scoped3A : memref<!tpu.dma_semaphore, #tpu.memory_space<semaphore_mem>>) src(%arg19 : memref<8x2048xf32, #tpu.memory_space<vmem>>) dst(%dma_wait3A_396 : memref<8x2048xf32, #tpu.memory_space<hbm>>)
      tpu.yield
    }) : () -> ()
    return
  }
}

</mosaic_0001>

<sc_bundles>
// kernel: kernel.3.cloned.1.call-start
scs
__scs_entry_jumppad:
0x0: {  	(pc) =	sbr.rel $0x88, $3  }
0x1: {  	(tag) =	ssettag $0x0;
	lr =	simm.s32 $0x1  }
0x2: {  	[smem:$0x3F9F] =	sst lr;
	_ =	strace $0xD0000000  }
0x3: {  	_ = 	snop  }
0x4: {  	_ = 	snop  }
0x5: {  	_ = 	snop  }
0x6: {  	_ = 	snop  }
0x7: {  	_ = 	snop  }
__scs_overlays_trampoline_lowered:
0x8: {  	[smem:$0x3FAE] =	sst s0  }
0x9: {  	[smem:$0x3FAF] =	sst s1  }
0xa: {  	[smem:$0x3FB0] =	sst s2  }
0xb: {  	[smem:$0x3FB1] =	sst s3  }
0xc: {  	[smem:$0x3FB2] =	sst s4  }
0xd: {  	[smem:$0x3FB3] =	sst s5  }
0xe: {  	[smem:$0x3FB4] =	sst s6  }
0xf: {  	[smem:$0x3FB5] =	sst s7  }
0x10: {  	[smem:$0x3FB6] =	sst s8  }
0x11: {  	[smem:$0x3FB7] =	sst s9;
	s0 =	simm.s32 @!p0 $0x0  }
0x12: {  	s1 =	sld [smem:$0x3F9D];
	s0 =	simm.s32 @p0 $0x1  }
0x13: {  	[smem:$0x3FB8] =	sst s0;
	s0 =	simm.s32 @!p1 $0x0  }
0x14: {  	s2 =	sld [smem:$0x3F9C];
	s0 =	simm.s32 @p1 $0x1  }
0x15: {  	[smem:$0x3FB9] =	sst s0;
	s0 =	simm.s32 @!p2 $0x0  }
0x16: {  	s3 =	sld [smem:$0x3FDB];
	s0 =	simm.s32 @p2 $0x1  }
0x17: {  	s4 =	simm.s32 $0x1BF5;
	[smem:$0x3FBB] =	sst s0  }
0x18: {  	s0 =	sld [smem:$0x3F9E];
	_ =	swait.ge [sflag:s4], $0x0  }
0x19: {  	s7 =	sld [smem:$0x3F9F]  }
0x1a: {  	s8 =	sadd.s32 $0xFFFFE003, lr  }
0x1b: {  	s9 =	sadd.s32 $0xFFFFFEF7, lr;
	s5 =	simm.s32 $0xFFFFFFFF;
	p2 =	slt.u32 s8, $0xFFFFF086  }
0x1c: {  	p1 =	slt.u32 s9, $0xF7A;
	s5 =	simm.s32 @!p2 $0x0  }
0x1d: {  	s5 =	simm.s32 @p1 $0x1;
	p0 =	seq.s32 s7, s2  }
0x1e: {  	s7 =	smul.u32 @!p0 $0xF7A, s2;
	p2 =	seq.s32 @!p0 s5, $0x0  }
0x1f: {  	s9 =	smul.u32 $0xF7A, s1;
	s8 =	simm.s32 @!p0 $0x1BF5;
	p2 =	por !p2, p0  }
0x20: {  	[sflag:s8] =	ssyncset.s32 @!p0 $0xFFFFF086;
	s6 =	sadd.s32 @!p0 s3, s7;
	s7 =	simm.s32 @!p0 $0x108  }
0x21: {  	s3 =	sadd.s32 s3, s9;
	s6 =	sadd.s32 @!p0 $0x88, s6;
	s7 =	simm.s32 @p2 $0x1082  }
0x22: {  	[simem:s7], [sflag:s8] =	dma.local @!p0 [hbm:s6], $0xF7A  }
0x23: {  	s9 =	sor.u32 $0xD0000000, s2;
	s6 =	simm.s32 $0x108;
	_ =	swait.ge @!p0 [sflag:s8], $0x0  }
0x24: {  	s3 =	sadd.s32 $0x88, s3;
	s6 =	simm.s32 @!p1 $0x1082;
	[sflag:s4] =	ssyncset.s32 $0xFFFFF086  }
0x25: {  	[simem:s6], [sflag:s4] =	dma.local [hbm:s3], $0xF7A  }
0x26: {  	[smem:$0x3F9F] =	sst s1;
	(tag) =	ssettag s2;
	_ =	strace s9  }
0x27: {  	s1 =	sld [smem:$0x3FAF]  }
0x28: {  	s2 =	sld [smem:$0x3FB0]  }
0x29: {  	s4 =	sld [smem:$0x3FB2]  }
0x2a: {  	p0 =	seq.s32 s5, $0x0;
	s5 =	sld [smem:$0x3FB3]  }
0x2b: {  	s6 =	sld [smem:$0x3FB4]  }
0x2c: {  	s7 =	sld [smem:$0x3FB5]  }
0x2d: {  	s3 =	simm.s32 $0x108;
	s8 =	sld [smem:$0x3FB6]  }
0x2e: {  	s3 =	simm.s32 @!p0 $0x1082;
	s9 =	sld [smem:$0x3FB7]  }
0x2f: {  	lr =	sadd.s32 s0, s3;
	s0 =	sld [smem:$0x3FAE]  }
0x30: {  	s3 =	sld [smem:$0x3FB1]  }
0x31: {  	[smem:$0x3FBA] =	sst s10  }
0x32: {  	s10 =	sld [smem:$0x3FB8];
	_ =	sdelay $0x3  }
0x33: {  	p0 =	seq.s32 s10, $0x1;
	s10 =	sld [smem:$0x3FBA];
	_ =	sdelay $0x3  }
0x34: {  	[smem:$0x3FBA] =	sst s10  }
0x35: {  	s10 =	sld [smem:$0x3FB9];
	_ =	sdelay $0x3  }
0x36: {  	p1 =	seq.s32 s10, $0x1;
	s10 =	sld [smem:$0x3FBA];
	_ =	sdelay $0x3  }
0x37: {  	[smem:$0x3FBA] =	sst s10  }
0x38: {  	s10 =	sld [smem:$0x3FBB]  }
0x39: {  	_ = 	snop;
	(pc) =	sbr.ind lr, $3  }
0x3a: {  	_ = 	snop  }
0x3b: {  	_ = 	snop  }
0x3c: {  	p2 =	seq.s32 s10, $0x1;
	s10 =	sld [smem:$0x3FBA]  }
0x3d: {  	_ =	shalt  }
0x3e: {  	_ =	shalt  }
0x3f: {  	_ =	shalt  }
0x40: {  	_ =	shalt  }
0x41: {  	_ =	shalt  }
0x42: {  	_ =	shalt  }
0x43: {  	_ =	shalt  }
0x44: {  	_ =	shalt  }
0x45: {  	_ =	shalt  }
0x46: {  	_ =	shalt  }
0x47: {  	_ =	shalt  }
0x48: {  	_ =	shalt  }
0x49: {  	_ =	shalt  }
0x4a: {  	_ =	shalt  }
0x4b: {  	_ =	shalt  }
0x4c: {  	_ =	shalt  }
0x4d: {  	_ =	shalt  }
0x4e: {  	_ =	shalt  }
0x4f: {  	_ =	shalt  }
0x50: {  	_ =	shalt  }
0x51: {  	_ =	shalt  }
0x52: {  	_ =	shalt  }
0x53: {  	_ =	shalt  }
0x54: {  	_ =	shalt  }
0x55: {  	_ =	shalt  }
0x56: {  	_ =	shalt  }
0x57: {  	_ =	shalt  }
0x58: {  	_ =	shalt  }
0x59: {  	_ =	shalt  }
0x5a: {  	_ =	shalt  }
0x5b: {  	_ =	shalt  }
0x5c: {  	_ =	shalt  }
0x5d: {  	_ =	shalt  }
0x5e: {  	_ =	shalt  }
0x5f: {  	_ =	shalt  }
0x60: {  	_ =	shalt  }
0x61: {  	_ =	shalt  }
0x62: {  	_ =	shalt  }
0x63: {  	_ =	shalt  }
0x64: {  	_ =	shalt  }
0x65: {  	_ =	shalt  }
0x66: {  	_ =	shalt  }
0x67: {  	_ =	shalt  }
0x68: {  	_ =	shalt  }
0x69: {  	_ =	shalt  }
0x6a: {  	_ =	shalt  }
0x6b: {  	_ =	shalt  }
0x6c: {  	_ =	shalt  }
0x6d: {  	_ =	shalt  }
0x6e: {  	_ =	shalt  }
0x6f: {  	_ =	shalt  }
0x70: {  	_ =	shalt  }
0x71: {  	_ =	shalt  }
0x72: {  	_ =	shalt  }
0x73: {  	_ =	shalt  }
0x74: {  	_ =	shalt  }
0x75: {  	_ =	shalt  }
0x76: {  	_ =	shalt  }
0x77: {  	_ =	shalt  }
0x78: {  	_ =	shalt  }
0x79: {  	_ =	shalt  }
0x7a: {  	_ =	shalt  }
0x7b: {  	_ =	shalt  }
0x7c: {  	_ =	shalt  }
0x7d: {  	_ =	shalt  }
0x7e: {  	_ =	shalt  }
0x7f: {  	_ =	shalt  }
0x80: {  	_ =	shalt  }
0x81: {  	_ =	shalt  }
0x82: {  	_ =	shalt  }
0x83: {  	_ =	shalt  }
0x84: {  	_ =	shalt  }
0x85: {  	_ =	shalt  }
0x86: {  	_ =	shalt  }
0x87: {  	_ =	shalt  }
.Lfunc_end0:
.L_simem_size_0:
called_computation_lowered:
.L_overlay_start_0:
0x88: {  	s2 =	sld [smem:$0x3FD9]  }
0x89: {  	s3 =	sld [smem:$0x3FFE];
	_ =	sdelay $0x1  }
0x8a: {  	s1 =	srdreg.scid  }
0x8b: {  	s0 =	sand.u32 $0x1, s1  }
0x8c: {  	s14 =	sshll.u32 s0, $0xA;
	s2 =	sadd.s32 s3, s2  }
0x8d: {  	s2 =	sadd.s32 s2, s14  }
0x8e: {  	[smem:$0x3FC6] =	sst s2  }
0x8f: {  	_ = 	snop  }
0x90: {  	s2 =	sld [smem:$0x3FD0];
	_ =	sdelay $0x2  }
0x91: {  	s4 =	simm.s32 $0xA;
	s5 =	simm.s32 $0x10;
	s15 =	sld [smem:$0x3FC8]  }
0x92: {  	[smem:s5], [sflag:s4] =	dma.local [hbm:s2], $0x1  }
0x93: {  	_ =	swait.eq [sflag:s4], $0x1  }
0x94: {  	s16 =	sld [smem:$0x10]  }
0x95: {  	s17 =	sld [smem:$0x11];
	[sflag:s4] =	ssyncset.done $0x0  }
0x96: {  	s6 =	sld [smem:$0x12];
	[sflag:s4] =	ssyncadd.s32 $0xFFFFFFFF  }
0x97: {  	s18 =	sld [smem:$0x13];
	(tm) =	ssettm $0x1  }
0x98: {  	s7 =	sld [smem:$0x3FFB];
	_ =	sdelay $0x3  }
0x99: {  	_ =	strace s7  }
0x9a: {  	s7 =	sld [smem:$0x3FFC];
	_ =	sdelay $0x3  }
0x9b: {  	_ =	strace s7  }
0x9c: {  	s7 =	sld [smem:$0x3FFD];
	_ =	sdelay $0x3  }
0x9d: {  	_ =	strace s7  }
0x9e: {  	_ =	strace $0x8FFFFFFF  }
0x9f: {  	s19 =	sld [smem:$0x3FDB];
	_ =	sdelay $0x1  }
0xa0: {  	s8 =	simm.s32 $_scs_section_size  }
0xa1: {  	s9 =	simm.s32 $_size__tile_overlayer_lowered;
	s10 =	simm.s32 $_tile_overlayer_lowered  }
0xa2: {  	s22 =	simm.s32 $0x1BFF;
	s21 =	sshll.u32 s10, $0x1;
	s7 =	sadd.s32 s8, s19  }
0xa3: {  	s11 =	simm.s32 $0x0;
	s20 =	sshll.u32 s9, $0x1;
	s9 =	sadd.s32 s21, s7  }
0xa4: {  	[timem:s11], [sflag:s22] =	dma.local [hbm:s9], s20  }
0xa5: {  	_ =	swait.ge [sflag:s22], s20  }
0xa6: {  	s8 =	ssub.s32 $0x0, s20;
	[sflag:s22] =	ssyncset.done $0x0  }
0xa7: {  	[sflag:s22] =	ssyncadd.s32 s8;
	_ =	sdelay $0x1  }
0xa8: {  	s23 =	simm.s32 $0x1B8B  }
0xa9: {  	_ =	swait.ge [sflag:s23], $0x1  }
0xaa: {  	[sflag:s23] =	ssyncset.done $0x0  }
0xab: {  	s25 =	simm.s32 $0x1B8E;
	s24 =	sld [smem:$0x3FFE];
	[sflag:s23] =	ssyncadd.s32 $0xFFFFFFFF  }
0xac: {  	s26 =	simm.s32 $execute0_lowered;
	[smem:$0x3FD2] =	sst s25  }
0xad: {  	s9 =	sshll.u32 s26, $0x1;
	_ =	strace $0x80000046;
	[dreg:$0x1] =	wrdreg $0xFFFFFFFF  }
0xae: {  	s28 =	simm.s32 $_size_execute0_lowered;
	s7 =	sadd.s32 s7, s9;
	[dreg:$0x0] =	wrdreg $0x0  }
0xaf: {  	s9 =	sshll.u32 s28, $0x1;
	[dreg:$0x2] =	wrdreg s7  }
0xb0: {  	[dreg:$0x3] =	wrdreg s9  }
0xb1: {  	[dreg:$0x4] =	wrdreg $0xC0  }
0xb2: {  	_ =	task [dreg:s11], $0x5FFFF  }
0xb3: {  	[dreg:$0x1] =	wrdreg $0xFFFFFFFF  }
0xb4: {  	[dreg:$0x0] =	wrdreg $0x60  }
0xb5: {  	[dreg:$0x2] =	wrdreg s24  }
0xb6: {  	[dreg:$0x3] =	wrdreg s15  }
0xb7: {  	[dreg:$0x4] =	wrdreg s16  }
0xb8: {  	[dreg:$0x5] =	wrdreg s17  }
0xb9: {  	[dreg:$0x6] =	wrdreg s6  }
0xba: {  	[dreg:$0x7] =	wrdreg s18  }
0xbb: {  	[dreg:$0x8] =	wrdreg $0x1DC000  }
0xbc: {  	[dreg:$0x9] =	wrdreg $0x9  }
0xbd: {  	_ =	task.clear_ibuf [dreg:s11], $0xAFFFF;
	_ =	strace $0x90000046  }
0xbe: {  	s29 =	simm.s32 $0x9;
	_ =	strace $0x80000048  }
0xbf: {  	_ =	swait.ge [sflag:s29], $0x1  }
0xc0: {  	[sflag:s29] =	ssyncadd.s32 $0xFFFFFFFF  }
0xc1: {  	_ =	strace $0x90000048  }
0xc2: {  	_ =	sfence  }
0xc3: {  	s30 =	sld [smem:$0x0];
	_ =	sdelay $0x2  }
0xc4: {  	s31 =	sshll.u32 s1, $0xD;
	s1 =	sshrl.u32 s1, $0x2  }
0xc5: {  	s3 =	sand.u32 $0x4000, s31;
	s1 =	sadd.s32 s1, s30  }
0xc6: {  	s0 =	sor.u32 s3, s0;
	s1 =	sshll.u32 s1, $0x11  }
0xc7: {  	s0 =	sor.u32 s1, s0  }
0xc8: {  	s0 =	sadd.s32 $0x8F2B, s0  }
0xc9: {  	[sflag:s0] =	ssyncadd.remote.s32 $0x1  }
0xca: {  	_ =	sfence.sel $0xFFFF  }
0xcb: {  	[dreg:$0x0] =	wrdreg $0xFFFFFFFF;
	(pc) =	sbr.abs _section_cstart, $3  }
0xcc: {  	[dreg:$0x1] =	wrdreg $0xFFFFFFFF  }
0xcd: {  	_ =	task.clear_ibuf [dreg:s11], $0x2FFFF;
	_ =	strace $0x9FFFFFFF  }
0xce: {  	(tm) =	ssettm $0x7FFFFFFF  }
0xcf: {  	_ =	shalt  }
tec
execute0_lowered:
.L_overlay_start_1:
0x0: {  	(tag) =	ssettag $0x1  }
0x1: {  	s1 =	rddreg [dreg:$0x0]  }
0x2: {  	s0 =	rddreg [dreg:$0x1]  }
0x3: {  	s2 =	rddreg [dreg:$0x2]  }
0x4: {  	s4 =	rddreg [dreg:$0x3]  }
0x5: {  	s5 =	rddreg [dreg:$0x4]  }
0x6: {  	s3 =	srdreg.scid;
	s6 =	rddreg [dreg:$0x5]  }
0x7: {  	s8 =	rddreg [dreg:$0x6];
	s18 =	stileid.u32  }
0x8: {  	s7 =	sand.u32 $0x1, s3;
	s3 =	simm.s32 $0x0;
	s24 =	sshll.u32 s18, $0xB  }
0x9: {  	s25 =	sshll.u32 s18, $0x8;
	s9 =	sshll.u32 s7, $0x1;
	s11 =	ssub.s32 $0x2, s7  }
0xa: {  	[smem:$0x7FF] =	sst s3;
	s9 =	sadd.s32 s18, s9;
	s21 =	sshrl.u32 s11, $0x1  }
0xb: {  	s16 =	ssub.s32 s11, s21;
	s22 =	sshll.u32 s9, $0x8;
	s21 =	sadd.s32 s25, s8  }
0xc: {  	_ =	strace $0x80000047;
	s23 =	sadd.s32 s6, s22;
	[dreg:$0xd] =	wrdreg s21  }
0xd: {  	s10 =	sshll.u32 s9, $0x9;
	s5 =	sadd.s32 s5, s22;
	[dreg:$0x9] =	wrdreg s23  }
0xe: {  	s1 =	sadd.s32 s10, s1;
	s4 =	sadd.s32 s4, s22;
	[dreg:$0xa] =	wrdreg s5  }
0xf: {  	s28 =	sshll.u32 s18, $0x10;
	s1 =	sadd.s32 $0x600, s1;
	[dreg:$0xc] =	wrdreg s4  }
0x10: {  	s26 =	sshll.u32 s7, $0x14;
	[dreg:$0x8] =	wrdreg s1;
	s1 =	sadd.s32 s24, s8  }
0x11: {  	s8 =	smax.u32 s16, $0x1;
	[dreg:$0xb] =	wrdreg s1;
	s1 =	sor.u32 s28, s26  }
0x12: {  	[dreg:$0x14] =	wrdreg s8;
	s2 =	sadd.s32 s2, s1  }
0x13: {  	s4 =	sadd.s32 $0x800, s2;
	[dreg:$0xe] =	wrdreg s2  }
0x14: {  	s5 =	sadd.s32 $0x1000, s2;
	[dreg:$0xf] =	wrdreg s4  }
0x15: {  	s6 =	sadd.s32 $0x1800, s2;
	[dreg:$0x10] =	wrdreg s5  }
0x16: {  	s1 =	sadd.s32 $0x2000, s2;
	[dreg:$0x11] =	wrdreg s6  }
0x17: {  	s7 =	sadd.s32 $0x2800, s2;
	[dreg:$0x12] =	wrdreg s1  }
0x18: {  	s10 =	sadd.s32 $0x3000, s2;
	[dreg:$0x13] =	wrdreg s7  }
0x19: {  	s16 =	sadd.s32 $0x3800, s2;
	[dreg:$0x15] =	wrdreg s10  }
0x1a: {  	p0 =	sgt.u32 s18, $0x1;
	s18 =	sadd.s32 $0x4000, s2;
	[dreg:$0x16] =	wrdreg s16  }
0x1b: {  	s19 =	sadd.s32 $0x4800, s2;
	[dreg:$0x17] =	wrdreg s18  }
0x1c: {  	s29 =	sadd.s32 $0x100, s0;
	s22 =	sadd.s32 $0x5000, s2;
	[dreg:$0x18] =	wrdreg s19  }
0x1d: {  	s12 =	sadd.s32 $0x300, s0;
	s23 =	sadd.s32 $0x5800, s2;
	[dreg:$0x19] =	wrdreg s22  }
0x1e: {  	s13 =	sadd.s32 $0x400, s0;
	s24 =	sadd.s32 $0x6000, s2;
	[dreg:$0x1a] =	wrdreg s23  }
0x1f: {  	s14 =	sadd.s32 $0x500, s0;
	s25 =	sadd.s32 $0x6800, s2;
	[dreg:$0x1b] =	wrdreg s24  }
0x20: {  	s15 =	sadd.s32 $0x600, s0;
	s26 =	sadd.s32 $0x7000, s2;
	[dreg:$0x1c] =	wrdreg s25  }
0x21: {  	s17 =	sadd.s32 $0x700, s0;
	s28 =	sadd.s32 $0x7800, s2;
	[dreg:$0x1d] =	wrdreg s26  }
0x22: {  	s11 =	sadd.s32 $0x200, s0;
	s0 =	sadd.s32 $0x8000, s2;
	[dreg:$0x1e] =	wrdreg s28  }
0x23: {  	s8 =	sadd.s32 $0xA800, s2;
	[dreg:$0x1f] =	wrdreg s0  }
0x24: {  	s4 =	sadd.s32 $0x8800, s2;
	[smem:$0x7F3] =	sst s8  }
0x25: {  	s5 =	sadd.s32 $0x9000, s2;
	[smem:$0x7EF] =	sst s4  }
0x26: {  	s6 =	sadd.s32 $0x9800, s2;
	[smem:$0x7F0] =	sst s5  }
0x27: {  	s7 =	sadd.s32 $0xA000, s2;
	[smem:$0x7F1] =	sst s6  }
0x28: {  	s10 =	sadd.s32 $0xB000, s2;
	[smem:$0x7F2] =	sst s7  }
0x29: {  	s16 =	sadd.s32 $0xB800, s2;
	[smem:$0x7F4] =	sst s10  }
0x2a: {  	s30 =	simm.s32 $0x3;
	s18 =	sadd.s32 $0xC000, s2;
	[smem:$0x7F5] =	sst s16  }
0x2b: {  	s31 =	simm.s32 $0x1000;
	s19 =	sadd.s32 $0xC800, s2;
	[smem:$0x7F6] =	sst s18  }
0x2c: {  	s20 =	sshll.u32 s9, $0xC;
	s22 =	sadd.s32 $0xD000, s2;
	[smem:$0x7F7] =	sst s19  }
0x2d: {  	v0 =	vmov s20;
	s20 =	simm.s32 $0x1;
	s23 =	sadd.s32 $0xD800, s2;
	[smem:$0x7F8] =	sst s22  }
0x2e: {  	s24 =	sadd.s32 $0xE000, s2;
	s25 =	sadd.s32 $0xE800, s2;
	[smem:$0x7F9] =	sst s23  }
.Ltmp0:
0x2f: {  	s26 =	sadd.s32 $0xF000, s2;
	[smem:$0x7FA] =	sst s24;
	(pc) =	sbr.rel .LBB2_1-.Ltmp0, $4  }
0x30: {  	v2 =	vlaneseq.u32;
	s28 =	sadd.s32 $0xF800, s2;
	s1 =	simm.s32 $0x3100;
	[smem:$0x7FB] =	sst s25  }
0x31: {  	v3 =	vimm.s32 $0x7FFFFFFF;
	v4 =	vimm.s32 $0x0;
	v6 =	vimm.s32 $0x1;
	s2 =	simm.s32 $0x5200;
	s0 =	simm.s32 $0x0;
	[smem:$0x7FC] =	sst s26  }
0x32: {  	vm0 =	vmmov $0xffff;
	v5 =	vmul.u32 $0x101, v2;
	v8 =	vshrl.u32 v2, $0x3;
	[smem:$0x7FD] =	sst s28;
	s4 =	simm.s32 $0x15200;
	s5 =	simm.s32 $0xD200  }
0x33: {  	v7 =	vand.u32 $0x7, v2;
	v8 =	vmul.u32 $0x8, v8;
	v1 =	vmov s9;
	s6 =	simm.s32 $0x2080;
	s7 =	simm.s32 $0x4180;
	s24 =	simm.s32 $0x15C00  }
.LBB2_58:
0x34: {  	[tilespmem:s22+$0x15300] =	vst v1;
	s21 =	rddreg [dreg:$0xc];
	s28 =	simm.s32 $0x15300  }
0x35: {  	[hbm4b:s21+s3] =	stream.linear.scatter [tilespmem:s28], [sflag:$0x3], $0x800, $0x38;
	[tilespmem:$0x1DD00] =	vst v63  }
0x36: {  	_ =	swait.ge [sflag:s30], $0x800  }
0x37: {  	[sflag:s30] =	ssyncset.done $0x0  }
0x38: {  	s21 =	rddreg [dreg:$0xd];
	[sflag:s30] =	ssyncadd.s32 $0xFFFFF800  }
.LBB2_59:
0x39: {  	[smem:$0x7EE] =	sst s0  }
0x3a: {  	s26 =	simm.s32 $0x15B00;
	[bflag:$0x0] =	sbarrier.arrive $0xFFFF  }
0x3b: {  	[tilespmem:s26], [sflag:$0x3] =	stream.linear.gather [spmem:s21], $0x100, $0x38;
	[tilespmem:$0x1DD00] =	vst v63  }
0x3c: {  	_ =	swait.ge [sflag:s30], $0x100  }
0x3d: {  	[sflag:s30] =	ssyncset.done $0x0  }
0x3e: {  	[sflag:s30] =	ssyncadd.s32 $0xFFFFFF00  }
0x3f: {  	v9 =	vld.msk [tilespmem:$0x15B00], $0xff;
	_ =	sdelay $0x4  }
0x40: {  	v10 =	vshll.u32 v9, $0x4  }
0x41: {  	v9 =	vand.u32 $0x7, v9;
	v10 =	vand.u32 $0xFFFFFF80, v10  }
0x42: {  	v9 =	vor.u32 v9, v10  }
0x43: {  	v9 =	vperm.xlane v9, v7;
	_ =	sdelay $0x1  }
0x44: {  	v9 =	vadd.s32 v8, v9;
	_ =	sdelay $0x3  }
0x45: {  	s8 =	rddreg [dreg:$0x1]  }
0x46: {  	[tilespmem:s24], [sflag:$0x1] =	stream.indirect_vreg.gather [hbm4b:s8+s3], $0x80, v9, vm0, $0xb8;
	[tilespmem:$0x1DD00] =	vst v63  }
0x47: {  	s16 =	simm.s32 $0x16400  }
0x48: {  	[tilespmem:s16], [sflag:$0x1] =	stream.indirect_vreg.gather [hbm4b:s29+s3], $0x80, v9, vm0, $0xb8;
	[tilespmem:$0x1DD00] =	vst v63  }
0x49: {  	s18 =	simm.s32 $0x16C00  }
0x4a: {  	[tilespmem:s18], [sflag:$0x1] =	stream.indirect_vreg.gather [hbm4b:s11+s3], $0x80, v9, vm0, $0xb8;
	[tilespmem:$0x1DD00] =	vst v63  }
0x4b: {  	s19 =	simm.s32 $0x17400  }
0x4c: {  	[tilespmem:s19], [sflag:$0x1] =	stream.indirect_vreg.gather [hbm4b:s12+s3], $0x80, v9, vm0, $0xb8;
	[tilespmem:$0x1DD00] =	vst v63  }
0x4d: {  	s21 =	simm.s32 $0x17C00  }
0x4e: {  	[tilespmem:s21], [sflag:$0x1] =	stream.indirect_vreg.gather [hbm4b:s13+s3], $0x80, v9, vm0, $0xb8;
	[tilespmem:$0x1DD00] =	vst v63  }
0x4f: {  	s22 =	simm.s32 $0x18400  }
0x50: {  	[tilespmem:s22], [sflag:$0x1] =	stream.indirect_vreg.gather [hbm4b:s14+s3], $0x80, v9, vm0, $0xb8;
	[tilespmem:$0x1DD00] =	vst v63  }
0x51: {  	s23 =	simm.s32 $0x18C00  }
0x52: {  	[tilespmem:s23], [sflag:$0x1] =	stream.indirect_vreg.gather [hbm4b:s15+s3], $0x80, v9, vm0, $0xb8;
	[tilespmem:$0x1DD00] =	vst v63  }
0x53: {  	s25 =	simm.s32 $0x19400  }
0x54: {  	[tilespmem:s25], [sflag:$0x1] =	stream.indirect_vreg.gather [hbm4b:s17+s3], $0x80, v9, vm0, $0xb8;
	[tilespmem:$0x1DD00] =	vst v63  }
0x55: {  	v9 =	vld.msk [tilespmem:$0x15B08], $0xff;
	_ =	sdelay $0x4  }
0x56: {  	v10 =	vshll.u32 v9, $0x4  }
0x57: {  	v9 =	vand.u32 $0x7, v9;
	v10 =	vand.u32 $0xFFFFFF80, v10  }
0x58: {  	v9 =	vor.u32 v9, v10  }
0x59: {  	v9 =	vperm.xlane v9, v7;
	_ =	sdelay $0x1  }
0x5a: {  	v9 =	vadd.s32 v8, v9;
	_ =	sdelay $0x3  }
0x5b: {  	s0 =	simm.s32 $0x19C00  }
0x5c: {  	[tilespmem:s0], [sflag:$0x2] =	stream.indirect_vreg.gather [hbm4b:s8+s3], $0x80, v9, vm0, $0xb8;
	[tilespmem:$0x1DD00] =	vst v63  }
0x5d: {  	s9 =	simm.s32 $0x1A400  }
0x5e: {  	[tilespmem:s9], [sflag:$0x2] =	stream.indirect_vreg.gather [hbm4b:s29+s3], $0x80, v9, vm0, $0xb8;
	[tilespmem:$0x1DD00] =	vst v63  }
0x5f: {  	s26 =	simm.s32 $0x1AC00  }
0x60: {  	[tilespmem:s26], [sflag:$0x2] =	stream.indirect_vreg.gather [hbm4b:s11+s3], $0x80, v9, vm0, $0xb8;
	[tilespmem:$0x1DD00] =	vst v63  }
0x61: {  	s19 =	simm.s32 $0x1B400  }
0x62: {  	[tilespmem:s19], [sflag:$0x2] =	stream.indirect_vreg.gather [hbm4b:s12+s3], $0x80, v9, vm0, $0xb8;
	[tilespmem:$0x1DD00] =	vst v63  }
0x63: {  	s21 =	simm.s32 $0x1BC00  }
0x64: {  	[tilespmem:s21], [sflag:$0x2] =	stream.indirect_vreg.gather [hbm4b:s13+s3], $0x80, v9, vm0, $0xb8;
	[tilespmem:$0x1DD00] =	vst v63  }
0x65: {  	s23 =	simm.s32 $0x1C400  }
0x66: {  	[tilespmem:s23], [sflag:$0x2] =	stream.indirect_vreg.gather [hbm4b:s14+s3], $0x80, v9, vm0, $0xb8;
	[tilespmem:$0x1DD00] =	vst v63  }
0x67: {  	s25 =	simm.s32 $0x1CC00  }
0x68: {  	[tilespmem:s25], [sflag:$0x2] =	stream.indirect_vreg.gather [hbm4b:s15+s3], $0x80, v9, vm0, $0xb8;
	[tilespmem:$0x1DD00] =	vst v63  }
0x69: {  	s9 =	simm.s32 $0x1D400  }
0x6a: {  	[tilespmem:s9], [sflag:$0x2] =	stream.indirect_vreg.gather [hbm4b:s17+s3], $0x80, v9, vm0, $0xb8;
	[tilespmem:$0x1DD00] =	vst v63  }
0x6b: {  	_ =	swait.ge [sflag:s20], $0x4000  }
0x6c: {  	[sflag:s20] =	ssyncset.done $0x0  }
0x6d: {  	s19 =	rddreg [dreg:$0xe];
	[sflag:s20] =	ssyncadd.s32 $0xFFFFC000  }
0x6e: {  	[hbm4b:s19+s3] =	stream.linear.scatter [tilespmem:s24], [sflag:$0x3], $0x4000, $0x38;
	[tilespmem:$0x1DD00] =	vst v63  }
0x6f: {  	_ =	swait.ge [sflag:s30], $0x4000  }
0x70: {  	[sflag:s30] =	ssyncset.done $0x0  }
0x71: {  	[sflag:s30] =	ssyncadd.s32 $0xFFFFC000  }
0x72: {  	v9 =	vld.msk [tilespmem:$0x15B10], $0xff;
	_ =	sdelay $0x4  }
0x73: {  	v10 =	vshll.u32 v9, $0x4  }
0x74: {  	v9 =	vand.u32 $0x7, v9;
	v10 =	vand.u32 $0xFFFFFF80, v10  }
0x75: {  	v9 =	vor.u32 v9, v10  }
0x76: {  	v9 =	vperm.xlane v9, v7;
	_ =	sdelay $0x1  }
0x77: {  	v9 =	vadd.s32 v8, v9;
	_ =	sdelay $0x4  }
0x78: {  	[tilespmem:s24], [sflag:$0x1] =	stream.indirect_vreg.gather [hbm4b:s8+s3], $0x80, v9, vm0, $0xb8;
	[tilespmem:$0x1DD00] =	vst v63  }
0x79: {  	s16 =	simm.s32 $0x16400  }
0x7a: {  	[tilespmem:s16], [sflag:$0x1] =	stream.indirect_vreg.gather [hbm4b:s29+s3], $0x80, v9, vm0, $0xb8;
	[tilespmem:$0x1DD00] =	vst v63  }
0x7b: {  	s18 =	simm.s32 $0x16C00  }
0x7c: {  	[tilespmem:s18], [sflag:$0x1] =	stream.indirect_vreg.gather [hbm4b:s11+s3], $0x80, v9, vm0, $0xb8;
	[tilespmem:$0x1DD00] =	vst v63  }
0x7d: {  	s10 =	simm.s32 $0x17400  }
0x7e: {  	[tilespmem:s10], [sflag:$0x1] =	stream.indirect_vreg.gather [hbm4b:s12+s3], $0x80, v9, vm0, $0xb8;
	[tilespmem:$0x1DD00] =	vst v63  }
0x7f: {  	s28 =	simm.s32 $0x17C00  }
0x80: {  	[tilespmem:s28], [sflag:$0x1] =	stream.indirect_vreg.gather [hbm4b:s13+s3], $0x80, v9, vm0, $0xb8;
	[tilespmem:$0x1DD00] =	vst v63  }
0x81: {  	s16 =	simm.s32 $0x18400  }
0x82: {  	[tilespmem:s16], [sflag:$0x1] =	stream.indirect_vreg.gather [hbm4b:s14+s3], $0x80, v9, vm0, $0xb8;
	[tilespmem:$0x1DD00] =	vst v63  }
0x83: {  	s18 =	simm.s32 $0x18C00  }
0x84: {  	[tilespmem:s18], [sflag:$0x1] =	stream.indirect_vreg.gather [hbm4b:s15+s3], $0x80, v9, vm0, $0xb8;
	[tilespmem:$0x1DD00] =	vst v63  }
0x85: {  	s19 =	simm.s32 $0x19400;
	s10 =	simm.s32 $0x2  }
0x86: {  	[tilespmem:s19], [sflag:$0x1] =	stream.indirect_vreg.gather [hbm4b:s17+s3], $0x80, v9, vm0, $0xb8;
	[tilespmem:$0x1DD00] =	vst v63  }
0x87: {  	_ =	swait.ge [sflag:s10], $0x4000  }
0x88: {  	[sflag:s10] =	ssyncset.done $0x0  }
0x89: {  	s28 =	rddreg [dreg:$0xf];
	[sflag:s10] =	ssyncadd.s32 $0xFFFFC000  }
0x8a: {  	[hbm4b:s28+s3] =	stream.linear.scatter [tilespmem:s0], [sflag:$0x3], $0x4000, $0x38;
	[tilespmem:$0x1DD00] =	vst v63  }
0x8b: {  	_ =	swait.ge [sflag:s30], $0x4000  }
0x8c: {  	[sflag:s30] =	ssyncset.done $0x0  }
0x8d: {  	[sflag:s30] =	ssyncadd.s32 $0xFFFFC000  }
0x8e: {  	v9 =	vld.msk [tilespmem:$0x15B18], $0xff;
	_ =	sdelay $0x4  }
0x8f: {  	v10 =	vshll.u32 v9, $0x4  }
0x90: {  	v9 =	vand.u32 $0x7, v9;
	v10 =	vand.u32 $0xFFFFFF80, v10  }
0x91: {  	v9 =	vor.u32 v9, v10  }
0x92: {  	v9 =	vperm.xlane v9, v7;
	_ =	sdelay $0x1  }
0x93: {  	v9 =	vadd.s32 v8, v9;
	_ =	sdelay $0x4  }
0x94: {  	[tilespmem:s0], [sflag:$0x2] =	stream.indirect_vreg.gather [hbm4b:s8+s3], $0x80, v9, vm0, $0xb8;
	[tilespmem:$0x1DD00] =	vst v63  }
0x95: {  	s28 =	simm.s32 $0x1A400  }
0x96: {  	[tilespmem:s28], [sflag:$0x2] =	stream.indirect_vreg.gather [hbm4b:s29+s3], $0x80, v9, vm0, $0xb8;
	[tilespmem:$0x1DD00] =	vst v63  }
0x97: {  	s26 =	simm.s32 $0x1AC00  }
0x98: {  	[tilespmem:s26], [sflag:$0x2] =	stream.indirect_vreg.gather [hbm4b:s11+s3], $0x80, v9, vm0, $0xb8;
	[tilespmem:$0x1DD00] =	vst v63  }
0x99: {  	s22 =	simm.s32 $0x1B400  }
0x9a: {  	[tilespmem:s22], [sflag:$0x2] =	stream.indirect_vreg.gather [hbm4b:s12+s3], $0x80, v9, vm0, $0xb8;
	[tilespmem:$0x1DD00] =	vst v63  }
0x9b: {  	s21 =	simm.s32 $0x1BC00  }
0x9c: {  	[tilespmem:s21], [sflag:$0x2] =	stream.indirect_vreg.gather [hbm4b:s13+s3], $0x80, v9, vm0, $0xb8;
	[tilespmem:$0x1DD00] =	vst v63  }
0x9d: {  	s23 =	simm.s32 $0x1C400  }
0x9e: {  	[tilespmem:s23], [sflag:$0x2] =	stream.indirect_vreg.gather [hbm4b:s14+s3], $0x80, v9, vm0, $0xb8;
	[tilespmem:$0x1DD00] =	vst v63  }
0x9f: {  	s25 =	simm.s32 $0x1CC00  }
0xa0: {  	[tilespmem:s25], [sflag:$0x2] =	stream.indirect_vreg.gather [hbm4b:s15+s3], $0x80, v9, vm0, $0xb8;
	[tilespmem:$0x1DD00] =	vst v63  }
0xa1: {  	s9 =	simm.s32 $0x1D400  }
0xa2: {  	[tilespmem:s9], [sflag:$0x2] =	stream.indirect_vreg.gather [hbm4b:s17+s3], $0x80, v9, vm0, $0xb8;
	[tilespmem:$0x1DD00] =	vst v63  }
0xa3: {  	_ =	swait.ge [sflag:s20], $0x4000  }
0xa4: {  	[sflag:s20] =	ssyncset.done $0x0  }
0xa5: {  	s26 =	rddreg [dreg:$0x10];
	[sflag:s20] =	ssyncadd.s32 $0xFFFFC000  }
0xa6: {  	[hbm4b:s26+s3] =	stream.linear.scatter [tilespmem:s24], [sflag:$0x3], $0x4000, $0x38;
	[tilespmem:$0x1DD00] =	vst v63  }
0xa7: {  	_ =	swait.ge [sflag:s30], $0x4000  }
0xa8: {  	[sflag:s30] =	ssyncset.done $0x0  }
0xa9: {  	[sflag:s30] =	ssyncadd.s32 $0xFFFFC000  }
0xaa: {  	v9 =	vld.msk [tilespmem:$0x15B20], $0xff;
	_ =	sdelay $0x4  }
0xab: {  	v10 =	vshll.u32 v9, $0x4  }
0xac: {  	v9 =	vand.u32 $0x7, v9;
	v10 =	vand.u32 $0xFFFFFF80, v10  }
0xad: {  	v9 =	vor.u32 v9, v10  }
0xae: {  	v9 =	vperm.xlane v9, v7;
	_ =	sdelay $0x1  }
0xaf: {  	v9 =	vadd.s32 v8, v9;
	_ =	sdelay $0x4  }
0xb0: {  	[tilespmem:s24], [sflag:$0x1] =	stream.indirect_vreg.gather [hbm4b:s8+s3], $0x80, v9, vm0, $0xb8;
	[tilespmem:$0x1DD00] =	vst v63  }
0xb1: {  	s26 =	simm.s32 $0x16400  }
0xb2: {  	[tilespmem:s26], [sflag:$0x1] =	stream.indirect_vreg.gather [hbm4b:s29+s3], $0x80, v9, vm0, $0xb8;
	[tilespmem:$0x1DD00] =	vst v63  }
0xb3: {  	s26 =	simm.s32 $0x16C00  }
0xb4: {  	[tilespmem:s26], [sflag:$0x1] =	stream.indirect_vreg.gather [hbm4b:s11+s3], $0x80, v9, vm0, $0xb8;
	[tilespmem:$0x1DD00] =	vst v63  }
0xb5: {  	s26 =	simm.s32 $0x17400  }
0xb6: {  	[tilespmem:s26], [sflag:$0x1] =	stream.indirect_vreg.gather [hbm4b:s12+s3], $0x80, v9, vm0, $0xb8;
	[tilespmem:$0x1DD00] =	vst v63  }
0xb7: {  	s26 =	simm.s32 $0x17C00  }
0xb8: {  	[tilespmem:s26], [sflag:$0x1] =	stream.indirect_vreg.gather [hbm4b:s13+s3], $0x80, v9, vm0, $0xb8;
	[tilespmem:$0x1DD00] =	vst v63  }
0xb9: {  	_ = 	snop  }
0xba: {  	[tilespmem:s16], [sflag:$0x1] =	stream.indirect_vreg.gather [hbm4b:s14+s3], $0x80, v9, vm0, $0xb8;
	[tilespmem:$0x1DD00] =	vst v63  }
0xbb: {  	_ = 	snop  }
0xbc: {  	[tilespmem:s18], [sflag:$0x1] =	stream.indirect_vreg.gather [hbm4b:s15+s3], $0x80, v9, vm0, $0xb8;
	[tilespmem:$0x1DD00] =	vst v63  }
0xbd: {  	_ = 	snop  }
0xbe: {  	[tilespmem:s19], [sflag:$0x1] =	stream.indirect_vreg.gather [hbm4b:s17+s3], $0x80, v9, vm0, $0xb8;
	[tilespmem:$0x1DD00] =	vst v63  }
0xbf: {  	_ =	swait.ge [sflag:s10], $0x4000  }
0xc0: {  	[sflag:s10] =	ssyncset.done $0x0  }
0xc1: {  	s19 =	rddreg [dreg:$0x11];
	[sflag:s10] =	ssyncadd.s32 $0xFFFFC000  }
0xc2: {  	[hbm4b:s19+s3] =	stream.linear.scatter [tilespmem:s0], [sflag:$0x3], $0x4000, $0x38;
	[tilespmem:$0x1DD00] =	vst v63  }
0xc3: {  	_ =	swait.ge [sflag:s30], $0x4000  }
0xc4: {  	[sflag:s30] =	ssyncset.done $0x0  }
0xc5: {  	[sflag:s30] =	ssyncadd.s32 $0xFFFFC000  }
0xc6: {  	v9 =	vld.msk [tilespmem:$0x15B28], $0xff;
	_ =	sdelay $0x4  }
0xc7: {  	v10 =	vshll.u32 v9, $0x4  }
0xc8: {  	v9 =	vand.u32 $0x7, v9;
	v10 =	vand.u32 $0xFFFFFF80, v10  }
0xc9: {  	v9 =	vor.u32 v9, v10  }
0xca: {  	v9 =	vperm.xlane v9, v7;
	_ =	sdelay $0x1  }
0xcb: {  	v9 =	vadd.s32 v8, v9;
	_ =	sdelay $0x4  }
0xcc: {  	[tilespmem:s0], [sflag:$0x2] =	stream.indirect_vreg.gather [hbm4b:s8+s3], $0x80, v9, vm0, $0xb8;
	[tilespmem:$0x1DD00] =	vst v63  }
0xcd: {  	_ = 	snop  }
0xce: {  	[tilespmem:s28], [sflag:$0x2] =	stream.indirect_vreg.gather [hbm4b:s29+s3], $0x80, v9, vm0, $0xb8;
	[tilespmem:$0x1DD00] =	vst v63  }
0xcf: {  	s28 =	simm.s32 $0x1AC00  }
0xd0: {  	[tilespmem:s28], [sflag:$0x2] =	stream.indirect_vreg.gather [hbm4b:s11+s3], $0x80, v9, vm0, $0xb8;
	[tilespmem:$0x1DD00] =	vst v63  }
0xd1: {  	s22 =	simm.s32 $0x1B400  }
0xd2: {  	[tilespmem:s22], [sflag:$0x2] =	stream.indirect_vreg.gather [hbm4b:s12+s3], $0x80, v9, vm0, $0xb8;
	[tilespmem:$0x1DD00] =	vst v63  }
0xd3: {  	s21 =	simm.s32 $0x1BC00  }
0xd4: {  	[tilespmem:s21], [sflag:$0x2] =	stream.indirect_vreg.gather [hbm4b:s13+s3], $0x80, v9, vm0, $0xb8;
	[tilespmem:$0x1DD00] =	vst v63  }
0xd5: {  	s23 =	simm.s32 $0x1C400  }
0xd6: {  	[tilespmem:s23], [sflag:$0x2] =	stream.indirect_vreg.gather [hbm4b:s14+s3], $0x80, v9, vm0, $0xb8;
	[tilespmem:$0x1DD00] =	vst v63  }
0xd7: {  	s25 =	simm.s32 $0x1CC00  }
0xd8: {  	[tilespmem:s25], [sflag:$0x2] =	stream.indirect_vreg.gather [hbm4b:s15+s3], $0x80, v9, vm0, $0xb8;
	[tilespmem:$0x1DD00] =	vst v63  }
0xd9: {  	s9 =	simm.s32 $0x1D400  }
0xda: {  	[tilespmem:s9], [sflag:$0x2] =	stream.indirect_vreg.gather [hbm4b:s17+s3], $0x80, v9, vm0, $0xb8;
	[tilespmem:$0x1DD00] =	vst v63  }
0xdb: {  	_ =	swait.ge [sflag:s20], $0x4000  }
0xdc: {  	[sflag:s20] =	ssyncset.done $0x0  }
0xdd: {  	s26 =	rddreg [dreg:$0x12];
	[sflag:s20] =	ssyncadd.s32 $0xFFFFC000  }
0xde: {  	[hbm4b:s26+s3] =	stream.linear.scatter [tilespmem:s24], [sflag:$0x3], $0x4000, $0x38;
	[tilespmem:$0x1DD00] =	vst v63  }
0xdf: {  	_ =	swait.ge [sflag:s30], $0x4000  }
0xe0: {  	[sflag:s30] =	ssyncset.done $0x0  }
0xe1: {  	[sflag:s30] =	ssyncadd.s32 $0xFFFFC000  }
0xe2: {  	v9 =	vld.msk [tilespmem:$0x15B30], $0xff;
	_ =	sdelay $0x4  }
0xe3: {  	v10 =	vshll.u32 v9, $0x4  }
0xe4: {  	v9 =	vand.u32 $0x7, v9;
	v10 =	vand.u32 $0xFFFFFF80, v10  }
0xe5: {  	v9 =	vor.u32 v9, v10  }
0xe6: {  	v9 =	vperm.xlane v9, v7;
	_ =	sdelay $0x1  }
0xe7: {  	v9 =	vadd.s32 v8, v9;
	_ =	sdelay $0x4  }
0xe8: {  	[tilespmem:s24], [sflag:$0x1] =	stream.indirect_vreg.gather [hbm4b:s8+s3], $0x80, v9, vm0, $0xb8;
	[tilespmem:$0x1DD00] =	vst v63  }
0xe9: {  	s26 =	simm.s32 $0x16400  }
0xea: {  	[tilespmem:s26], [sflag:$0x1] =	stream.indirect_vreg.gather [hbm4b:s29+s3], $0x80, v9, vm0, $0xb8;
	[tilespmem:$0x1DD00] =	vst v63  }
0xeb: {  	s26 =	simm.s32 $0x16C00  }
0xec: {  	[tilespmem:s26], [sflag:$0x1] =	stream.indirect_vreg.gather [hbm4b:s11+s3], $0x80, v9, vm0, $0xb8;
	[tilespmem:$0x1DD00] =	vst v63  }
0xed: {  	s26 =	simm.s32 $0x17400  }
0xee: {  	[tilespmem:s26], [sflag:$0x1] =	stream.indirect_vreg.gather [hbm4b:s12+s3], $0x80, v9, vm0, $0xb8;
	[tilespmem:$0x1DD00] =	vst v63  }
0xef: {  	s26 =	simm.s32 $0x17C00  }
0xf0: {  	[tilespmem:s26], [sflag:$0x1] =	stream.indirect_vreg.gather [hbm4b:s13+s3], $0x80, v9, vm0, $0xb8;
	[tilespmem:$0x1DD00] =	vst v63  }
0xf1: {  	s16 =	simm.s32 $0x18400  }
0xf2: {  	[tilespmem:s16], [sflag:$0x1] =	stream.indirect_vreg.gather [hbm4b:s14+s3], $0x80, v9, vm0, $0xb8;
	[tilespmem:$0x1DD00] =	vst v63  }
0xf3: {  	s18 =	simm.s32 $0x18C00  }
0xf4: {  	[tilespmem:s18], [sflag:$0x1] =	stream.indirect_vreg.gather [hbm4b:s15+s3], $0x80, v9, vm0, $0xb8;
	[tilespmem:$0x1DD00] =	vst v63  }
0xf5: {  	s26 =	simm.s32 $0x19400  }
0xf6: {  	[tilespmem:s26], [sflag:$0x1] =	stream.indirect_vreg.gather [hbm4b:s17+s3], $0x80, v9, vm0, $0xb8;
	[tilespmem:$0x1DD00] =	vst v63  }
0xf7: {  	_ =	swait.ge [sflag:s10], $0x4000  }
0xf8: {  	[sflag:s10] =	ssyncset.done $0x0  }
0xf9: {  	s26 =	rddreg [dreg:$0x13];
	[sflag:s10] =	ssyncadd.s32 $0xFFFFC000  }
0xfa: {  	[hbm4b:s26+s3] =	stream.linear.scatter [tilespmem:s0], [sflag:$0x3], $0x4000, $0x38;
	[tilespmem:$0x1DD00] =	vst v63  }
0xfb: {  	_ =	swait.ge [sflag:s30], $0x4000  }
0xfc: {  	[sflag:s30] =	ssyncset.done $0x0  }
0xfd: {  	[sflag:s30] =	ssyncadd.s32 $0xFFFFC000  }
0xfe: {  	v9 =	vld.msk [tilespmem:$0x15B38], $0xff;
	_ =	sdelay $0x4  }
0xff: {  	v10 =	vshll.u32 v9, $0x4  }
0x100: {  	v9 =	vand.u32 $0x7, v9;
	v10 =	vand.u32 $0xFFFFFF80, v10  }
0x101: {  	v9 =	vor.u32 v9, v10  }
0x102: {  	v9 =	vperm.xlane v9, v7;
	_ =	sdelay $0x1  }
0x103: {  	v9 =	vadd.s32 v8, v9;
	_ =	sdelay $0x4  }
0x104: {  	[tilespmem:s0], [sflag:$0x2] =	stream.indirect_vreg.gather [hbm4b:s8+s3], $0x80, v9, vm0, $0xb8;
	[tilespmem:$0x1DD00] =	vst v63  }
0x105: {  	s19 =	simm.s32 $0x1A400  }
0x106: {  	[tilespmem:s19], [sflag:$0x2] =	stream.indirect_vreg.gather [hbm4b:s29+s3], $0x80, v9, vm0, $0xb8;
	[tilespmem:$0x1DD00] =	vst v63  }
0x107: {  	s28 =	simm.s32 $0x1AC00  }
0x108: {  	[tilespmem:s28], [sflag:$0x2] =	stream.indirect_vreg.gather [hbm4b:s11+s3], $0x80, v9, vm0, $0xb8;
	[tilespmem:$0x1DD00] =	vst v63  }
0x109: {  	s22 =	simm.s32 $0x1B400  }
0x10a: {  	[tilespmem:s22], [sflag:$0x2] =	stream.indirect_vreg.gather [hbm4b:s12+s3], $0x80, v9, vm0, $0xb8;
	[tilespmem:$0x1DD00] =	vst v63  }
0x10b: {  	s21 =	simm.s32 $0x1BC00  }
0x10c: {  	[tilespmem:s21], [sflag:$0x2] =	stream.indirect_vreg.gather [hbm4b:s13+s3], $0x80, v9, vm0, $0xb8;
	[tilespmem:$0x1DD00] =	vst v63  }
0x10d: {  	s23 =	simm.s32 $0x1C400  }
0x10e: {  	[tilespmem:s23], [sflag:$0x2] =	stream.indirect_vreg.gather [hbm4b:s14+s3], $0x80, v9, vm0, $0xb8;
	[tilespmem:$0x1DD00] =	vst v63  }
0x10f: {  	s25 =	simm.s32 $0x1CC00  }
0x110: {  	[tilespmem:s25], [sflag:$0x2] =	stream.indirect_vreg.gather [hbm4b:s15+s3], $0x80, v9, vm0, $0xb8;
	[tilespmem:$0x1DD00] =	vst v63  }
0x111: {  	s9 =	simm.s32 $0x1D400  }
0x112: {  	[tilespmem:s9], [sflag:$0x2] =	stream.indirect_vreg.gather [hbm4b:s17+s3], $0x80, v9, vm0, $0xb8;
	[tilespmem:$0x1DD00] =	vst v63  }
0x113: {  	_ =	swait.ge [sflag:s20], $0x4000  }
0x114: {  	[sflag:s20] =	ssyncset.done $0x0  }
0x115: {  	s26 =	rddreg [dreg:$0x15];
	[sflag:s20] =	ssyncadd.s32 $0xFFFFC000  }
0x116: {  	[hbm4b:s26+s3] =	stream.linear.scatter [tilespmem:s24], [sflag:$0x3], $0x4000, $0x38;
	[tilespmem:$0x1DD00] =	vst v63  }
0x117: {  	_ =	swait.ge [sflag:s30], $0x4000  }
0x118: {  	[sflag:s30] =	ssyncset.done $0x0  }
0x119: {  	[sflag:s30] =	ssyncadd.s32 $0xFFFFC000  }
0x11a: {  	v9 =	vld.msk [tilespmem:$0x15B40], $0xff;
	_ =	sdelay $0x4  }
0x11b: {  	v10 =	vshll.u32 v9, $0x4  }
0x11c: {  	v9 =	vand.u32 $0x7, v9;
	v10 =	vand.u32 $0xFFFFFF80, v10  }
0x11d: {  	v9 =	vor.u32 v9, v10  }
0x11e: {  	v9 =	vperm.xlane v9, v7;
	_ =	sdelay $0x1  }
0x11f: {  	v9 =	vadd.s32 v8, v9;
	_ =	sdelay $0x4  }
0x120: {  	[tilespmem:s24], [sflag:$0x1] =	stream.indirect_vreg.gather [hbm4b:s8+s3], $0x80, v9, vm0, $0xb8;
	[tilespmem:$0x1DD00] =	vst v63  }
0x121: {  	s26 =	simm.s32 $0x16400  }
0x122: {  	[tilespmem:s26], [sflag:$0x1] =	stream.indirect_vreg.gather [hbm4b:s29+s3], $0x80, v9, vm0, $0xb8;
	[tilespmem:$0x1DD00] =	vst v63  }
0x123: {  	s26 =	simm.s32 $0x16C00  }
0x124: {  	[tilespmem:s26], [sflag:$0x1] =	stream.indirect_vreg.gather [hbm4b:s11+s3], $0x80, v9, vm0, $0xb8;
	[tilespmem:$0x1DD00] =	vst v63  }
0x125: {  	s26 =	simm.s32 $0x17400  }
0x126: {  	[tilespmem:s26], [sflag:$0x1] =	stream.indirect_vreg.gather [hbm4b:s12+s3], $0x80, v9, vm0, $0xb8;
	[tilespmem:$0x1DD00] =	vst v63  }
0x127: {  	s26 =	simm.s32 $0x17C00  }
0x128: {  	[tilespmem:s26], [sflag:$0x1] =	stream.indirect_vreg.gather [hbm4b:s13+s3], $0x80, v9, vm0, $0xb8;
	[tilespmem:$0x1DD00] =	vst v63  }
0x129: {  	s16 =	simm.s32 $0x18400  }
0x12a: {  	[tilespmem:s16], [sflag:$0x1] =	stream.indirect_vreg.gather [hbm4b:s14+s3], $0x80, v9, vm0, $0xb8;
	[tilespmem:$0x1DD00] =	vst v63  }
0x12b: {  	s18 =	simm.s32 $0x18C00  }
0x12c: {  	[tilespmem:s18], [sflag:$0x1] =	stream.indirect_vreg.gather [hbm4b:s15+s3], $0x80, v9, vm0, $0xb8;
	[tilespmem:$0x1DD00] =	vst v63  }
0x12d: {  	s26 =	simm.s32 $0x19400  }
0x12e: {  	[tilespmem:s26], [sflag:$0x1] =	stream.indirect_vreg.gather [hbm4b:s17+s3], $0x80, v9, vm0, $0xb8;
	[tilespmem:$0x1DD00] =	vst v63  }
0x12f: {  	_ =	swait.ge [sflag:s10], $0x4000  }
0x130: {  	[sflag:s10] =	ssyncset.done $0x0  }
0x131: {  	s26 =	rddreg [dreg:$0x16];
	[sflag:s10] =	ssyncadd.s32 $0xFFFFC000  }
0x132: {  	[hbm4b:s26+s3] =	stream.linear.scatter [tilespmem:s0], [sflag:$0x3], $0x4000, $0x38;
	[tilespmem:$0x1DD00] =	vst v63  }
0x133: {  	_ =	swait.ge [sflag:s30], $0x4000  }
0x134: {  	[sflag:s30] =	ssyncset.done $0x0  }
0x135: {  	[sflag:s30] =	ssyncadd.s32 $0xFFFFC000  }
0x136: {  	v9 =	vld.msk [tilespmem:$0x15B48], $0xff;
	_ =	sdelay $0x4  }
0x137: {  	v10 =	vshll.u32 v9, $0x4  }
0x138: {  	v9 =	vand.u32 $0x7, v9;
	v10 =	vand.u32 $0xFFFFFF80, v10  }
0x139: {  	v9 =	vor.u32 v9, v10  }
0x13a: {  	v9 =	vperm.xlane v9, v7;
	_ =	sdelay $0x1  }
0x13b: {  	v9 =	vadd.s32 v8, v9;
	_ =	sdelay $0x4  }
0x13c: {  	[tilespmem:s0], [sflag:$0x2] =	stream.indirect_vreg.gather [hbm4b:s8+s3], $0x80, v9, vm0, $0xb8;
	[tilespmem:$0x1DD00] =	vst v63  }
0x13d: {  	s19 =	simm.s32 $0x1A400  }
0x13e: {  	[tilespmem:s19], [sflag:$0x2] =	stream.indirect_vreg.gather [hbm4b:s29+s3], $0x80, v9, vm0, $0xb8;
	[tilespmem:$0x1DD00] =	vst v63  }
0x13f: {  	s28 =	simm.s32 $0x1AC00  }
0x140: {  	[tilespmem:s28], [sflag:$0x2] =	stream.indirect_vreg.gather [hbm4b:s11+s3], $0x80, v9, vm0, $0xb8;
	[tilespmem:$0x1DD00] =	vst v63  }
0x141: {  	s22 =	simm.s32 $0x1B400  }
0x142: {  	[tilespmem:s22], [sflag:$0x2] =	stream.indirect_vreg.gather [hbm4b:s12+s3], $0x80, v9, vm0, $0xb8;
	[tilespmem:$0x1DD00] =	vst v63  }
0x143: {  	s21 =	simm.s32 $0x1BC00  }
0x144: {  	[tilespmem:s21], [sflag:$0x2] =	stream.indirect_vreg.gather [hbm4b:s13+s3], $0x80, v9, vm0, $0xb8;
	[tilespmem:$0x1DD00] =	vst v63  }
0x145: {  	s23 =	simm.s32 $0x1C400  }
0x146: {  	[tilespmem:s23], [sflag:$0x2] =	stream.indirect_vreg.gather [hbm4b:s14+s3], $0x80, v9, vm0, $0xb8;
	[tilespmem:$0x1DD00] =	vst v63  }
0x147: {  	s25 =	simm.s32 $0x1CC00  }
0x148: {  	[tilespmem:s25], [sflag:$0x2] =	stream.indirect_vreg.gather [hbm4b:s15+s3], $0x80, v9, vm0, $0xb8;
	[tilespmem:$0x1DD00] =	vst v63  }
0x149: {  	s9 =	simm.s32 $0x1D400  }
0x14a: {  	[tilespmem:s9], [sflag:$0x2] =	stream.indirect_vreg.gather [hbm4b:s17+s3], $0x80, v9, vm0, $0xb8;
	[tilespmem:$0x1DD00] =	vst v63  }
0x14b: {  	_ =	swait.ge [sflag:s20], $0x4000  }
0x14c: {  	[sflag:s20] =	ssyncset.done $0x0  }
0x14d: {  	s26 =	rddreg [dreg:$0x17];
	[sflag:s20] =	ssyncadd.s32 $0xFFFFC000  }
0x14e: {  	[hbm4b:s26+s3] =	stream.linear.scatter [tilespmem:s24], [sflag:$0x3], $0x4000, $0x38;
	[tilespmem:$0x1DD00] =	vst v63  }
0x14f: {  	_ =	swait.ge [sflag:s30], $0x4000  }
0x150: {  	[sflag:s30] =	ssyncset.done $0x0  }
0x151: {  	[sflag:s30] =	ssyncadd.s32 $0xFFFFC000  }
0x152: {  	v9 =	vld.msk [tilespmem:$0x15B50], $0xff;
	_ =	sdelay $0x4  }
0x153: {  	v10 =	vshll.u32 v9, $0x4  }
0x154: {  	v9 =	vand.u32 $0x7, v9;
	v10 =	vand.u32 $0xFFFFFF80, v10  }
0x155: {  	v9 =	vor.u32 v9, v10  }
0x156: {  	v9 =	vperm.xlane v9, v7;
	_ =	sdelay $0x1  }
0x157: {  	v9 =	vadd.s32 v8, v9;
	_ =	sdelay $0x4  }
0x158: {  	[tilespmem:s24], [sflag:$0x1] =	stream.indirect_vreg.gather [hbm4b:s8+s3], $0x80, v9, vm0, $0xb8;
	[tilespmem:$0x1DD00] =	vst v63  }
0x159: {  	s26 =	simm.s32 $0x16400  }
0x15a: {  	[tilespmem:s26], [sflag:$0x1] =	stream.indirect_vreg.gather [hbm4b:s29+s3], $0x80, v9, vm0, $0xb8;
	[tilespmem:$0x1DD00] =	vst v63  }
0x15b: {  	s26 =	simm.s32 $0x16C00  }
0x15c: {  	[tilespmem:s26], [sflag:$0x1] =	stream.indirect_vreg.gather [hbm4b:s11+s3], $0x80, v9, vm0, $0xb8;
	[tilespmem:$0x1DD00] =	vst v63  }
0x15d: {  	s26 =	simm.s32 $0x17400  }
0x15e: {  	[tilespmem:s26], [sflag:$0x1] =	stream.indirect_vreg.gather [hbm4b:s12+s3], $0x80, v9, vm0, $0xb8;
	[tilespmem:$0x1DD00] =	vst v63  }
0x15f: {  	s26 =	simm.s32 $0x17C00  }
0x160: {  	[tilespmem:s26], [sflag:$0x1] =	stream.indirect_vreg.gather [hbm4b:s13+s3], $0x80, v9, vm0, $0xb8;
	[tilespmem:$0x1DD00] =	vst v63  }
0x161: {  	s16 =	simm.s32 $0x18400  }
0x162: {  	[tilespmem:s16], [sflag:$0x1] =	stream.indirect_vreg.gather [hbm4b:s14+s3], $0x80, v9, vm0, $0xb8;
	[tilespmem:$0x1DD00] =	vst v63  }
0x163: {  	s18 =	simm.s32 $0x18C00  }
0x164: {  	[tilespmem:s18], [sflag:$0x1] =	stream.indirect_vreg.gather [hbm4b:s15+s3], $0x80, v9, vm0, $0xb8;
	[tilespmem:$0x1DD00] =	vst v63  }
0x165: {  	s26 =	simm.s32 $0x19400  }
0x166: {  	[tilespmem:s26], [sflag:$0x1] =	stream.indirect_vreg.gather [hbm4b:s17+s3], $0x80, v9, vm0, $0xb8;
	[tilespmem:$0x1DD00] =	vst v63  }
0x167: {  	_ =	swait.ge [sflag:s10], $0x4000  }
0x168: {  	[sflag:s10] =	ssyncset.done $0x0  }
0x169: {  	s26 =	rddreg [dreg:$0x18];
	[sflag:s10] =	ssyncadd.s32 $0xFFFFC000  }
0x16a: {  	[hbm4b:s26+s3] =	stream.linear.scatter [tilespmem:s0], [sflag:$0x3], $0x4000, $0x38;
	[tilespmem:$0x1DD00] =	vst v63  }
0x16b: {  	_ =	swait.ge [sflag:s30], $0x4000  }
0x16c: {  	[sflag:s30] =	ssyncset.done $0x0  }
0x16d: {  	[sflag:s30] =	ssyncadd.s32 $0xFFFFC000  }
0x16e: {  	v9 =	vld.msk [tilespmem:$0x15B58], $0xff;
	_ =	sdelay $0x4  }
0x16f: {  	v10 =	vshll.u32 v9, $0x4  }
0x170: {  	v9 =	vand.u32 $0x7, v9;
	v10 =	vand.u32 $0xFFFFFF80, v10  }
0x171: {  	v9 =	vor.u32 v9, v10  }
0x172: {  	v9 =	vperm.xlane v9, v7;
	_ =	sdelay $0x1  }
0x173: {  	v9 =	vadd.s32 v8, v9;
	_ =	sdelay $0x4  }
0x174: {  	[tilespmem:s0], [sflag:$0x2] =	stream.indirect_vreg.gather [hbm4b:s8+s3], $0x80, v9, vm0, $0xb8;
	[tilespmem:$0x1DD00] =	vst v63  }
0x175: {  	s19 =	simm.s32 $0x1A400  }
0x176: {  	[tilespmem:s19], [sflag:$0x2] =	stream.indirect_vreg.gather [hbm4b:s29+s3], $0x80, v9, vm0, $0xb8;
	[tilespmem:$0x1DD00] =	vst v63  }
0x177: {  	s28 =	simm.s32 $0x1AC00  }
0x178: {  	[tilespmem:s28], [sflag:$0x2] =	stream.indirect_vreg.gather [hbm4b:s11+s3], $0x80, v9, vm0, $0xb8;
	[tilespmem:$0x1DD00] =	vst v63  }
0x179: {  	s22 =	simm.s32 $0x1B400  }
0x17a: {  	[tilespmem:s22], [sflag:$0x2] =	stream.indirect_vreg.gather [hbm4b:s12+s3], $0x80, v9, vm0, $0xb8;
	[tilespmem:$0x1DD00] =	vst v63  }
0x17b: {  	s21 =	simm.s32 $0x1BC00  }
0x17c: {  	[tilespmem:s21], [sflag:$0x2] =	stream.indirect_vreg.gather [hbm4b:s13+s3], $0x80, v9, vm0, $0xb8;
	[tilespmem:$0x1DD00] =	vst v63  }
0x17d: {  	s23 =	simm.s32 $0x1C400  }
0x17e: {  	[tilespmem:s23], [sflag:$0x2] =	stream.indirect_vreg.gather [hbm4b:s14+s3], $0x80, v9, vm0, $0xb8;
	[tilespmem:$0x1DD00] =	vst v63  }
0x17f: {  	s25 =	simm.s32 $0x1CC00  }
0x180: {  	[tilespmem:s25], [sflag:$0x2] =	stream.indirect_vreg.gather [hbm4b:s15+s3], $0x80, v9, vm0, $0xb8;
	[tilespmem:$0x1DD00] =	vst v63  }
0x181: {  	s9 =	simm.s32 $0x1D400  }
0x182: {  	[tilespmem:s9], [sflag:$0x2] =	stream.indirect_vreg.gather [hbm4b:s17+s3], $0x80, v9, vm0, $0xb8;
	[tilespmem:$0x1DD00] =	vst v63  }
0x183: {  	_ =	swait.ge [sflag:s20], $0x4000  }
0x184: {  	[sflag:s20] =	ssyncset.done $0x0  }
0x185: {  	s26 =	rddreg [dreg:$0x19];
	[sflag:s20] =	ssyncadd.s32 $0xFFFFC000  }
0x186: {  	[hbm4b:s26+s3] =	stream.linear.scatter [tilespmem:s24], [sflag:$0x3], $0x4000, $0x38;
	[tilespmem:$0x1DD00] =	vst v63  }
0x187: {  	_ =	swait.ge [sflag:s30], $0x4000  }
0x188: {  	[sflag:s30] =	ssyncset.done $0x0  }
0x189: {  	[sflag:s30] =	ssyncadd.s32 $0xFFFFC000  }
0x18a: {  	v9 =	vld.msk [tilespmem:$0x15B60], $0xff;
	_ =	sdelay $0x4  }
0x18b: {  	v10 =	vshll.u32 v9, $0x4  }
0x18c: {  	v9 =	vand.u32 $0x7, v9;
	v10 =	vand.u32 $0xFFFFFF80, v10  }
0x18d: {  	v9 =	vor.u32 v9, v10  }
0x18e: {  	v9 =	vperm.xlane v9, v7;
	_ =	sdelay $0x1  }
0x18f: {  	v9 =	vadd.s32 v8, v9;
	_ =	sdelay $0x4  }
0x190: {  	[tilespmem:s24], [sflag:$0x1] =	stream.indirect_vreg.gather [hbm4b:s8+s3], $0x80, v9, vm0, $0xb8;
	[tilespmem:$0x1DD00] =	vst v63  }
0x191: {  	s26 =	simm.s32 $0x16400  }
0x192: {  	[tilespmem:s26], [sflag:$0x1] =	stream.indirect_vreg.gather [hbm4b:s29+s3], $0x80, v9, vm0, $0xb8;
	[tilespmem:$0x1DD00] =	vst v63  }
0x193: {  	s26 =	simm.s32 $0x16C00  }
0x194: {  	[tilespmem:s26], [sflag:$0x1] =	stream.indirect_vreg.gather [hbm4b:s11+s3], $0x80, v9, vm0, $0xb8;
	[tilespmem:$0x1DD00] =	vst v63  }
0x195: {  	s26 =	simm.s32 $0x17400  }
0x196: {  	[tilespmem:s26], [sflag:$0x1] =	stream.indirect_vreg.gather [hbm4b:s12+s3], $0x80, v9, vm0, $0xb8;
	[tilespmem:$0x1DD00] =	vst v63  }
0x197: {  	s26 =	simm.s32 $0x17C00  }
0x198: {  	[tilespmem:s26], [sflag:$0x1] =	stream.indirect_vreg.gather [hbm4b:s13+s3], $0x80, v9, vm0, $0xb8;
	[tilespmem:$0x1DD00] =	vst v63  }
0x199: {  	s16 =	simm.s32 $0x18400  }
0x19a: {  	[tilespmem:s16], [sflag:$0x1] =	stream.indirect_vreg.gather [hbm4b:s14+s3], $0x80, v9, vm0, $0xb8;
	[tilespmem:$0x1DD00] =	vst v63  }
0x19b: {  	s18 =	simm.s32 $0x18C00  }
0x19c: {  	[tilespmem:s18], [sflag:$0x1] =	stream.indirect_vreg.gather [hbm4b:s15+s3], $0x80, v9, vm0, $0xb8;
	[tilespmem:$0x1DD00] =	vst v63  }
0x19d: {  	s26 =	simm.s32 $0x19400  }
0x19e: {  	[tilespmem:s26], [sflag:$0x1] =	stream.indirect_vreg.gather [hbm4b:s17+s3], $0x80, v9, vm0, $0xb8;
	[tilespmem:$0x1DD00] =	vst v63  }
0x19f: {  	_ =	swait.ge [sflag:s10], $0x4000  }
0x1a0: {  	[sflag:s10] =	ssyncset.done $0x0  }
0x1a1: {  	s26 =	rddreg [dreg:$0x1a];
	[sflag:s10] =	ssyncadd.s32 $0xFFFFC000  }
0x1a2: {  	[hbm4b:s26+s3] =	stream.linear.scatter [tilespmem:s0], [sflag:$0x3], $0x4000, $0x38;
	[tilespmem:$0x1DD00] =	vst v63  }
0x1a3: {  	_ =	swait.ge [sflag:s30], $0x4000  }
0x1a4: {  	[sflag:s30] =	ssyncset.done $0x0  }
0x1a5: {  	[sflag:s30] =	ssyncadd.s32 $0xFFFFC000  }
0x1a6: {  	v9 =	vld.msk [tilespmem:$0x15B68], $0xff;
	_ =	sdelay $0x4  }
0x1a7: {  	v10 =	vshll.u32 v9, $0x4  }
0x1a8: {  	v9 =	vand.u32 $0x7, v9;
	v10 =	vand.u32 $0xFFFFFF80, v10  }
0x1a9: {  	v9 =	vor.u32 v9, v10  }
0x1aa: {  	v9 =	vperm.xlane v9, v7;
	_ =	sdelay $0x1  }
0x1ab: {  	v9 =	vadd.s32 v8, v9;
	_ =	sdelay $0x4  }
0x1ac: {  	[tilespmem:s0], [sflag:$0x2] =	stream.indirect_vreg.gather [hbm4b:s8+s3], $0x80, v9, vm0, $0xb8;
	[tilespmem:$0x1DD00] =	vst v63  }
0x1ad: {  	s19 =	simm.s32 $0x1A400  }
0x1ae: {  	[tilespmem:s19], [sflag:$0x2] =	stream.indirect_vreg.gather [hbm4b:s29+s3], $0x80, v9, vm0, $0xb8;
	[tilespmem:$0x1DD00] =	vst v63  }
0x1af: {  	s28 =	simm.s32 $0x1AC00  }
0x1b0: {  	[tilespmem:s28], [sflag:$0x2] =	stream.indirect_vreg.gather [hbm4b:s11+s3], $0x80, v9, vm0, $0xb8;
	[tilespmem:$0x1DD00] =	vst v63  }
0x1b1: {  	s22 =	simm.s32 $0x1B400  }
0x1b2: {  	[tilespmem:s22], [sflag:$0x2] =	stream.indirect_vreg.gather [hbm4b:s12+s3], $0x80, v9, vm0, $0xb8;
	[tilespmem:$0x1DD00] =	vst v63  }
0x1b3: {  	s21 =	simm.s32 $0x1BC00  }
0x1b4: {  	[tilespmem:s21], [sflag:$0x2] =	stream.indirect_vreg.gather [hbm4b:s13+s3], $0x80, v9, vm0, $0xb8;
	[tilespmem:$0x1DD00] =	vst v63  }
0x1b5: {  	s23 =	simm.s32 $0x1C400  }
0x1b6: {  	[tilespmem:s23], [sflag:$0x2] =	stream.indirect_vreg.gather [hbm4b:s14+s3], $0x80, v9, vm0, $0xb8;
	[tilespmem:$0x1DD00] =	vst v63  }
0x1b7: {  	s25 =	simm.s32 $0x1CC00  }
0x1b8: {  	[tilespmem:s25], [sflag:$0x2] =	stream.indirect_vreg.gather [hbm4b:s15+s3], $0x80, v9, vm0, $0xb8;
	[tilespmem:$0x1DD00] =	vst v63  }
0x1b9: {  	s9 =	simm.s32 $0x1D400  }
0x1ba: {  	[tilespmem:s9], [sflag:$0x2] =	stream.indirect_vreg.gather [hbm4b:s17+s3], $0x80, v9, vm0, $0xb8;
	[tilespmem:$0x1DD00] =	vst v63  }
0x1bb: {  	_ =	swait.ge [sflag:s20], $0x4000  }
0x1bc: {  	[sflag:s20] =	ssyncset.done $0x0  }
0x1bd: {  	s26 =	rddreg [dreg:$0x1b];
	[sflag:s20] =	ssyncadd.s32 $0xFFFFC000  }
0x1be: {  	[hbm4b:s26+s3] =	stream.linear.scatter [tilespmem:s24], [sflag:$0x3], $0x4000, $0x38;
	[tilespmem:$0x1DD00] =	vst v63  }
0x1bf: {  	_ =	swait.ge [sflag:s30], $0x4000  }
0x1c0: {  	[sflag:s30] =	ssyncset.done $0x0  }
0x1c1: {  	[sflag:s30] =	ssyncadd.s32 $0xFFFFC000  }
0x1c2: {  	v9 =	vld.msk [tilespmem:$0x15B70], $0xff;
	_ =	sdelay $0x4  }
0x1c3: {  	v10 =	vshll.u32 v9, $0x4  }
0x1c4: {  	v9 =	vand.u32 $0x7, v9;
	v10 =	vand.u32 $0xFFFFFF80, v10  }
0x1c5: {  	v9 =	vor.u32 v9, v10  }
0x1c6: {  	v9 =	vperm.xlane v9, v7;
	_ =	sdelay $0x1  }
0x1c7: {  	v9 =	vadd.s32 v8, v9;
	_ =	sdelay $0x4  }
0x1c8: {  	[tilespmem:s24], [sflag:$0x1] =	stream.indirect_vreg.gather [hbm4b:s8+s3], $0x80, v9, vm0, $0xb8;
	[tilespmem:$0x1DD00] =	vst v63  }
0x1c9: {  	s26 =	simm.s32 $0x16400  }
0x1ca: {  	[tilespmem:s26], [sflag:$0x1] =	stream.indirect_vreg.gather [hbm4b:s29+s3], $0x80, v9, vm0, $0xb8;
	[tilespmem:$0x1DD00] =	vst v63  }
0x1cb: {  	s26 =	simm.s32 $0x16C00  }
0x1cc: {  	[tilespmem:s26], [sflag:$0x1] =	stream.indirect_vreg.gather [hbm4b:s11+s3], $0x80, v9, vm0, $0xb8;
	[tilespmem:$0x1DD00] =	vst v63  }
0x1cd: {  	s26 =	simm.s32 $0x17400  }
0x1ce: {  	[tilespmem:s26], [sflag:$0x1] =	stream.indirect_vreg.gather [hbm4b:s12+s3], $0x80, v9, vm0, $0xb8;
	[tilespmem:$0x1DD00] =	vst v63  }
0x1cf: {  	s26 =	simm.s32 $0x17C00  }
0x1d0: {  	[tilespmem:s26], [sflag:$0x1] =	stream.indirect_vreg.gather [hbm4b:s13+s3], $0x80, v9, vm0, $0xb8;
	[tilespmem:$0x1DD00] =	vst v63  }
0x1d1: {  	s16 =	simm.s32 $0x18400  }
0x1d2: {  	[tilespmem:s16], [sflag:$0x1] =	stream.indirect_vreg.gather [hbm4b:s14+s3], $0x80, v9, vm0, $0xb8;
	[tilespmem:$0x1DD00] =	vst v63  }
0x1d3: {  	s18 =	simm.s32 $0x18C00  }
0x1d4: {  	[tilespmem:s18], [sflag:$0x1] =	stream.indirect_vreg.gather [hbm4b:s15+s3], $0x80, v9, vm0, $0xb8;
	[tilespmem:$0x1DD00] =	vst v63  }
0x1d5: {  	s26 =	simm.s32 $0x19400  }
0x1d6: {  	[tilespmem:s26], [sflag:$0x1] =	stream.indirect_vreg.gather [hbm4b:s17+s3], $0x80, v9, vm0, $0xb8;
	[tilespmem:$0x1DD00] =	vst v63  }
0x1d7: {  	_ =	swait.ge [sflag:s10], $0x4000  }
0x1d8: {  	[sflag:s10] =	ssyncset.done $0x0  }
0x1d9: {  	s26 =	rddreg [dreg:$0x1c];
	[sflag:s10] =	ssyncadd.s32 $0xFFFFC000  }
0x1da: {  	[hbm4b:s26+s3] =	stream.linear.scatter [tilespmem:s0], [sflag:$0x3], $0x4000, $0x38;
	[tilespmem:$0x1DD00] =	vst v63  }
0x1db: {  	_ =	swait.ge [sflag:s30], $0x4000  }
0x1dc: {  	[sflag:s30] =	ssyncset.done $0x0  }
0x1dd: {  	[sflag:s30] =	ssyncadd.s32 $0xFFFFC000  }
0x1de: {  	v9 =	vld.msk [tilespmem:$0x15B78], $0xff;
	_ =	sdelay $0x4  }
0x1df: {  	v10 =	vshll.u32 v9, $0x4  }
0x1e0: {  	v9 =	vand.u32 $0x7, v9;
	v10 =	vand.u32 $0xFFFFFF80, v10  }
0x1e1: {  	v9 =	vor.u32 v9, v10  }
0x1e2: {  	v9 =	vperm.xlane v9, v7;
	_ =	sdelay $0x1  }
0x1e3: {  	v9 =	vadd.s32 v8, v9;
	_ =	sdelay $0x4  }
0x1e4: {  	[tilespmem:s0], [sflag:$0x2] =	stream.indirect_vreg.gather [hbm4b:s8+s3], $0x80, v9, vm0, $0xb8;
	[tilespmem:$0x1DD00] =	vst v63  }
0x1e5: {  	s19 =	simm.s32 $0x1A400  }
0x1e6: {  	[tilespmem:s19], [sflag:$0x2] =	stream.indirect_vreg.gather [hbm4b:s29+s3], $0x80, v9, vm0, $0xb8;
	[tilespmem:$0x1DD00] =	vst v63  }
0x1e7: {  	s28 =	simm.s32 $0x1AC00  }
0x1e8: {  	[tilespmem:s28], [sflag:$0x2] =	stream.indirect_vreg.gather [hbm4b:s11+s3], $0x80, v9, vm0, $0xb8;
	[tilespmem:$0x1DD00] =	vst v63  }
0x1e9: {  	s22 =	simm.s32 $0x1B400  }
0x1ea: {  	[tilespmem:s22], [sflag:$0x2] =	stream.indirect_vreg.gather [hbm4b:s12+s3], $0x80, v9, vm0, $0xb8;
	[tilespmem:$0x1DD00] =	vst v63  }
0x1eb: {  	s21 =	simm.s32 $0x1BC00  }
0x1ec: {  	[tilespmem:s21], [sflag:$0x2] =	stream.indirect_vreg.gather [hbm4b:s13+s3], $0x80, v9, vm0, $0xb8;
	[tilespmem:$0x1DD00] =	vst v63  }
0x1ed: {  	s23 =	simm.s32 $0x1C400  }
0x1ee: {  	[tilespmem:s23], [sflag:$0x2] =	stream.indirect_vreg.gather [hbm4b:s14+s3], $0x80, v9, vm0, $0xb8;
	[tilespmem:$0x1DD00] =	vst v63  }
0x1ef: {  	s25 =	simm.s32 $0x1CC00  }
0x1f0: {  	[tilespmem:s25], [sflag:$0x2] =	stream.indirect_vreg.gather [hbm4b:s15+s3], $0x80, v9, vm0, $0xb8;
	[tilespmem:$0x1DD00] =	vst v63  }
0x1f1: {  	s9 =	simm.s32 $0x1D400  }
0x1f2: {  	[tilespmem:s9], [sflag:$0x2] =	stream.indirect_vreg.gather [hbm4b:s17+s3], $0x80, v9, vm0, $0xb8;
	[tilespmem:$0x1DD00] =	vst v63  }
0x1f3: {  	_ =	swait.ge [sflag:s20], $0x4000  }
0x1f4: {  	[sflag:s20] =	ssyncset.done $0x0  }
0x1f5: {  	s26 =	rddreg [dreg:$0x1d];
	[sflag:s20] =	ssyncadd.s32 $0xFFFFC000  }
0x1f6: {  	[hbm4b:s26+s3] =	stream.linear.scatter [tilespmem:s24], [sflag:$0x3], $0x4000, $0x38;
	[tilespmem:$0x1DD00] =	vst v63  }
0x1f7: {  	_ =	swait.ge [sflag:s30], $0x4000  }
0x1f8: {  	[sflag:s30] =	ssyncset.done $0x0  }
0x1f9: {  	[sflag:s30] =	ssyncadd.s32 $0xFFFFC000  }
0x1fa: {  	v9 =	vld.msk [tilespmem:$0x15B80], $0xff;
	_ =	sdelay $0x4  }
0x1fb: {  	v10 =	vshll.u32 v9, $0x4  }
0x1fc: {  	v9 =	vand.u32 $0x7, v9;
	v10 =	vand.u32 $0xFFFFFF80, v10  }
0x1fd: {  	v9 =	vor.u32 v9, v10  }
0x1fe: {  	v9 =	vperm.xlane v9, v7;
	_ =	sdelay $0x1  }
0x1ff: {  	v9 =	vadd.s32 v8, v9;
	_ =	sdelay $0x4  }
0x200: {  	[tilespmem:s24], [sflag:$0x1] =	stream.indirect_vreg.gather [hbm4b:s8+s3], $0x80, v9, vm0, $0xb8;
	[tilespmem:$0x1DD00] =	vst v63  }
0x201: {  	s26 =	simm.s32 $0x16400  }
0x202: {  	[tilespmem:s26], [sflag:$0x1] =	stream.indirect_vreg.gather [hbm4b:s29+s3], $0x80, v9, vm0, $0xb8;
	[tilespmem:$0x1DD00] =	vst v63  }
0x203: {  	s26 =	simm.s32 $0x16C00  }
0x204: {  	[tilespmem:s26], [sflag:$0x1] =	stream.indirect_vreg.gather [hbm4b:s11+s3], $0x80, v9, vm0, $0xb8;
	[tilespmem:$0x1DD00] =	vst v63  }
0x205: {  	s26 =	simm.s32 $0x17400  }
0x206: {  	[tilespmem:s26], [sflag:$0x1] =	stream.indirect_vreg.gather [hbm4b:s12+s3], $0x80, v9, vm0, $0xb8;
	[tilespmem:$0x1DD00] =	vst v63  }
0x207: {  	s26 =	simm.s32 $0x17C00  }
0x208: {  	[tilespmem:s26], [sflag:$0x1] =	stream.indirect_vreg.gather [hbm4b:s13+s3], $0x80, v9, vm0, $0xb8;
	[tilespmem:$0x1DD00] =	vst v63  }
0x209: {  	s16 =	simm.s32 $0x18400  }
0x20a: {  	[tilespmem:s16], [sflag:$0x1] =	stream.indirect_vreg.gather [hbm4b:s14+s3], $0x80, v9, vm0, $0xb8;
	[tilespmem:$0x1DD00] =	vst v63  }
0x20b: {  	s18 =	simm.s32 $0x18C00  }
0x20c: {  	[tilespmem:s18], [sflag:$0x1] =	stream.indirect_vreg.gather [hbm4b:s15+s3], $0x80, v9, vm0, $0xb8;
	[tilespmem:$0x1DD00] =	vst v63  }
0x20d: {  	s26 =	simm.s32 $0x19400  }
0x20e: {  	[tilespmem:s26], [sflag:$0x1] =	stream.indirect_vreg.gather [hbm4b:s17+s3], $0x80, v9, vm0, $0xb8;
	[tilespmem:$0x1DD00] =	vst v63  }
0x20f: {  	_ =	swait.ge [sflag:s10], $0x4000  }
0x210: {  	[sflag:s10] =	ssyncset.done $0x0  }
0x211: {  	s26 =	rddreg [dreg:$0x1e];
	[sflag:s10] =	ssyncadd.s32 $0xFFFFC000  }
0x212: {  	[hbm4b:s26+s3] =	stream.linear.scatter [tilespmem:s0], [sflag:$0x3], $0x4000, $0x38;
	[tilespmem:$0x1DD00] =	vst v63  }
0x213: {  	_ =	swait.ge [sflag:s30], $0x4000  }
0x214: {  	[sflag:s30] =	ssyncset.done $0x0  }
0x215: {  	[sflag:s30] =	ssyncadd.s32 $0xFFFFC000  }
0x216: {  	v9 =	vld.msk [tilespmem:$0x15B88], $0xff;
	_ =	sdelay $0x4  }
0x217: {  	v10 =	vshll.u32 v9, $0x4  }
0x218: {  	v9 =	vand.u32 $0x7, v9;
	v10 =	vand.u32 $0xFFFFFF80, v10  }
0x219: {  	v9 =	vor.u32 v9, v10  }
0x21a: {  	v9 =	vperm.xlane v9, v7;
	_ =	sdelay $0x1  }
0x21b: {  	v9 =	vadd.s32 v8, v9;
	_ =	sdelay $0x4  }
0x21c: {  	[tilespmem:s0], [sflag:$0x2] =	stream.indirect_vreg.gather [hbm4b:s8+s3], $0x80, v9, vm0, $0xb8;
	[tilespmem:$0x1DD00] =	vst v63  }
0x21d: {  	s19 =	simm.s32 $0x1A400  }
0x21e: {  	[tilespmem:s19], [sflag:$0x2] =	stream.indirect_vreg.gather [hbm4b:s29+s3], $0x80, v9, vm0, $0xb8;
	[tilespmem:$0x1DD00] =	vst v63  }
0x21f: {  	s28 =	simm.s32 $0x1AC00  }
0x220: {  	[tilespmem:s28], [sflag:$0x2] =	stream.indirect_vreg.gather [hbm4b:s11+s3], $0x80, v9, vm0, $0xb8;
	[tilespmem:$0x1DD00] =	vst v63  }
0x221: {  	s22 =	simm.s32 $0x1B400  }
0x222: {  	[tilespmem:s22], [sflag:$0x2] =	stream.indirect_vreg.gather [hbm4b:s12+s3], $0x80, v9, vm0, $0xb8;
	[tilespmem:$0x1DD00] =	vst v63  }
0x223: {  	s21 =	simm.s32 $0x1BC00  }
0x224: {  	[tilespmem:s21], [sflag:$0x2] =	stream.indirect_vreg.gather [hbm4b:s13+s3], $0x80, v9, vm0, $0xb8;
	[tilespmem:$0x1DD00] =	vst v63  }
0x225: {  	s23 =	simm.s32 $0x1C400  }
0x226: {  	[tilespmem:s23], [sflag:$0x2] =	stream.indirect_vreg.gather [hbm4b:s14+s3], $0x80, v9, vm0, $0xb8;
	[tilespmem:$0x1DD00] =	vst v63  }
0x227: {  	s25 =	simm.s32 $0x1CC00  }
0x228: {  	[tilespmem:s25], [sflag:$0x2] =	stream.indirect_vreg.gather [hbm4b:s15+s3], $0x80, v9, vm0, $0xb8;
	[tilespmem:$0x1DD00] =	vst v63  }
0x229: {  	s9 =	simm.s32 $0x1D400  }
0x22a: {  	[tilespmem:s9], [sflag:$0x2] =	stream.indirect_vreg.gather [hbm4b:s17+s3], $0x80, v9, vm0, $0xb8;
	[tilespmem:$0x1DD00] =	vst v63  }
0x22b: {  	_ =	swait.ge [sflag:s20], $0x4000  }
0x22c: {  	[sflag:s20] =	ssyncset.done $0x0  }
0x22d: {  	s26 =	rddreg [dreg:$0x1f];
	[sflag:s20] =	ssyncadd.s32 $0xFFFFC000  }
0x22e: {  	[hbm4b:s26+s3] =	stream.linear.scatter [tilespmem:s24], [sflag:$0x3], $0x4000, $0x38;
	[tilespmem:$0x1DD00] =	vst v63  }
0x22f: {  	_ =	swait.ge [sflag:s30], $0x4000  }
0x230: {  	[sflag:s30] =	ssyncset.done $0x0  }
0x231: {  	[sflag:s30] =	ssyncadd.s32 $0xFFFFC000  }
0x232: {  	v9 =	vld.msk [tilespmem:$0x15B90], $0xff;
	_ =	sdelay $0x4  }
0x233: {  	v10 =	vshll.u32 v9, $0x4  }
0x234: {  	v9 =	vand.u32 $0x7, v9;
	v10 =	vand.u32 $0xFFFFFF80, v10  }
0x235: {  	v9 =	vor.u32 v9, v10  }
0x236: {  	v9 =	vperm.xlane v9, v7;
	_ =	sdelay $0x1  }
0x237: {  	v9 =	vadd.s32 v8, v9;
	_ =	sdelay $0x4  }
0x238: {  	[tilespmem:s24], [sflag:$0x1] =	stream.indirect_vreg.gather [hbm4b:s8+s3], $0x80, v9, vm0, $0xb8;
	[tilespmem:$0x1DD00] =	vst v63  }
0x239: {  	s26 =	simm.s32 $0x16400  }
0x23a: {  	[tilespmem:s26], [sflag:$0x1] =	stream.indirect_vreg.gather [hbm4b:s29+s3], $0x80, v9, vm0, $0xb8;
	[tilespmem:$0x1DD00] =	vst v63  }
0x23b: {  	s26 =	simm.s32 $0x16C00  }
0x23c: {  	[tilespmem:s26], [sflag:$0x1] =	stream.indirect_vreg.gather [hbm4b:s11+s3], $0x80, v9, vm0, $0xb8;
	[tilespmem:$0x1DD00] =	vst v63  }
0x23d: {  	s26 =	simm.s32 $0x17400  }
0x23e: {  	[tilespmem:s26], [sflag:$0x1] =	stream.indirect_vreg.gather [hbm4b:s12+s3], $0x80, v9, vm0, $0xb8;
	[tilespmem:$0x1DD00] =	vst v63  }
0x23f: {  	s26 =	simm.s32 $0x17C00  }
0x240: {  	[tilespmem:s26], [sflag:$0x1] =	stream.indirect_vreg.gather [hbm4b:s13+s3], $0x80, v9, vm0, $0xb8;
	[tilespmem:$0x1DD00] =	vst v63  }
0x241: {  	s16 =	simm.s32 $0x18400  }
0x242: {  	[tilespmem:s16], [sflag:$0x1] =	stream.indirect_vreg.gather [hbm4b:s14+s3], $0x80, v9, vm0, $0xb8;
	[tilespmem:$0x1DD00] =	vst v63  }
0x243: {  	s18 =	simm.s32 $0x18C00  }
0x244: {  	[tilespmem:s18], [sflag:$0x1] =	stream.indirect_vreg.gather [hbm4b:s15+s3], $0x80, v9, vm0, $0xb8;
	[tilespmem:$0x1DD00] =	vst v63  }
0x245: {  	s26 =	simm.s32 $0x19400  }
0x246: {  	[tilespmem:s26], [sflag:$0x1] =	stream.indirect_vreg.gather [hbm4b:s17+s3], $0x80, v9, vm0, $0xb8;
	[tilespmem:$0x1DD00] =	vst v63  }
0x247: {  	_ =	swait.ge [sflag:s10], $0x4000  }
0x248: {  	s26 =	sld [smem:$0x7EF]  }
0x249: {  	[sflag:s10] =	ssyncset.done $0x0  }
0x24a: {  	[sflag:s10] =	ssyncadd.s32 $0xFFFFC000  }
0x24b: {  	[hbm4b:s26+s3] =	stream.linear.scatter [tilespmem:s0], [sflag:$0x3], $0x4000, $0x38;
	[tilespmem:$0x1DD00] =	vst v63  }
0x24c: {  	_ =	swait.ge [sflag:s30], $0x4000  }
0x24d: {  	[sflag:s30] =	ssyncset.done $0x0  }
0x24e: {  	[sflag:s30] =	ssyncadd.s32 $0xFFFFC000  }
0x24f: {  	v9 =	vld.msk [tilespmem:$0x15B98], $0xff;
	_ =	sdelay $0x4  }
0x250: {  	v10 =	vshll.u32 v9, $0x4  }
0x251: {  	v9 =	vand.u32 $0x7, v9;
	v10 =	vand.u32 $0xFFFFFF80, v10  }
0x252: {  	v9 =	vor.u32 v9, v10  }
0x253: {  	v9 =	vperm.xlane v9, v7;
	_ =	sdelay $0x1  }
0x254: {  	v9 =	vadd.s32 v8, v9;
	_ =	sdelay $0x4  }
0x255: {  	[tilespmem:s0], [sflag:$0x2] =	stream.indirect_vreg.gather [hbm4b:s8+s3], $0x80, v9, vm0, $0xb8;
	[tilespmem:$0x1DD00] =	vst v63  }
0x256: {  	s19 =	simm.s32 $0x1A400  }
0x257: {  	[tilespmem:s19], [sflag:$0x2] =	stream.indirect_vreg.gather [hbm4b:s29+s3], $0x80, v9, vm0, $0xb8;
	[tilespmem:$0x1DD00] =	vst v63  }
0x258: {  	s28 =	simm.s32 $0x1AC00  }
0x259: {  	[tilespmem:s28], [sflag:$0x2] =	stream.indirect_vreg.gather [hbm4b:s11+s3], $0x80, v9, vm0, $0xb8;
	[tilespmem:$0x1DD00] =	vst v63  }
0x25a: {  	s22 =	simm.s32 $0x1B400  }
0x25b: {  	[tilespmem:s22], [sflag:$0x2] =	stream.indirect_vreg.gather [hbm4b:s12+s3], $0x80, v9, vm0, $0xb8;
	[tilespmem:$0x1DD00] =	vst v63  }
0x25c: {  	s21 =	simm.s32 $0x1BC00  }
0x25d: {  	[tilespmem:s21], [sflag:$0x2] =	stream.indirect_vreg.gather [hbm4b:s13+s3], $0x80, v9, vm0, $0xb8;
	[tilespmem:$0x1DD00] =	vst v63  }
0x25e: {  	s23 =	simm.s32 $0x1C400  }
0x25f: {  	[tilespmem:s23], [sflag:$0x2] =	stream.indirect_vreg.gather [hbm4b:s14+s3], $0x80, v9, vm0, $0xb8;
	[tilespmem:$0x1DD00] =	vst v63  }
0x260: {  	s25 =	simm.s32 $0x1CC00  }
0x261: {  	[tilespmem:s25], [sflag:$0x2] =	stream.indirect_vreg.gather [hbm4b:s15+s3], $0x80, v9, vm0, $0xb8;
	[tilespmem:$0x1DD00] =	vst v63  }
0x262: {  	s9 =	simm.s32 $0x1D400  }
0x263: {  	[tilespmem:s9], [sflag:$0x2] =	stream.indirect_vreg.gather [hbm4b:s17+s3], $0x80, v9, vm0, $0xb8;
	[tilespmem:$0x1DD00] =	vst v63  }
0x264: {  	_ =	swait.ge [sflag:s20], $0x4000  }
0x265: {  	s26 =	sld [smem:$0x7F0]  }
0x266: {  	[sflag:s20] =	ssyncset.done $0x0  }
0x267: {  	[sflag:s20] =	ssyncadd.s32 $0xFFFFC000  }
0x268: {  	[hbm4b:s26+s3] =	stream.linear.scatter [tilespmem:s24], [sflag:$0x3], $0x4000, $0x38;
	[tilespmem:$0x1DD00] =	vst v63  }
0x269: {  	_ =	swait.ge [sflag:s30], $0x4000  }
0x26a: {  	[sflag:s30] =	ssyncset.done $0x0  }
0x26b: {  	[sflag:s30] =	ssyncadd.s32 $0xFFFFC000  }
0x26c: {  	v9 =	vld.msk [tilespmem:$0x15BA0], $0xff;
	_ =	sdelay $0x4  }
0x26d: {  	v10 =	vshll.u32 v9, $0x4  }
0x26e: {  	v9 =	vand.u32 $0x7, v9;
	v10 =	vand.u32 $0xFFFFFF80, v10  }
0x26f: {  	v9 =	vor.u32 v9, v10  }
0x270: {  	v9 =	vperm.xlane v9, v7;
	_ =	sdelay $0x1  }
0x271: {  	v9 =	vadd.s32 v8, v9;
	_ =	sdelay $0x4  }
0x272: {  	[tilespmem:s24], [sflag:$0x1] =	stream.indirect_vreg.gather [hbm4b:s8+s3], $0x80, v9, vm0, $0xb8;
	[tilespmem:$0x1DD00] =	vst v63  }
0x273: {  	s26 =	simm.s32 $0x16400  }
0x274: {  	[tilespmem:s26], [sflag:$0x1] =	stream.indirect_vreg.gather [hbm4b:s29+s3], $0x80, v9, vm0, $0xb8;
	[tilespmem:$0x1DD00] =	vst v63  }
0x275: {  	s26 =	simm.s32 $0x16C00  }
0x276: {  	[tilespmem:s26], [sflag:$0x1] =	stream.indirect_vreg.gather [hbm4b:s11+s3], $0x80, v9, vm0, $0xb8;
	[tilespmem:$0x1DD00] =	vst v63  }
0x277: {  	s26 =	simm.s32 $0x17400  }
0x278: {  	[tilespmem:s26], [sflag:$0x1] =	stream.indirect_vreg.gather [hbm4b:s12+s3], $0x80, v9, vm0, $0xb8;
	[tilespmem:$0x1DD00] =	vst v63  }
0x279: {  	s26 =	simm.s32 $0x17C00  }
0x27a: {  	[tilespmem:s26], [sflag:$0x1] =	stream.indirect_vreg.gather [hbm4b:s13+s3], $0x80, v9, vm0, $0xb8;
	[tilespmem:$0x1DD00] =	vst v63  }
0x27b: {  	s16 =	simm.s32 $0x18400  }
0x27c: {  	[tilespmem:s16], [sflag:$0x1] =	stream.indirect_vreg.gather [hbm4b:s14+s3], $0x80, v9, vm0, $0xb8;
	[tilespmem:$0x1DD00] =	vst v63  }
0x27d: {  	s18 =	simm.s32 $0x18C00  }
0x27e: {  	[tilespmem:s18], [sflag:$0x1] =	stream.indirect_vreg.gather [hbm4b:s15+s3], $0x80, v9, vm0, $0xb8;
	[tilespmem:$0x1DD00] =	vst v63  }
0x27f: {  	s26 =	simm.s32 $0x19400  }
0x280: {  	[tilespmem:s26], [sflag:$0x1] =	stream.indirect_vreg.gather [hbm4b:s17+s3], $0x80, v9, vm0, $0xb8;
	[tilespmem:$0x1DD00] =	vst v63  }
0x281: {  	_ =	swait.ge [sflag:s10], $0x4000  }
0x282: {  	s26 =	sld [smem:$0x7F1]  }
0x283: {  	[sflag:s10] =	ssyncset.done $0x0  }
0x284: {  	[sflag:s10] =	ssyncadd.s32 $0xFFFFC000  }
0x285: {  	[hbm4b:s26+s3] =	stream.linear.scatter [tilespmem:s0], [sflag:$0x3], $0x4000, $0x38;
	[tilespmem:$0x1DD00] =	vst v63  }
0x286: {  	_ =	swait.ge [sflag:s30], $0x4000  }
0x287: {  	[sflag:s30] =	ssyncset.done $0x0  }
0x288: {  	[sflag:s30] =	ssyncadd.s32 $0xFFFFC000  }
0x289: {  	v9 =	vld.msk [tilespmem:$0x15BA8], $0xff;
	_ =	sdelay $0x4  }
0x28a: {  	v10 =	vshll.u32 v9, $0x4  }
0x28b: {  	v9 =	vand.u32 $0x7, v9;
	v10 =	vand.u32 $0xFFFFFF80, v10  }
0x28c: {  	v9 =	vor.u32 v9, v10  }
0x28d: {  	v9 =	vperm.xlane v9, v7;
	_ =	sdelay $0x1  }
0x28e: {  	v9 =	vadd.s32 v8, v9;
	_ =	sdelay $0x4  }
0x28f: {  	[tilespmem:s0], [sflag:$0x2] =	stream.indirect_vreg.gather [hbm4b:s8+s3], $0x80, v9, vm0, $0xb8;
	[tilespmem:$0x1DD00] =	vst v63  }
0x290: {  	s19 =	simm.s32 $0x1A400  }
0x291: {  	[tilespmem:s19], [sflag:$0x2] =	stream.indirect_vreg.gather [hbm4b:s29+s3], $0x80, v9, vm0, $0xb8;
	[tilespmem:$0x1DD00] =	vst v63  }
0x292: {  	s28 =	simm.s32 $0x1AC00  }
0x293: {  	[tilespmem:s28], [sflag:$0x2] =	stream.indirect_vreg.gather [hbm4b:s11+s3], $0x80, v9, vm0, $0xb8;
	[tilespmem:$0x1DD00] =	vst v63  }
0x294: {  	s22 =	simm.s32 $0x1B400  }
0x295: {  	[tilespmem:s22], [sflag:$0x2] =	stream.indirect_vreg.gather [hbm4b:s12+s3], $0x80, v9, vm0, $0xb8;
	[tilespmem:$0x1DD00] =	vst v63  }
0x296: {  	s21 =	simm.s32 $0x1BC00  }
0x297: {  	[tilespmem:s21], [sflag:$0x2] =	stream.indirect_vreg.gather [hbm4b:s13+s3], $0x80, v9, vm0, $0xb8;
	[tilespmem:$0x1DD00] =	vst v63  }
0x298: {  	s23 =	simm.s32 $0x1C400  }
0x299: {  	[tilespmem:s23], [sflag:$0x2] =	stream.indirect_vreg.gather [hbm4b:s14+s3], $0x80, v9, vm0, $0xb8;
	[tilespmem:$0x1DD00] =	vst v63  }
0x29a: {  	s25 =	simm.s32 $0x1CC00  }
0x29b: {  	[tilespmem:s25], [sflag:$0x2] =	stream.indirect_vreg.gather [hbm4b:s15+s3], $0x80, v9, vm0, $0xb8;
	[tilespmem:$0x1DD00] =	vst v63  }
0x29c: {  	s9 =	simm.s32 $0x1D400  }
0x29d: {  	[tilespmem:s9], [sflag:$0x2] =	stream.indirect_vreg.gather [hbm4b:s17+s3], $0x80, v9, vm0, $0xb8;
	[tilespmem:$0x1DD00] =	vst v63  }
0x29e: {  	_ =	swait.ge [sflag:s20], $0x4000  }
0x29f: {  	s26 =	sld [smem:$0x7F2]  }
0x2a0: {  	[sflag:s20] =	ssyncset.done $0x0  }
0x2a1: {  	[sflag:s20] =	ssyncadd.s32 $0xFFFFC000  }
0x2a2: {  	[hbm4b:s26+s3] =	stream.linear.scatter [tilespmem:s24], [sflag:$0x3], $0x4000, $0x38;
	[tilespmem:$0x1DD00] =	vst v63  }
0x2a3: {  	_ =	swait.ge [sflag:s30], $0x4000  }
0x2a4: {  	[sflag:s30] =	ssyncset.done $0x0  }
0x2a5: {  	[sflag:s30] =	ssyncadd.s32 $0xFFFFC000  }
0x2a6: {  	v9 =	vld.msk [tilespmem:$0x15BB0], $0xff;
	_ =	sdelay $0x4  }
0x2a7: {  	v10 =	vshll.u32 v9, $0x4  }
0x2a8: {  	v9 =	vand.u32 $0x7, v9;
	v10 =	vand.u32 $0xFFFFFF80, v10  }
0x2a9: {  	v9 =	vor.u32 v9, v10  }
0x2aa: {  	v9 =	vperm.xlane v9, v7;
	_ =	sdelay $0x1  }
0x2ab: {  	v9 =	vadd.s32 v8, v9;
	_ =	sdelay $0x4  }
0x2ac: {  	[tilespmem:s24], [sflag:$0x1] =	stream.indirect_vreg.gather [hbm4b:s8+s3], $0x80, v9, vm0, $0xb8;
	[tilespmem:$0x1DD00] =	vst v63  }
0x2ad: {  	s26 =	simm.s32 $0x16400  }
0x2ae: {  	[tilespmem:s26], [sflag:$0x1] =	stream.indirect_vreg.gather [hbm4b:s29+s3], $0x80, v9, vm0, $0xb8;
	[tilespmem:$0x1DD00] =	vst v63  }
0x2af: {  	s26 =	simm.s32 $0x16C00  }
0x2b0: {  	[tilespmem:s26], [sflag:$0x1] =	stream.indirect_vreg.gather [hbm4b:s11+s3], $0x80, v9, vm0, $0xb8;
	[tilespmem:$0x1DD00] =	vst v63  }
0x2b1: {  	s26 =	simm.s32 $0x17400  }
0x2b2: {  	[tilespmem:s26], [sflag:$0x1] =	stream.indirect_vreg.gather [hbm4b:s12+s3], $0x80, v9, vm0, $0xb8;
	[tilespmem:$0x1DD00] =	vst v63  }
0x2b3: {  	s26 =	simm.s32 $0x17C00  }
0x2b4: {  	[tilespmem:s26], [sflag:$0x1] =	stream.indirect_vreg.gather [hbm4b:s13+s3], $0x80, v9, vm0, $0xb8;
	[tilespmem:$0x1DD00] =	vst v63  }
0x2b5: {  	s16 =	simm.s32 $0x18400  }
0x2b6: {  	[tilespmem:s16], [sflag:$0x1] =	stream.indirect_vreg.gather [hbm4b:s14+s3], $0x80, v9, vm0, $0xb8;
	[tilespmem:$0x1DD00] =	vst v63  }
0x2b7: {  	s18 =	simm.s32 $0x18C00  }
0x2b8: {  	[tilespmem:s18], [sflag:$0x1] =	stream.indirect_vreg.gather [hbm4b:s15+s3], $0x80, v9, vm0, $0xb8;
	[tilespmem:$0x1DD00] =	vst v63  }
0x2b9: {  	s26 =	simm.s32 $0x19400  }
0x2ba: {  	[tilespmem:s26], [sflag:$0x1] =	stream.indirect_vreg.gather [hbm4b:s17+s3], $0x80, v9, vm0, $0xb8;
	[tilespmem:$0x1DD00] =	vst v63  }
0x2bb: {  	_ =	swait.ge [sflag:s10], $0x4000  }
0x2bc: {  	s26 =	sld [smem:$0x7F3]  }
0x2bd: {  	[sflag:s10] =	ssyncset.done $0x0  }
0x2be: {  	[sflag:s10] =	ssyncadd.s32 $0xFFFFC000  }
0x2bf: {  	[hbm4b:s26+s3] =	stream.linear.scatter [tilespmem:s0], [sflag:$0x3], $0x4000, $0x38;
	[tilespmem:$0x1DD00] =	vst v63  }
0x2c0: {  	_ =	swait.ge [sflag:s30], $0x4000  }
0x2c1: {  	[sflag:s30] =	ssyncset.done $0x0  }
0x2c2: {  	[sflag:s30] =	ssyncadd.s32 $0xFFFFC000  }
0x2c3: {  	v9 =	vld.msk [tilespmem:$0x15BB8], $0xff;
	_ =	sdelay $0x4  }
0x2c4: {  	v10 =	vshll.u32 v9, $0x4  }
0x2c5: {  	v9 =	vand.u32 $0x7, v9;
	v10 =	vand.u32 $0xFFFFFF80, v10  }
0x2c6: {  	v9 =	vor.u32 v9, v10  }
0x2c7: {  	v9 =	vperm.xlane v9, v7;
	_ =	sdelay $0x1  }
0x2c8: {  	v9 =	vadd.s32 v8, v9;
	_ =	sdelay $0x4  }
0x2c9: {  	[tilespmem:s0], [sflag:$0x2] =	stream.indirect_vreg.gather [hbm4b:s8+s3], $0x80, v9, vm0, $0xb8;
	[tilespmem:$0x1DD00] =	vst v63  }
0x2ca: {  	s19 =	simm.s32 $0x1A400  }
0x2cb: {  	[tilespmem:s19], [sflag:$0x2] =	stream.indirect_vreg.gather [hbm4b:s29+s3], $0x80, v9, vm0, $0xb8;
	[tilespmem:$0x1DD00] =	vst v63  }
0x2cc: {  	s28 =	simm.s32 $0x1AC00  }
0x2cd: {  	[tilespmem:s28], [sflag:$0x2] =	stream.indirect_vreg.gather [hbm4b:s11+s3], $0x80, v9, vm0, $0xb8;
	[tilespmem:$0x1DD00] =	vst v63  }
0x2ce: {  	s22 =	simm.s32 $0x1B400  }
0x2cf: {  	[tilespmem:s22], [sflag:$0x2] =	stream.indirect_vreg.gather [hbm4b:s12+s3], $0x80, v9, vm0, $0xb8;
	[tilespmem:$0x1DD00] =	vst v63  }
0x2d0: {  	s21 =	simm.s32 $0x1BC00  }
0x2d1: {  	[tilespmem:s21], [sflag:$0x2] =	stream.indirect_vreg.gather [hbm4b:s13+s3], $0x80, v9, vm0, $0xb8;
	[tilespmem:$0x1DD00] =	vst v63  }
0x2d2: {  	s23 =	simm.s32 $0x1C400  }
0x2d3: {  	[tilespmem:s23], [sflag:$0x2] =	stream.indirect_vreg.gather [hbm4b:s14+s3], $0x80, v9, vm0, $0xb8;
	[tilespmem:$0x1DD00] =	vst v63  }
0x2d4: {  	s25 =	simm.s32 $0x1CC00  }
0x2d5: {  	[tilespmem:s25], [sflag:$0x2] =	stream.indirect_vreg.gather [hbm4b:s15+s3], $0x80, v9, vm0, $0xb8;
	[tilespmem:$0x1DD00] =	vst v63  }
0x2d6: {  	s9 =	simm.s32 $0x1D400  }
0x2d7: {  	[tilespmem:s9], [sflag:$0x2] =	stream.indirect_vreg.gather [hbm4b:s17+s3], $0x80, v9, vm0, $0xb8;
	[tilespmem:$0x1DD00] =	vst v63  }
0x2d8: {  	_ =	swait.ge [sflag:s20], $0x4000  }
0x2d9: {  	s26 =	sld [smem:$0x7F4]  }
0x2da: {  	[sflag:s20] =	ssyncset.done $0x0  }
0x2db: {  	[sflag:s20] =	ssyncadd.s32 $0xFFFFC000  }
0x2dc: {  	[hbm4b:s26+s3] =	stream.linear.scatter [tilespmem:s24], [sflag:$0x3], $0x4000, $0x38;
	[tilespmem:$0x1DD00] =	vst v63  }
0x2dd: {  	_ =	swait.ge [sflag:s30], $0x4000  }
0x2de: {  	[sflag:s30] =	ssyncset.done $0x0  }
0x2df: {  	[sflag:s30] =	ssyncadd.s32 $0xFFFFC000  }
0x2e0: {  	v9 =	vld.msk [tilespmem:$0x15BC0], $0xff;
	_ =	sdelay $0x4  }
0x2e1: {  	v10 =	vshll.u32 v9, $0x4  }
0x2e2: {  	v9 =	vand.u32 $0x7, v9;
	v10 =	vand.u32 $0xFFFFFF80, v10  }
0x2e3: {  	v9 =	vor.u32 v9, v10  }
0x2e4: {  	v9 =	vperm.xlane v9, v7;
	_ =	sdelay $0x1  }
0x2e5: {  	v9 =	vadd.s32 v8, v9;
	_ =	sdelay $0x4  }
0x2e6: {  	[tilespmem:s24], [sflag:$0x1] =	stream.indirect_vreg.gather [hbm4b:s8+s3], $0x80, v9, vm0, $0xb8;
	[tilespmem:$0x1DD00] =	vst v63  }
0x2e7: {  	s26 =	simm.s32 $0x16400  }
0x2e8: {  	[tilespmem:s26], [sflag:$0x1] =	stream.indirect_vreg.gather [hbm4b:s29+s3], $0x80, v9, vm0, $0xb8;
	[tilespmem:$0x1DD00] =	vst v63  }
0x2e9: {  	s26 =	simm.s32 $0x16C00  }
0x2ea: {  	[tilespmem:s26], [sflag:$0x1] =	stream.indirect_vreg.gather [hbm4b:s11+s3], $0x80, v9, vm0, $0xb8;
	[tilespmem:$0x1DD00] =	vst v63  }
0x2eb: {  	s26 =	simm.s32 $0x17400  }
0x2ec: {  	[tilespmem:s26], [sflag:$0x1] =	stream.indirect_vreg.gather [hbm4b:s12+s3], $0x80, v9, vm0, $0xb8;
	[tilespmem:$0x1DD00] =	vst v63  }
0x2ed: {  	s26 =	simm.s32 $0x17C00  }
0x2ee: {  	[tilespmem:s26], [sflag:$0x1] =	stream.indirect_vreg.gather [hbm4b:s13+s3], $0x80, v9, vm0, $0xb8;
	[tilespmem:$0x1DD00] =	vst v63  }
0x2ef: {  	s16 =	simm.s32 $0x18400  }
0x2f0: {  	[tilespmem:s16], [sflag:$0x1] =	stream.indirect_vreg.gather [hbm4b:s14+s3], $0x80, v9, vm0, $0xb8;
	[tilespmem:$0x1DD00] =	vst v63  }
0x2f1: {  	s18 =	simm.s32 $0x18C00  }
0x2f2: {  	[tilespmem:s18], [sflag:$0x1] =	stream.indirect_vreg.gather [hbm4b:s15+s3], $0x80, v9, vm0, $0xb8;
	[tilespmem:$0x1DD00] =	vst v63  }
0x2f3: {  	s26 =	simm.s32 $0x19400  }
0x2f4: {  	[tilespmem:s26], [sflag:$0x1] =	stream.indirect_vreg.gather [hbm4b:s17+s3], $0x80, v9, vm0, $0xb8;
	[tilespmem:$0x1DD00] =	vst v63  }
0x2f5: {  	_ =	swait.ge [sflag:s10], $0x4000  }
0x2f6: {  	s26 =	sld [smem:$0x7F5]  }
0x2f7: {  	[sflag:s10] =	ssyncset.done $0x0  }
0x2f8: {  	[sflag:s10] =	ssyncadd.s32 $0xFFFFC000  }
0x2f9: {  	[hbm4b:s26+s3] =	stream.linear.scatter [tilespmem:s0], [sflag:$0x3], $0x4000, $0x38;
	[tilespmem:$0x1DD00] =	vst v63  }
0x2fa: {  	_ =	swait.ge [sflag:s30], $0x4000  }
0x2fb: {  	[sflag:s30] =	ssyncset.done $0x0  }
0x2fc: {  	[sflag:s30] =	ssyncadd.s32 $0xFFFFC000  }
0x2fd: {  	v9 =	vld.msk [tilespmem:$0x15BC8], $0xff;
	_ =	sdelay $0x4  }
0x2fe: {  	v10 =	vshll.u32 v9, $0x4  }
0x2ff: {  	v9 =	vand.u32 $0x7, v9;
	v10 =	vand.u32 $0xFFFFFF80, v10  }
0x300: {  	v9 =	vor.u32 v9, v10  }
0x301: {  	v9 =	vperm.xlane v9, v7;
	_ =	sdelay $0x1  }
0x302: {  	v9 =	vadd.s32 v8, v9;
	_ =	sdelay $0x4  }
0x303: {  	[tilespmem:s0], [sflag:$0x2] =	stream.indirect_vreg.gather [hbm4b:s8+s3], $0x80, v9, vm0, $0xb8;
	[tilespmem:$0x1DD00] =	vst v63  }
0x304: {  	s19 =	simm.s32 $0x1A400  }
0x305: {  	[tilespmem:s19], [sflag:$0x2] =	stream.indirect_vreg.gather [hbm4b:s29+s3], $0x80, v9, vm0, $0xb8;
	[tilespmem:$0x1DD00] =	vst v63  }
0x306: {  	s28 =	simm.s32 $0x1AC00  }
0x307: {  	[tilespmem:s28], [sflag:$0x2] =	stream.indirect_vreg.gather [hbm4b:s11+s3], $0x80, v9, vm0, $0xb8;
	[tilespmem:$0x1DD00] =	vst v63  }
0x308: {  	s22 =	simm.s32 $0x1B400  }
0x309: {  	[tilespmem:s22], [sflag:$0x2] =	stream.indirect_vreg.gather [hbm4b:s12+s3], $0x80, v9, vm0, $0xb8;
	[tilespmem:$0x1DD00] =	vst v63  }
0x30a: {  	s21 =	simm.s32 $0x1BC00  }
0x30b: {  	[tilespmem:s21], [sflag:$0x2] =	stream.indirect_vreg.gather [hbm4b:s13+s3], $0x80, v9, vm0, $0xb8;
	[tilespmem:$0x1DD00] =	vst v63  }
0x30c: {  	s23 =	simm.s32 $0x1C400  }
0x30d: {  	[tilespmem:s23], [sflag:$0x2] =	stream.indirect_vreg.gather [hbm4b:s14+s3], $0x80, v9, vm0, $0xb8;
	[tilespmem:$0x1DD00] =	vst v63  }
0x30e: {  	s25 =	simm.s32 $0x1CC00  }
0x30f: {  	[tilespmem:s25], [sflag:$0x2] =	stream.indirect_vreg.gather [hbm4b:s15+s3], $0x80, v9, vm0, $0xb8;
	[tilespmem:$0x1DD00] =	vst v63  }
0x310: {  	s9 =	simm.s32 $0x1D400  }
0x311: {  	[tilespmem:s9], [sflag:$0x2] =	stream.indirect_vreg.gather [hbm4b:s17+s3], $0x80, v9, vm0, $0xb8;
	[tilespmem:$0x1DD00] =	vst v63  }
0x312: {  	_ =	swait.ge [sflag:s20], $0x4000  }
0x313: {  	s26 =	sld [smem:$0x7F6]  }
0x314: {  	[sflag:s20] =	ssyncset.done $0x0  }
0x315: {  	[sflag:s20] =	ssyncadd.s32 $0xFFFFC000  }
0x316: {  	[hbm4b:s26+s3] =	stream.linear.scatter [tilespmem:s24], [sflag:$0x3], $0x4000, $0x38;
	[tilespmem:$0x1DD00] =	vst v63  }
0x317: {  	_ =	swait.ge [sflag:s30], $0x4000  }
0x318: {  	[sflag:s30] =	ssyncset.done $0x0  }
0x319: {  	[sflag:s30] =	ssyncadd.s32 $0xFFFFC000  }
0x31a: {  	v9 =	vld.msk [tilespmem:$0x15BD0], $0xff;
	_ =	sdelay $0x4  }
0x31b: {  	v10 =	vshll.u32 v9, $0x4  }
0x31c: {  	v9 =	vand.u32 $0x7, v9;
	v10 =	vand.u32 $0xFFFFFF80, v10  }
0x31d: {  	v9 =	vor.u32 v9, v10  }
0x31e: {  	v9 =	vperm.xlane v9, v7;
	_ =	sdelay $0x1  }
0x31f: {  	v9 =	vadd.s32 v8, v9;
	_ =	sdelay $0x4  }
0x320: {  	[tilespmem:s24], [sflag:$0x1] =	stream.indirect_vreg.gather [hbm4b:s8+s3], $0x80, v9, vm0, $0xb8;
	[tilespmem:$0x1DD00] =	vst v63  }
0x321: {  	s26 =	simm.s32 $0x16400  }
0x322: {  	[tilespmem:s26], [sflag:$0x1] =	stream.indirect_vreg.gather [hbm4b:s29+s3], $0x80, v9, vm0, $0xb8;
	[tilespmem:$0x1DD00] =	vst v63  }
0x323: {  	s26 =	simm.s32 $0x16C00  }
0x324: {  	[tilespmem:s26], [sflag:$0x1] =	stream.indirect_vreg.gather [hbm4b:s11+s3], $0x80, v9, vm0, $0xb8;
	[tilespmem:$0x1DD00] =	vst v63  }
0x325: {  	s26 =	simm.s32 $0x17400  }
0x326: {  	[tilespmem:s26], [sflag:$0x1] =	stream.indirect_vreg.gather [hbm4b:s12+s3], $0x80, v9, vm0, $0xb8;
	[tilespmem:$0x1DD00] =	vst v63  }
0x327: {  	s26 =	simm.s32 $0x17C00  }
0x328: {  	[tilespmem:s26], [sflag:$0x1] =	stream.indirect_vreg.gather [hbm4b:s13+s3], $0x80, v9, vm0, $0xb8;
	[tilespmem:$0x1DD00] =	vst v63  }
0x329: {  	s16 =	simm.s32 $0x18400  }
0x32a: {  	[tilespmem:s16], [sflag:$0x1] =	stream.indirect_vreg.gather [hbm4b:s14+s3], $0x80, v9, vm0, $0xb8;
	[tilespmem:$0x1DD00] =	vst v63  }
0x32b: {  	s18 =	simm.s32 $0x18C00  }
0x32c: {  	[tilespmem:s18], [sflag:$0x1] =	stream.indirect_vreg.gather [hbm4b:s15+s3], $0x80, v9, vm0, $0xb8;
	[tilespmem:$0x1DD00] =	vst v63  }
0x32d: {  	s26 =	simm.s32 $0x19400  }
0x32e: {  	[tilespmem:s26], [sflag:$0x1] =	stream.indirect_vreg.gather [hbm4b:s17+s3], $0x80, v9, vm0, $0xb8;
	[tilespmem:$0x1DD00] =	vst v63  }
0x32f: {  	_ =	swait.ge [sflag:s10], $0x4000  }
0x330: {  	s26 =	sld [smem:$0x7F7]  }
0x331: {  	[sflag:s10] =	ssyncset.done $0x0  }
0x332: {  	[sflag:s10] =	ssyncadd.s32 $0xFFFFC000  }
0x333: {  	[hbm4b:s26+s3] =	stream.linear.scatter [tilespmem:s0], [sflag:$0x3], $0x4000, $0x38;
	[tilespmem:$0x1DD00] =	vst v63  }
0x334: {  	_ =	swait.ge [sflag:s30], $0x4000  }
0x335: {  	[sflag:s30] =	ssyncset.done $0x0  }
0x336: {  	[sflag:s30] =	ssyncadd.s32 $0xFFFFC000  }
0x337: {  	v9 =	vld.msk [tilespmem:$0x15BD8], $0xff;
	_ =	sdelay $0x4  }
0x338: {  	v10 =	vshll.u32 v9, $0x4  }
0x339: {  	v9 =	vand.u32 $0x7, v9;
	v10 =	vand.u32 $0xFFFFFF80, v10  }
0x33a: {  	v9 =	vor.u32 v9, v10  }
0x33b: {  	v9 =	vperm.xlane v9, v7;
	_ =	sdelay $0x1  }
0x33c: {  	v9 =	vadd.s32 v8, v9;
	_ =	sdelay $0x4  }
0x33d: {  	[tilespmem:s0], [sflag:$0x2] =	stream.indirect_vreg.gather [hbm4b:s8+s3], $0x80, v9, vm0, $0xb8;
	[tilespmem:$0x1DD00] =	vst v63  }
0x33e: {  	s19 =	simm.s32 $0x1A400  }
0x33f: {  	[tilespmem:s19], [sflag:$0x2] =	stream.indirect_vreg.gather [hbm4b:s29+s3], $0x80, v9, vm0, $0xb8;
	[tilespmem:$0x1DD00] =	vst v63  }
0x340: {  	s28 =	simm.s32 $0x1AC00  }
0x341: {  	[tilespmem:s28], [sflag:$0x2] =	stream.indirect_vreg.gather [hbm4b:s11+s3], $0x80, v9, vm0, $0xb8;
	[tilespmem:$0x1DD00] =	vst v63  }
0x342: {  	s22 =	simm.s32 $0x1B400  }
0x343: {  	[tilespmem:s22], [sflag:$0x2] =	stream.indirect_vreg.gather [hbm4b:s12+s3], $0x80, v9, vm0, $0xb8;
	[tilespmem:$0x1DD00] =	vst v63  }
0x344: {  	s21 =	simm.s32 $0x1BC00  }
0x345: {  	[tilespmem:s21], [sflag:$0x2] =	stream.indirect_vreg.gather [hbm4b:s13+s3], $0x80, v9, vm0, $0xb8;
	[tilespmem:$0x1DD00] =	vst v63  }
0x346: {  	s23 =	simm.s32 $0x1C400  }
0x347: {  	[tilespmem:s23], [sflag:$0x2] =	stream.indirect_vreg.gather [hbm4b:s14+s3], $0x80, v9, vm0, $0xb8;
	[tilespmem:$0x1DD00] =	vst v63  }
0x348: {  	s25 =	simm.s32 $0x1CC00  }
0x349: {  	[tilespmem:s25], [sflag:$0x2] =	stream.indirect_vreg.gather [hbm4b:s15+s3], $0x80, v9, vm0, $0xb8;
	[tilespmem:$0x1DD00] =	vst v63  }
0x34a: {  	s9 =	simm.s32 $0x1D400  }
0x34b: {  	[tilespmem:s9], [sflag:$0x2] =	stream.indirect_vreg.gather [hbm4b:s17+s3], $0x80, v9, vm0, $0xb8;
	[tilespmem:$0x1DD00] =	vst v63  }
0x34c: {  	_ =	swait.ge [sflag:s20], $0x4000  }
0x34d: {  	s25 =	sld [smem:$0x7F8]  }
0x34e: {  	[sflag:s20] =	ssyncset.done $0x0  }
0x34f: {  	[sflag:s20] =	ssyncadd.s32 $0xFFFFC000  }
0x350: {  	[hbm4b:s25+s3] =	stream.linear.scatter [tilespmem:s24], [sflag:$0x3], $0x4000, $0x38;
	[tilespmem:$0x1DD00] =	vst v63  }
0x351: {  	_ =	swait.ge [sflag:s30], $0x4000  }
0x352: {  	[sflag:s30] =	ssyncset.done $0x0  }
0x353: {  	[sflag:s30] =	ssyncadd.s32 $0xFFFFC000  }
0x354: {  	v9 =	vld.msk [tilespmem:$0x15BE0], $0xff;
	_ =	sdelay $0x4  }
0x355: {  	v10 =	vshll.u32 v9, $0x4  }
0x356: {  	v9 =	vand.u32 $0x7, v9;
	v10 =	vand.u32 $0xFFFFFF80, v10  }
0x357: {  	v9 =	vor.u32 v9, v10  }
0x358: {  	v9 =	vperm.xlane v9, v7;
	_ =	sdelay $0x1  }
0x359: {  	v9 =	vadd.s32 v8, v9;
	_ =	sdelay $0x4  }
0x35a: {  	[tilespmem:s24], [sflag:$0x1] =	stream.indirect_vreg.gather [hbm4b:s8+s3], $0x80, v9, vm0, $0xb8;
	[tilespmem:$0x1DD00] =	vst v63  }
0x35b: {  	s26 =	simm.s32 $0x16400  }
0x35c: {  	[tilespmem:s26], [sflag:$0x1] =	stream.indirect_vreg.gather [hbm4b:s29+s3], $0x80, v9, vm0, $0xb8;
	[tilespmem:$0x1DD00] =	vst v63  }
0x35d: {  	s22 =	simm.s32 $0x16C00  }
0x35e: {  	[tilespmem:s22], [sflag:$0x1] =	stream.indirect_vreg.gather [hbm4b:s11+s3], $0x80, v9, vm0, $0xb8;
	[tilespmem:$0x1DD00] =	vst v63  }
0x35f: {  	s23 =	simm.s32 $0x17400  }
0x360: {  	[tilespmem:s23], [sflag:$0x1] =	stream.indirect_vreg.gather [hbm4b:s12+s3], $0x80, v9, vm0, $0xb8;
	[tilespmem:$0x1DD00] =	vst v63  }
0x361: {  	s25 =	simm.s32 $0x17C00  }
0x362: {  	[tilespmem:s25], [sflag:$0x1] =	stream.indirect_vreg.gather [hbm4b:s13+s3], $0x80, v9, vm0, $0xb8;
	[tilespmem:$0x1DD00] =	vst v63  }
0x363: {  	s16 =	simm.s32 $0x18400  }
0x364: {  	[tilespmem:s16], [sflag:$0x1] =	stream.indirect_vreg.gather [hbm4b:s14+s3], $0x80, v9, vm0, $0xb8;
	[tilespmem:$0x1DD00] =	vst v63  }
0x365: {  	s18 =	simm.s32 $0x18C00  }
0x366: {  	[tilespmem:s18], [sflag:$0x1] =	stream.indirect_vreg.gather [hbm4b:s15+s3], $0x80, v9, vm0, $0xb8;
	[tilespmem:$0x1DD00] =	vst v63  }
0x367: {  	s26 =	simm.s32 $0x19400  }
0x368: {  	[tilespmem:s26], [sflag:$0x1] =	stream.indirect_vreg.gather [hbm4b:s17+s3], $0x80, v9, vm0, $0xb8;
	[tilespmem:$0x1DD00] =	vst v63  }
0x369: {  	_ =	swait.ge [sflag:s10], $0x4000  }
0x36a: {  	s18 =	sld [smem:$0x7F9]  }
0x36b: {  	[sflag:s10] =	ssyncset.done $0x0  }
0x36c: {  	[sflag:s10] =	ssyncadd.s32 $0xFFFFC000  }
0x36d: {  	[hbm4b:s18+s3] =	stream.linear.scatter [tilespmem:s0], [sflag:$0x3], $0x4000, $0x38;
	[tilespmem:$0x1DD00] =	vst v63  }
0x36e: {  	_ =	swait.ge [sflag:s30], $0x4000  }
0x36f: {  	[sflag:s30] =	ssyncset.done $0x0  }
0x370: {  	[sflag:s30] =	ssyncadd.s32 $0xFFFFC000  }
0x371: {  	v9 =	vld.msk [tilespmem:$0x15BE8], $0xff;
	_ =	sdelay $0x4  }
0x372: {  	v10 =	vshll.u32 v9, $0x4  }
0x373: {  	v9 =	vand.u32 $0x7, v9;
	v10 =	vand.u32 $0xFFFFFF80, v10  }
0x374: {  	v9 =	vor.u32 v9, v10  }
0x375: {  	v9 =	vperm.xlane v9, v7;
	_ =	sdelay $0x1  }
0x376: {  	v9 =	vadd.s32 v8, v9;
	_ =	sdelay $0x4  }
0x377: {  	[tilespmem:s0], [sflag:$0x2] =	stream.indirect_vreg.gather [hbm4b:s8+s3], $0x80, v9, vm0, $0xb8;
	[tilespmem:$0x1DD00] =	vst v63  }
0x378: {  	s19 =	simm.s32 $0x1A400  }
0x379: {  	[tilespmem:s19], [sflag:$0x2] =	stream.indirect_vreg.gather [hbm4b:s29+s3], $0x80, v9, vm0, $0xb8;
	[tilespmem:$0x1DD00] =	vst v63  }
0x37a: {  	s23 =	simm.s32 $0x1AC00  }
0x37b: {  	[tilespmem:s23], [sflag:$0x2] =	stream.indirect_vreg.gather [hbm4b:s11+s3], $0x80, v9, vm0, $0xb8;
	[tilespmem:$0x1DD00] =	vst v63  }
0x37c: {  	s28 =	simm.s32 $0x1B400  }
0x37d: {  	[tilespmem:s28], [sflag:$0x2] =	stream.indirect_vreg.gather [hbm4b:s12+s3], $0x80, v9, vm0, $0xb8;
	[tilespmem:$0x1DD00] =	vst v63  }
0x37e: {  	s21 =	simm.s32 $0x1BC00  }
0x37f: {  	[tilespmem:s21], [sflag:$0x2] =	stream.indirect_vreg.gather [hbm4b:s13+s3], $0x80, v9, vm0, $0xb8;
	[tilespmem:$0x1DD00] =	vst v63  }
0x380: {  	s25 =	simm.s32 $0x1C400  }
0x381: {  	[tilespmem:s25], [sflag:$0x2] =	stream.indirect_vreg.gather [hbm4b:s14+s3], $0x80, v9, vm0, $0xb8;
	[tilespmem:$0x1DD00] =	vst v63  }
0x382: {  	s26 =	simm.s32 $0x1CC00  }
0x383: {  	[tilespmem:s26], [sflag:$0x2] =	stream.indirect_vreg.gather [hbm4b:s15+s3], $0x80, v9, vm0, $0xb8;
	[tilespmem:$0x1DD00] =	vst v63  }
0x384: {  	s26 =	simm.s32 $0x1D400  }
0x385: {  	[tilespmem:s26], [sflag:$0x2] =	stream.indirect_vreg.gather [hbm4b:s17+s3], $0x80, v9, vm0, $0xb8;
	[tilespmem:$0x1DD00] =	vst v63  }
0x386: {  	_ =	swait.ge [sflag:s20], $0x4000  }
0x387: {  	s21 =	sld [smem:$0x7FA]  }
0x388: {  	[sflag:s20] =	ssyncset.done $0x0  }
0x389: {  	[sflag:s20] =	ssyncadd.s32 $0xFFFFC000  }
0x38a: {  	[hbm4b:s21+s3] =	stream.linear.scatter [tilespmem:s24], [sflag:$0x3], $0x4000, $0x38;
	[tilespmem:$0x1DD00] =	vst v63  }
0x38b: {  	_ =	swait.ge [sflag:s30], $0x4000  }
0x38c: {  	[sflag:s30] =	ssyncset.done $0x0  }
0x38d: {  	[sflag:s30] =	ssyncadd.s32 $0xFFFFC000  }
0x38e: {  	v9 =	vld.msk [tilespmem:$0x15BF0], $0xff;
	_ =	sdelay $0x4  }
0x38f: {  	v10 =	vshll.u32 v9, $0x4  }
0x390: {  	v9 =	vand.u32 $0x7, v9;
	v10 =	vand.u32 $0xFFFFFF80, v10  }
0x391: {  	v9 =	vor.u32 v9, v10  }
0x392: {  	v9 =	vperm.xlane v9, v7;
	_ =	sdelay $0x1  }
0x393: {  	v9 =	vadd.s32 v8, v9;
	_ =	sdelay $0x4  }
0x394: {  	[tilespmem:s24], [sflag:$0x1] =	stream.indirect_vreg.gather [hbm4b:s8+s3], $0x80, v9, vm0, $0xb8;
	[tilespmem:$0x1DD00] =	vst v63  }
0x395: {  	s26 =	simm.s32 $0x16400  }
0x396: {  	[tilespmem:s26], [sflag:$0x1] =	stream.indirect_vreg.gather [hbm4b:s29+s3], $0x80, v9, vm0, $0xb8;
	[tilespmem:$0x1DD00] =	vst v63  }
0x397: {  	s26 =	simm.s32 $0x16C00  }
0x398: {  	[tilespmem:s26], [sflag:$0x1] =	stream.indirect_vreg.gather [hbm4b:s11+s3], $0x80, v9, vm0, $0xb8;
	[tilespmem:$0x1DD00] =	vst v63  }
0x399: {  	s26 =	simm.s32 $0x17400  }
0x39a: {  	[tilespmem:s26], [sflag:$0x1] =	stream.indirect_vreg.gather [hbm4b:s12+s3], $0x80, v9, vm0, $0xb8;
	[tilespmem:$0x1DD00] =	vst v63  }
0x39b: {  	s26 =	simm.s32 $0x17C00  }
0x39c: {  	[tilespmem:s26], [sflag:$0x1] =	stream.indirect_vreg.gather [hbm4b:s13+s3], $0x80, v9, vm0, $0xb8;
	[tilespmem:$0x1DD00] =	vst v63  }
0x39d: {  	s9 =	simm.s32 $0x18400  }
0x39e: {  	[tilespmem:s9], [sflag:$0x1] =	stream.indirect_vreg.gather [hbm4b:s14+s3], $0x80, v9, vm0, $0xb8;
	[tilespmem:$0x1DD00] =	vst v63  }
0x39f: {  	s16 =	simm.s32 $0x18C00  }
0x3a0: {  	[tilespmem:s16], [sflag:$0x1] =	stream.indirect_vreg.gather [hbm4b:s15+s3], $0x80, v9, vm0, $0xb8;
	[tilespmem:$0x1DD00] =	vst v63  }
0x3a1: {  	s22 =	simm.s32 $0x19400  }
0x3a2: {  	[tilespmem:s22], [sflag:$0x1] =	stream.indirect_vreg.gather [hbm4b:s17+s3], $0x80, v9, vm0, $0xb8;
	[tilespmem:$0x1DD00] =	vst v63  }
0x3a3: {  	s21 =	rddreg [dreg:$0xd];
	_ =	swait.ge [sflag:s10], $0x4000  }
0x3a4: {  	s16 =	sld [smem:$0x7FB]  }
0x3a5: {  	[sflag:s10] =	ssyncset.done $0x0  }
0x3a6: {  	[sflag:s10] =	ssyncadd.s32 $0xFFFFC000  }
0x3a7: {  	[hbm4b:s16+s3] =	stream.linear.scatter [tilespmem:s0], [sflag:$0x3], $0x4000, $0x38;
	[tilespmem:$0x1DD00] =	vst v63  }
0x3a8: {  	_ =	swait.ge [sflag:s30], $0x4000  }
0x3a9: {  	[sflag:s30] =	ssyncset.done $0x0  }
0x3aa: {  	[sflag:s30] =	ssyncadd.s32 $0xFFFFC000  }
0x3ab: {  	v9 =	vld.msk [tilespmem:$0x15BF8], $0xff;
	_ =	sdelay $0x4  }
0x3ac: {  	v10 =	vshll.u32 v9, $0x4  }
0x3ad: {  	v9 =	vand.u32 $0x7, v9;
	v10 =	vand.u32 $0xFFFFFF80, v10  }
0x3ae: {  	v9 =	vor.u32 v9, v10  }
0x3af: {  	v9 =	vperm.xlane v9, v7;
	_ =	sdelay $0x1  }
0x3b0: {  	v9 =	vadd.s32 v8, v9;
	_ =	sdelay $0x4  }
0x3b1: {  	[tilespmem:s0], [sflag:$0x2] =	stream.indirect_vreg.gather [hbm4b:s8+s3], $0x80, v9, vm0, $0xb8;
	[tilespmem:$0x1DD00] =	vst v63  }
0x3b2: {  	s18 =	simm.s32 $0x1A400  }
0x3b3: {  	[tilespmem:s18], [sflag:$0x2] =	stream.indirect_vreg.gather [hbm4b:s29+s3], $0x80, v9, vm0, $0xb8;
	[tilespmem:$0x1DD00] =	vst v63  }
0x3b4: {  	s23 =	simm.s32 $0x1AC00  }
0x3b5: {  	[tilespmem:s23], [sflag:$0x2] =	stream.indirect_vreg.gather [hbm4b:s11+s3], $0x80, v9, vm0, $0xb8;
	[tilespmem:$0x1DD00] =	vst v63  }
0x3b6: {  	s28 =	simm.s32 $0x1B400  }
0x3b7: {  	[tilespmem:s28], [sflag:$0x2] =	stream.indirect_vreg.gather [hbm4b:s12+s3], $0x80, v9, vm0, $0xb8;
	[tilespmem:$0x1DD00] =	vst v63  }
0x3b8: {  	s19 =	simm.s32 $0x1BC00  }
0x3b9: {  	[tilespmem:s19], [sflag:$0x2] =	stream.indirect_vreg.gather [hbm4b:s13+s3], $0x80, v9, vm0, $0xb8;
	[tilespmem:$0x1DD00] =	vst v63  }
0x3ba: {  	s25 =	simm.s32 $0x1C400  }
0x3bb: {  	[tilespmem:s25], [sflag:$0x2] =	stream.indirect_vreg.gather [hbm4b:s14+s3], $0x80, v9, vm0, $0xb8;
	[tilespmem:$0x1DD00] =	vst v63  }
0x3bc: {  	s19 =	simm.s32 $0x1CC00  }
0x3bd: {  	[tilespmem:s19], [sflag:$0x2] =	stream.indirect_vreg.gather [hbm4b:s15+s3], $0x80, v9, vm0, $0xb8;
	[tilespmem:$0x1DD00] =	vst v63  }
0x3be: {  	s22 =	simm.s32 $0x1D400  }
0x3bf: {  	[tilespmem:s22], [sflag:$0x2] =	stream.indirect_vreg.gather [hbm4b:s17+s3], $0x80, v9, vm0, $0xb8;
	[tilespmem:$0x1DD00] =	vst v63  }
0x3c0: {  	_ =	swait.ge [sflag:s20], $0x4000  }
0x3c1: {  	s23 =	sld [smem:$0x7FC]  }
0x3c2: {  	[sflag:s20] =	ssyncset.done $0x0  }
0x3c3: {  	[sflag:s20] =	ssyncadd.s32 $0xFFFFC000  }
0x3c4: {  	[hbm4b:s23+s3] =	stream.linear.scatter [tilespmem:s24], [sflag:$0x3], $0x4000, $0x38;
	[tilespmem:$0x1DD00] =	vst v63  }
0x3c5: {  	_ =	swait.ge [sflag:s30], $0x4000  }
0x3c6: {  	[sflag:s30] =	ssyncset.done $0x0  }
0x3c7: {  	[sflag:s30] =	ssyncadd.s32 $0xFFFFC000  }
0x3c8: {  	_ =	swait.ge [sflag:s10], $0x4000  }
0x3c9: {  	s25 =	sld [smem:$0x7FD]  }
0x3ca: {  	[sflag:s10] =	ssyncset.done $0x0  }
0x3cb: {  	[sflag:s10] =	ssyncadd.s32 $0xFFFFC000  }
0x3cc: {  	[hbm4b:s25+s3] =	stream.linear.scatter [tilespmem:s0], [sflag:$0x3], $0x4000, $0x38;
	[tilespmem:$0x1DD00] =	vst v63  }
0x3cd: {  	_ =	swait.ge [sflag:s30], $0x4000  }
0x3ce: {  	s26 =	sld [smem:$0x7EE];
	_ =	sdelay $0x2  }
0x3cf: {  	s28 =	rddreg [dreg:$0x14];
	s0 =	sadd.s32 $0x1, s26  }
0x3d0: {  	p1 =	sne.s32 s0, s28  }
.Ltmp1:
0x3d1: {  	_ = 	snop;
	(pc) =	sbr.rel @!p1 .LBB2_60-.Ltmp1, $3  }
0x3d2: {  	_ =	sdelay $0x1  }
0x3d3: {  	[sflag:s30] =	ssyncset.done $0x0  }
0x3d4: {  	[sflag:s30] =	ssyncadd.s32 $0xFFFFC000  }
.LBB2_1:
.Ltmp2:
0x3d5: {  	(pc) =	sbr.rel @p0 .LBB2_59-.Ltmp2, $1  }
0x3d6: {  	_ =	sdelay $0x3  }
0x3d7: {  	s21 =	simm.s32 $0x0;
	s22 =	rddreg [dreg:$0x8]  }
0x3d8: {  	[tilespmem:s21], [sflag:$0x3] =	stream.linear.gather [hbm4b:s22+s21], $0x1000, $0x38;
	[tilespmem:$0x1DD00] =	vst v63  }
0x3d9: {  	_ =	swait.ge [sflag:s30], $0x1000  }
0x3da: {  	[sflag:s30] =	ssyncset.done $0x0  }
0x3db: {  	[sflag:s30] =	ssyncadd.s32 $0xFFFFF000  }
0x3dc: {  	v9 =	vld [tilespmem:s21+$0x0]  }
0x3dd: {  	s23 =	simm.s32 $0x0;
	v10 =	vmov s21;
	s22 =	simm.s32 $0x10  }
.LBB2_3:
0x3de: {  	p1 =	sne.s32 s22, $0xFF0;
	v11 =	vor.u32 s21, v2;
	v10 =	vshrl.u32 v10, $0x8;
	s21 =	smov.u32 s22  }
0x3df: {  	v10 =	vadd.s32 v10, v11;
	_ =	sdelay $0x1  }
0x3e0: {  	vm1 =	vlt.s32 v9, $0x0  }
0x3e1: {  	v12 =	vsel vm1, $0x0, v3  }
.Ltmp3:
0x3e2: {  	v9 =	vxor.u32 v9, v12;
	(pc) =	sbr.rel @p1 .LBB2_3-.Ltmp3, $4  }
0x3e3: {  	[tilespmem:v10+s31+$0x0] =	vst.idx.msk $0xffff, v9  }
0x3e4: {  	s23 =	sadd.s32 $0x10, s23;
	[tilespmem:v10+s1+$0x0] =	vst.idx.msk $0xffff, v11  }
0x3e5: {  	v9 =	vld [tilespmem:s23+$0x0]  }
0x3e6: {  	s22 =	sadd.s32 $0x10, s22;
	v10 =	vmov s21  }
0x3e7: {  	v11 =	vor.u32 s21, v2;
	v10 =	vshrl.u32 v10, $0x8  }
0x3e8: {  	v10 =	vadd.s32 v10, v11;
	_ =	sdelay $0x1  }
0x3e9: {  	vm1 =	vlt.s32 v9, $0x0  }
0x3ea: {  	v12 =	vsel vm1, $0x0, v3  }
0x3eb: {  	v9 =	vxor.u32 v9, v12  }
0x3ec: {  	[tilespmem:v10+s31+$0x0] =	vst.idx.msk $0xffff, v9  }
0x3ed: {  	s21 =	simm.s32 $0x200;
	s22 =	simm.s32 $0x0;
	[tilespmem:v10+s1+$0x0] =	vst.idx.msk $0xffff, v11  }
.LBB2_5:
0x3ee: {  	p1 =	sne.s32 s21, $0x1FE00;
	[tilespmem:s22+$0x5200] =	vst v4;
	s22 =	smov.u32 s21;
	s21 =	sadd.s32 $0x200, s21  }
.Ltmp4:
0x3ef: {  	(pc) =	sbr.rel @p1 .LBB2_5-.Ltmp4, $2  }
0x3f0: {  	_ =	sdelay $0x2  }
0x3f1: {  	s22 =	sshra.s32 s22, $0x2  }
0x3f2: {  	s21 =	simm.s32 $0x0  }
0x3f3: {  	v9 =	vadd.s32 s21, v5;
	_ =	sdelay $0x3  }
0x3f4: {  	[tilespmem:s22+$0x5200] =	vst v4  }
0x3f5: {  	v9 =	vld.idx.msk [tilespmem:v9+s31+$0x0], $0xffff;
	_ =	sdelay $0x4  }
0x3f6: {  	v9 =	vshll.u32 v9, $0x7  }
0x3f7: {  	v9 =	vand.u32 $0x7F80, v9  }
0x3f8: {  	s28 =	simm.s32 $0x1;
	v9 =	vor.u32 v2, v9  }
0x3f9: {  	v10 =	vadd.s32 s28, v5;
	s21 =	simm.s32 $0x2  }
.LBB2_7:
0x3fa: {  	p1 =	sne.s32 s21, $0xFF;
	_ =	sdelay $0x2  }
0x3fb: {  	[tilespmem:v9+s2+$0x0] =	vst.idx.add.s32.msk $0xffff, v6  }
0x3fc: {  	v9 =	vld.idx.msk [tilespmem:v10+s31+$0x0], $0xffff;
	_ =	sdelay $0x4  }
.Ltmp5:
0x3fd: {  	(pc) =	sbr.rel @p1 .LBB2_7-.Ltmp5, $4  }
0x3fe: {  	v9 =	vshll.u32 v9, $0x7  }
0x3ff: {  	v9 =	vand.u32 $0x7F80, v9  }
0x400: {  	v9 =	vor.u32 v2, v9  }
0x401: {  	v10 =	vadd.s32 s21, v5;
	s21 =	sadd.s32 $0x1, s21  }
0x402: {  	_ =	sdelay $0x3  }
0x403: {  	[tilespmem:v9+s2+$0x0] =	vst.idx.add.s32.msk $0xffff, v6  }
0x404: {  	v9 =	vld.idx.msk [tilespmem:v10+s31+$0x0], $0xffff;
	_ =	sdelay $0x4  }
0x405: {  	v9 =	vshll.u32 v9, $0x7  }
0x406: {  	v9 =	vand.u32 $0x7F80, v9  }
0x407: {  	v9 =	vor.u32 v2, v9;
	_ =	sdelay $0x4  }
0x408: {  	s22 =	simm.s32 $0x0;
	[tilespmem:v9+s2+$0x0] =	vst.idx.add.s32.msk $0xffff, v6  }
0x409: {  	v9 =	vld [tilespmem:s22+$0x5200];
	_ =	sdelay $0x4  }
0x40a: {  	s23 =	simm.s32 $0x80;
	(xrf0) =	vadd.scan.msk.s32 $0xffff, v9  }
0x40b: {  	v9 =	vld [tilespmem:s23+$0x5200]  }
0x40c: {  	s21 =	simm.s32 $0x400  }
.LBB2_9:
0x40d: {  	p1 =	sne.s32 s21, $0x1FE00  }
.Ltmp6:
0x40e: {  	_ = 	snop;
	(pc) =	sbr.rel @p1 .LBB2_9-.Ltmp6, $4  }
0x40f: {  	_ = 	snop  }
0x410: {  	s25 =	sshra.s32 s21, $0x2;
	s21 =	sadd.s32 $0x200, s21;
	(xrf0) =	vadd.scan.msk.s32 $0xffff, v9;
	v10, _, _ =	vpop (xrf0)  }
0x411: {  	v9 =	vld [tilespmem:s25+$0x5200];
	[tilespmem:s22+$0xD200] =	vst v10;
	s22 =	smov.u32 s23  }
0x412: {  	s23 =	smov.u32 s25  }
0x413: {  	_ =	sdelay $0x2  }
0x414: {  	s21 =	simm.s32 $0x0;
	(xrf0) =	vadd.scan.msk.s32 $0xffff, v9  }
0x415: {  	v10 =	vor.u32 s21, v2  }
0x416: {  	v9 =	vshll.u32 v10, $0x7  }
0x417: {  	v9 =	vor.u32 $0xF, v9;
	_ =	sdelay $0x1  }
0x418: {  	v11, _, _ =	vpop (xrf0)  }
0x419: {  	[tilespmem:s22+$0xD200] =	vst v11;
	v11, _, _ =	vpop (xrf0)  }
0x41a: {  	s22 =	simm.s32 $0xD200;
	[tilespmem:s23+$0xD200] =	vst v11  }
0x41b: {  	v11 =	vld.idx.msk [tilespmem:v9+s22+$0x0], $0xffff;
	_ =	sdelay $0x4  }
0x41c: {  	(xrf0) =	vadd.scan.msk.s32 $0xffff, v11;
	_ =	sdelay $0x3  }
0x41d: {  	s26 =	simm.s32 $0x10  }
0x41e: {  	v9 =	vor.u32 s26, v2  }
0x41f: {  	v12 =	vshll.u32 v9, $0x7;
	v13, _, _ =	vpop (xrf0)  }
0x420: {  	v12 =	vor.u32 $0xF, v12;
	(v2sf) =	vpush v13, $0xF;
	_ =	sdelay $0x1  }
0x421: {  	v11 =	vsub.s32 s21, v11  }
0x422: {  	v11 =	vadd.s32 v13, v11  }
0x423: {  	[tilespmem:v10+s4+$0x0] =	vst.idx.msk $0xffff, v11  }
0x424: {  	v11 =	vld.idx.msk [tilespmem:v12+s22+$0x0], $0xffff;
	_ =	sdelay $0x4  }
0x425: {  	(xrf0) =	vadd.scan.msk.s32 $0xffff, v11;
	_ =	sdelay $0x2  }
0x426: {  	s28 =	simm.s32 $0x20  }
0x427: {  	s25 =	simm.s32 $0x30;
	s23 =	simm.s32 $0x0;
	v10 =	vor.u32 s28, v2  }
.LBB2_11:
0x428: {  	p1 =	sne.s32 s25, $0xF0;
	v12 =	vshll.u32 v10, $0x7;
	s26 =	spop (v2sf)  }
0x429: {  	v12 =	vor.u32 $0xF, v12;
	v13, _, _ =	vpop (xrf0);
	s23 =	sadd.s32 s23, s26  }
0x42a: {  	v11 =	vsub.s32 s23, v11;
	(v2sf) =	vpush v13, $0xF  }
0x42b: {  	v11 =	vadd.s32 v13, v11  }
0x42c: {  	[tilespmem:v9+s4+$0x0] =	vst.idx.msk $0xffff, v11;
	v9 =	vmov v10;
	_ =	sdelay $0x1  }
0x42d: {  	v11 =	vld.idx.msk [tilespmem:v12+s22+$0x0], $0xffff;
	_ =	sdelay $0x5  }
.Ltmp7:
0x42e: {  	(xrf0) =	vadd.scan.msk.s32 $0xffff, v11;
	(pc) =	sbr.rel @p1 .LBB2_11-.Ltmp7, $2  }
0x42f: {  	_ =	sdelay $0x2  }
0x430: {  	v10 =	vor.u32 s25, v2;
	s25 =	sadd.s32 $0x10, s25  }
0x431: {  	v12 =	vshll.u32 v10, $0x7  }
0x432: {  	s22 =	spop (v2sf);
	v12 =	vor.u32 $0xF, v12  }
0x433: {  	s23 =	sadd.s32 s23, s22  }
0x434: {  	v13, _, _ =	vpop (xrf0);
	v11 =	vsub.s32 s23, v11  }
0x435: {  	v11 =	vadd.s32 v13, v11  }
0x436: {  	s22 =	simm.s32 $0xD200;
	[tilespmem:v9+s4+$0x0] =	vst.idx.msk $0xffff, v11  }
0x437: {  	v9 =	vld.idx.msk [tilespmem:v12+s22+$0x0], $0xffff;
	_ =	sdelay $0x2  }
0x438: {  	(v2sf) =	vpush v13, $0xF;
	_ =	sdelay $0x1  }
0x439: {  	(xrf0) =	vadd.scan.msk.s32 $0xffff, v9;
	_ =	sdelay $0x5  }
0x43a: {  	v11, _, _ =	vpop (xrf0)  }
0x43b: {  	(v2sf) =	vpush v11, $0xF;
	_ =	sdelay $0x5  }
0x43c: {  	v12 =	vmov s21;
	s25 =	spop (v2sf)  }
0x43d: {  	s25 =	sadd.s32 s23, s25  }
0x43e: {  	v9 =	vsub.s32 s25, v9  }
0x43f: {  	v9 =	vadd.s32 v11, v9  }
0x440: {  	[tilespmem:v10+s4+$0x0] =	vst.idx.msk $0xffff, v9  }
0x441: {  	v9 =	vld.idx.msk [tilespmem:v12+s4+$0x0], $0xffff  }
0x442: {  	s21 =	simm.s32 $0x5200;
	v10 =	vld [tilespmem:s22+$0x0]  }
0x443: {  	v12 =	vld [tilespmem:s21+$0x0]  }
0x444: {  	s26 =	simm.s32 $0x1  }
0x445: {  	s23 =	simm.s32 $0x2;
	v11 =	vmov s26;
	s28 =	spop (v2sf)  }
.LBB2_13:
0x446: {  	p1 =	sne.s32 s23, $0xFF  }
0x447: {  	v9 =	vadd.s32 v9, v10  }
0x448: {  	v9 =	vsub.s32 v9, v12  }
0x449: {  	[tilespmem:s22+$0x0] =	vst v9  }
.Ltmp8:
0x44a: {  	s22 =	sadd.s32 $0x80, s22;
	v9 =	vld.idx.msk [tilespmem:v11+s4+$0x0], $0xffff;
	(pc) =	sbr.rel @p1 .LBB2_13-.Ltmp8, $3  }
0x44b: {  	s21 =	sadd.s32 $0x80, s21;
	v10 =	vld [tilespmem:s22+$0x0]  }
0x44c: {  	v12 =	vld [tilespmem:s21+$0x0];
	_ =	sdelay $0x1  }
0x44d: {  	v11 =	vmov s23;
	s23 =	sadd.s32 $0x1, s23  }
0x44e: {  	_ = 	snop  }
0x44f: {  	v9 =	vadd.s32 v9, v10  }
0x450: {  	v9 =	vsub.s32 v9, v12  }
0x451: {  	[tilespmem:s22+$0x0] =	vst v9  }
0x452: {  	s28 =	sadd.s32 $0x80, s22;
	v9 =	vld.idx.msk [tilespmem:v11+s4+$0x0], $0xffff  }
0x453: {  	s21 =	sadd.s32 $0x80, s21;
	v10 =	vld [tilespmem:s28+$0x0]  }
0x454: {  	v11 =	vld [tilespmem:s21+$0x0];
	_ =	sdelay $0x3  }
0x455: {  	v9 =	vadd.s32 v9, v10  }
0x456: {  	v9 =	vsub.s32 v9, v11  }
0x457: {  	s21 =	simm.s32 $0x0;
	[tilespmem:s28+$0x0] =	vst v9  }
.LBB2_15:
0x458: {  	v9 =	vadd.s32 s21, v5;
	_ =	sdelay $0x4  }
0x459: {  	v10 =	vld.idx.msk [tilespmem:v9+s31+$0x0], $0xffff;
	_ =	sdelay $0x4  }
0x45a: {  	v11 =	vshll.u32 v10, $0x7  }
0x45b: {  	v11 =	vand.u32 $0x7F80, v11  }
0x45c: {  	v11 =	vor.u32 v2, v11;
	_ =	sdelay $0x4  }
0x45d: {  	v12 =	vld.idx.msk [tilespmem:v11+s5+$0x0], $0xffff;
	_ =	sdelay $0x4  }
0x45e: {  	v13 =	vshra.s32 v12, $0x8  }
0x45f: {  	v12 =	vadd.s32 v12, v13  }
0x460: {  	v9 =	vld.idx.msk [tilespmem:v9+s1+$0x0], $0xffff  }
0x461: {  	p1 =	sne.s32 s21, $0xFF  }
.Ltmp9:
0x462: {  	_ = 	snop;
	(pc) =	sbr.rel @p1 .LBB2_15-.Ltmp9, $4  }
0x463: {  	_ = 	snop  }
0x464: {  	[tilespmem:v12+s6+$0x0] =	vst.idx.msk $0xffff, v10  }
0x465: {  	[tilespmem:v12+s7+$0x0] =	vst.idx.msk $0xffff, v9  }
0x466: {  	s21 =	sadd.s32 $0x1, s21;
	[tilespmem:v11+s5+$0x0] =	vst.idx.add.s32.msk $0xffff, v6  }
0x467: {  	s21 =	simm.s32 $0x200;
	s22 =	simm.s32 $0x0  }
.LBB2_17:
0x468: {  	p1 =	sne.s32 s21, $0x1FE00;
	[tilespmem:s22+$0x5200] =	vst v4;
	s22 =	smov.u32 s21;
	s21 =	sadd.s32 $0x200, s21  }
.Ltmp10:
0x469: {  	(pc) =	sbr.rel @p1 .LBB2_17-.Ltmp10, $2  }
0x46a: {  	_ =	sdelay $0x2  }
0x46b: {  	s22 =	sshra.s32 s22, $0x2  }
0x46c: {  	s21 =	simm.s32 $0x0  }
0x46d: {  	v9 =	vadd.s32 s21, v5;
	_ =	sdelay $0x3  }
0x46e: {  	[tilespmem:s22+$0x5200] =	vst v4  }
0x46f: {  	v9 =	vld.idx.msk [tilespmem:v9+s6+$0x0], $0xffff;
	_ =	sdelay $0x4  }
0x470: {  	v9 =	vshrl.u32 v9, $0x1  }
0x471: {  	v9 =	vand.u32 $0x7F80, v9  }
0x472: {  	s28 =	simm.s32 $0x1;
	v9 =	vor.u32 v2, v9  }
0x473: {  	v10 =	vadd.s32 s28, v5;
	s21 =	simm.s32 $0x2  }
.LBB2_19:
0x474: {  	p1 =	sne.s32 s21, $0xFF;
	_ =	sdelay $0x2  }
0x475: {  	[tilespmem:v9+s2+$0x0] =	vst.idx.add.s32.msk $0xffff, v6  }
0x476: {  	v9 =	vld.idx.msk [tilespmem:v10+s6+$0x0], $0xffff;
	_ =	sdelay $0x4  }
.Ltmp11:
0x477: {  	(pc) =	sbr.rel @p1 .LBB2_19-.Ltmp11, $4  }
0x478: {  	v9 =	vshrl.u32 v9, $0x1  }
0x479: {  	v9 =	vand.u32 $0x7F80, v9  }
0x47a: {  	v9 =	vor.u32 v2, v9  }
0x47b: {  	v10 =	vadd.s32 s21, v5;
	s21 =	sadd.s32 $0x1, s21  }
0x47c: {  	_ =	sdelay $0x3  }
0x47d: {  	[tilespmem:v9+s2+$0x0] =	vst.idx.add.s32.msk $0xffff, v6  }
0x47e: {  	v9 =	vld.idx.msk [tilespmem:v10+s6+$0x0], $0xffff;
	_ =	sdelay $0x4  }
0x47f: {  	v9 =	vshrl.u32 v9, $0x1  }
0x480: {  	v9 =	vand.u32 $0x7F80, v9  }
0x481: {  	v9 =	vor.u32 v2, v9;
	_ =	sdelay $0x4  }
0x482: {  	s22 =	simm.s32 $0x0;
	[tilespmem:v9+s2+$0x0] =	vst.idx.add.s32.msk $0xffff, v6  }
0x483: {  	v9 =	vld [tilespmem:s22+$0x5200];
	_ =	sdelay $0x4  }
0x484: {  	s23 =	simm.s32 $0x80;
	(xrf0) =	vadd.scan.msk.s32 $0xffff, v9  }
0x485: {  	v9 =	vld [tilespmem:s23+$0x5200]  }
0x486: {  	s21 =	simm.s32 $0x400  }
.LBB2_21:
0x487: {  	p1 =	sne.s32 s21, $0x1FE00  }
.Ltmp12:
0x488: {  	_ = 	snop;
	(pc) =	sbr.rel @p1 .LBB2_21-.Ltmp12, $4  }
0x489: {  	_ = 	snop  }
0x48a: {  	s25 =	sshra.s32 s21, $0x2;
	s21 =	sadd.s32 $0x200, s21;
	(xrf0) =	vadd.scan.msk.s32 $0xffff, v9;
	v10, _, _ =	vpop (xrf0)  }
0x48b: {  	v9 =	vld [tilespmem:s25+$0x5200];
	[tilespmem:s22+$0xD200] =	vst v10;
	s22 =	smov.u32 s23  }
0x48c: {  	s23 =	smov.u32 s25  }
0x48d: {  	_ =	sdelay $0x2  }
0x48e: {  	s21 =	simm.s32 $0x0;
	(xrf0) =	vadd.scan.msk.s32 $0xffff, v9  }
0x48f: {  	v10 =	vor.u32 s21, v2  }
0x490: {  	v9 =	vshll.u32 v10, $0x7  }
0x491: {  	v9 =	vor.u32 $0xF, v9;
	_ =	sdelay $0x1  }
0x492: {  	v11, _, _ =	vpop (xrf0)  }
0x493: {  	[tilespmem:s22+$0xD200] =	vst v11;
	v11, _, _ =	vpop (xrf0)  }
0x494: {  	s22 =	simm.s32 $0xD200;
	[tilespmem:s23+$0xD200] =	vst v11  }
0x495: {  	v11 =	vld.idx.msk [tilespmem:v9+s22+$0x0], $0xffff;
	_ =	sdelay $0x4  }
0x496: {  	(xrf0) =	vadd.scan.msk.s32 $0xffff, v11;
	_ =	sdelay $0x3  }
0x497: {  	s26 =	simm.s32 $0x10  }
0x498: {  	v9 =	vor.u32 s26, v2  }
0x499: {  	v12 =	vshll.u32 v9, $0x7;
	v13, _, _ =	vpop (xrf0)  }
0x49a: {  	v12 =	vor.u32 $0xF, v12;
	(v2sf) =	vpush v13, $0xF;
	_ =	sdelay $0x1  }
0x49b: {  	v11 =	vsub.s32 s21, v11  }
0x49c: {  	v11 =	vadd.s32 v13, v11  }
0x49d: {  	[tilespmem:v10+s4+$0x0] =	vst.idx.msk $0xffff, v11  }
0x49e: {  	v11 =	vld.idx.msk [tilespmem:v12+s22+$0x0], $0xffff;
	_ =	sdelay $0x4  }
0x49f: {  	(xrf0) =	vadd.scan.msk.s32 $0xffff, v11;
	_ =	sdelay $0x2  }
0x4a0: {  	s28 =	simm.s32 $0x20  }
0x4a1: {  	s25 =	simm.s32 $0x30;
	s23 =	simm.s32 $0x0;
	v10 =	vor.u32 s28, v2  }
.LBB2_23:
0x4a2: {  	p1 =	sne.s32 s25, $0xF0;
	v12 =	vshll.u32 v10, $0x7;
	s26 =	spop (v2sf)  }
0x4a3: {  	v12 =	vor.u32 $0xF, v12;
	v13, _, _ =	vpop (xrf0);
	s23 =	sadd.s32 s23, s26  }
0x4a4: {  	v11 =	vsub.s32 s23, v11;
	(v2sf) =	vpush v13, $0xF  }
0x4a5: {  	v11 =	vadd.s32 v13, v11  }
0x4a6: {  	[tilespmem:v9+s4+$0x0] =	vst.idx.msk $0xffff, v11;
	v9 =	vmov v10;
	_ =	sdelay $0x1  }
0x4a7: {  	v11 =	vld.idx.msk [tilespmem:v12+s22+$0x0], $0xffff;
	_ =	sdelay $0x5  }
.Ltmp13:
0x4a8: {  	(xrf0) =	vadd.scan.msk.s32 $0xffff, v11;
	(pc) =	sbr.rel @p1 .LBB2_23-.Ltmp13, $2  }
0x4a9: {  	_ =	sdelay $0x2  }
0x4aa: {  	v10 =	vor.u32 s25, v2;
	s25 =	sadd.s32 $0x10, s25  }
0x4ab: {  	v12 =	vshll.u32 v10, $0x7  }
0x4ac: {  	s22 =	spop (v2sf);
	v12 =	vor.u32 $0xF, v12  }
0x4ad: {  	s23 =	sadd.s32 s23, s22  }
0x4ae: {  	v13, _, _ =	vpop (xrf0);
	v11 =	vsub.s32 s23, v11  }
0x4af: {  	v11 =	vadd.s32 v13, v11  }
0x4b0: {  	s22 =	simm.s32 $0xD200;
	[tilespmem:v9+s4+$0x0] =	vst.idx.msk $0xffff, v11  }
0x4b1: {  	v9 =	vld.idx.msk [tilespmem:v12+s22+$0x0], $0xffff;
	_ =	sdelay $0x2  }
0x4b2: {  	(v2sf) =	vpush v13, $0xF;
	_ =	sdelay $0x1  }
0x4b3: {  	(xrf0) =	vadd.scan.msk.s32 $0xffff, v9;
	_ =	sdelay $0x5  }
0x4b4: {  	v11, _, _ =	vpop (xrf0)  }
0x4b5: {  	(v2sf) =	vpush v11, $0xF;
	_ =	sdelay $0x5  }
0x4b6: {  	v12 =	vmov s21;
	s25 =	spop (v2sf)  }
0x4b7: {  	s25 =	sadd.s32 s23, s25  }
0x4b8: {  	v9 =	vsub.s32 s25, v9  }
0x4b9: {  	v9 =	vadd.s32 v11, v9  }
0x4ba: {  	[tilespmem:v10+s4+$0x0] =	vst.idx.msk $0xffff, v9  }
0x4bb: {  	v9 =	vld.idx.msk [tilespmem:v12+s4+$0x0], $0xffff  }
0x4bc: {  	s21 =	simm.s32 $0x5200;
	v10 =	vld [tilespmem:s22+$0x0]  }
0x4bd: {  	v12 =	vld [tilespmem:s21+$0x0]  }
0x4be: {  	s26 =	simm.s32 $0x1  }
0x4bf: {  	s23 =	simm.s32 $0x2;
	v11 =	vmov s26;
	s28 =	spop (v2sf)  }
.LBB2_25:
0x4c0: {  	p1 =	sne.s32 s23, $0xFF  }
0x4c1: {  	v9 =	vadd.s32 v9, v10  }
0x4c2: {  	v9 =	vsub.s32 v9, v12  }
0x4c3: {  	[tilespmem:s22+$0x0] =	vst v9  }
.Ltmp14:
0x4c4: {  	s22 =	sadd.s32 $0x80, s22;
	v9 =	vld.idx.msk [tilespmem:v11+s4+$0x0], $0xffff;
	(pc) =	sbr.rel @p1 .LBB2_25-.Ltmp14, $3  }
0x4c5: {  	s21 =	sadd.s32 $0x80, s21;
	v10 =	vld [tilespmem:s22+$0x0]  }
0x4c6: {  	v12 =	vld [tilespmem:s21+$0x0];
	_ =	sdelay $0x1  }
0x4c7: {  	v11 =	vmov s23;
	s23 =	sadd.s32 $0x1, s23  }
0x4c8: {  	_ = 	snop  }
0x4c9: {  	v9 =	vadd.s32 v9, v10  }
0x4ca: {  	v9 =	vsub.s32 v9, v12  }
0x4cb: {  	[tilespmem:s22+$0x0] =	vst v9  }
0x4cc: {  	s28 =	sadd.s32 $0x80, s22;
	v9 =	vld.idx.msk [tilespmem:v11+s4+$0x0], $0xffff  }
0x4cd: {  	s21 =	sadd.s32 $0x80, s21;
	v10 =	vld [tilespmem:s28+$0x0]  }
0x4ce: {  	v11 =	vld [tilespmem:s21+$0x0];
	_ =	sdelay $0x3  }
0x4cf: {  	v9 =	vadd.s32 v9, v10  }
0x4d0: {  	v9 =	vsub.s32 v9, v11  }
0x4d1: {  	s21 =	simm.s32 $0x0;
	[tilespmem:s28+$0x0] =	vst v9  }
.LBB2_27:
0x4d2: {  	v9 =	vadd.s32 s21, v5;
	_ =	sdelay $0x4  }
0x4d3: {  	v10 =	vld.idx.msk [tilespmem:v9+s6+$0x0], $0xffff;
	_ =	sdelay $0x4  }
0x4d4: {  	v11 =	vshrl.u32 v10, $0x1  }
0x4d5: {  	v11 =	vand.u32 $0x7F80, v11  }
0x4d6: {  	v11 =	vor.u32 v2, v11;
	_ =	sdelay $0x4  }
0x4d7: {  	v12 =	vld.idx.msk [tilespmem:v11+s5+$0x0], $0xffff;
	_ =	sdelay $0x4  }
0x4d8: {  	v13 =	vshra.s32 v12, $0x8  }
0x4d9: {  	v12 =	vadd.s32 v12, v13  }
0x4da: {  	v9 =	vld.idx.msk [tilespmem:v9+s7+$0x0], $0xffff  }
0x4db: {  	p1 =	sne.s32 s21, $0xFF  }
.Ltmp15:
0x4dc: {  	_ = 	snop;
	(pc) =	sbr.rel @p1 .LBB2_27-.Ltmp15, $4  }
0x4dd: {  	_ = 	snop  }
0x4de: {  	[tilespmem:v12+s31+$0x0] =	vst.idx.msk $0xffff, v10  }
0x4df: {  	[tilespmem:v12+s1+$0x0] =	vst.idx.msk $0xffff, v9  }
0x4e0: {  	s21 =	sadd.s32 $0x1, s21;
	[tilespmem:v11+s5+$0x0] =	vst.idx.add.s32.msk $0xffff, v6  }
0x4e1: {  	s21 =	simm.s32 $0x200;
	s22 =	simm.s32 $0x0  }
.LBB2_29:
0x4e2: {  	p1 =	sne.s32 s21, $0x1FE00;
	[tilespmem:s22+$0x5200] =	vst v4;
	s22 =	smov.u32 s21;
	s21 =	sadd.s32 $0x200, s21  }
.Ltmp16:
0x4e3: {  	(pc) =	sbr.rel @p1 .LBB2_29-.Ltmp16, $2  }
0x4e4: {  	_ =	sdelay $0x2  }
0x4e5: {  	s22 =	sshra.s32 s22, $0x2  }
0x4e6: {  	s21 =	simm.s32 $0x0  }
0x4e7: {  	v9 =	vadd.s32 s21, v5;
	_ =	sdelay $0x3  }
0x4e8: {  	[tilespmem:s22+$0x5200] =	vst v4  }
0x4e9: {  	v9 =	vld.idx.msk [tilespmem:v9+s31+$0x0], $0xffff;
	_ =	sdelay $0x4  }
0x4ea: {  	v9 =	vshrl.u32 v9, $0x9  }
0x4eb: {  	v9 =	vand.u32 $0x7F80, v9  }
0x4ec: {  	s28 =	simm.s32 $0x1;
	v9 =	vor.u32 v2, v9  }
0x4ed: {  	v10 =	vadd.s32 s28, v5;
	s21 =	simm.s32 $0x2  }
.LBB2_31:
0x4ee: {  	p1 =	sne.s32 s21, $0xFF;
	_ =	sdelay $0x2  }
0x4ef: {  	[tilespmem:v9+s2+$0x0] =	vst.idx.add.s32.msk $0xffff, v6  }
0x4f0: {  	v9 =	vld.idx.msk [tilespmem:v10+s31+$0x0], $0xffff;
	_ =	sdelay $0x4  }
.Ltmp17:
0x4f1: {  	(pc) =	sbr.rel @p1 .LBB2_31-.Ltmp17, $4  }
0x4f2: {  	v9 =	vshrl.u32 v9, $0x9  }
0x4f3: {  	v9 =	vand.u32 $0x7F80, v9  }
0x4f4: {  	v9 =	vor.u32 v2, v9  }
0x4f5: {  	v10 =	vadd.s32 s21, v5;
	s21 =	sadd.s32 $0x1, s21  }
0x4f6: {  	_ =	sdelay $0x3  }
0x4f7: {  	[tilespmem:v9+s2+$0x0] =	vst.idx.add.s32.msk $0xffff, v6  }
0x4f8: {  	v9 =	vld.idx.msk [tilespmem:v10+s31+$0x0], $0xffff;
	_ =	sdelay $0x4  }
0x4f9: {  	v9 =	vshrl.u32 v9, $0x9  }
0x4fa: {  	v9 =	vand.u32 $0x7F80, v9  }
0x4fb: {  	v9 =	vor.u32 v2, v9;
	_ =	sdelay $0x4  }
0x4fc: {  	s22 =	simm.s32 $0x0;
	[tilespmem:v9+s2+$0x0] =	vst.idx.add.s32.msk $0xffff, v6  }
0x4fd: {  	v9 =	vld [tilespmem:s22+$0x5200];
	_ =	sdelay $0x4  }
0x4fe: {  	s23 =	simm.s32 $0x80;
	(xrf0) =	vadd.scan.msk.s32 $0xffff, v9  }
0x4ff: {  	v9 =	vld [tilespmem:s23+$0x5200]  }
0x500: {  	s21 =	simm.s32 $0x400  }
.LBB2_33:
0x501: {  	p1 =	sne.s32 s21, $0x1FE00  }
.Ltmp18:
0x502: {  	_ = 	snop;
	(pc) =	sbr.rel @p1 .LBB2_33-.Ltmp18, $4  }
0x503: {  	_ = 	snop  }
0x504: {  	s25 =	sshra.s32 s21, $0x2;
	s21 =	sadd.s32 $0x200, s21;
	(xrf0) =	vadd.scan.msk.s32 $0xffff, v9;
	v10, _, _ =	vpop (xrf0)  }
0x505: {  	v9 =	vld [tilespmem:s25+$0x5200];
	[tilespmem:s22+$0xD200] =	vst v10;
	s22 =	smov.u32 s23  }
0x506: {  	s23 =	smov.u32 s25  }
0x507: {  	_ =	sdelay $0x2  }
0x508: {  	s21 =	simm.s32 $0x0;
	(xrf0) =	vadd.scan.msk.s32 $0xffff, v9  }
0x509: {  	v10 =	vor.u32 s21, v2  }
0x50a: {  	v9 =	vshll.u32 v10, $0x7  }
0x50b: {  	v9 =	vor.u32 $0xF, v9;
	_ =	sdelay $0x1  }
0x50c: {  	v11, _, _ =	vpop (xrf0)  }
0x50d: {  	[tilespmem:s22+$0xD200] =	vst v11;
	v11, _, _ =	vpop (xrf0)  }
0x50e: {  	s22 =	simm.s32 $0xD200;
	[tilespmem:s23+$0xD200] =	vst v11  }
0x50f: {  	v11 =	vld.idx.msk [tilespmem:v9+s22+$0x0], $0xffff;
	_ =	sdelay $0x4  }
0x510: {  	(xrf0) =	vadd.scan.msk.s32 $0xffff, v11;
	_ =	sdelay $0x3  }
0x511: {  	s26 =	simm.s32 $0x10  }
0x512: {  	v9 =	vor.u32 s26, v2  }
0x513: {  	v12 =	vshll.u32 v9, $0x7;
	v13, _, _ =	vpop (xrf0)  }
0x514: {  	v12 =	vor.u32 $0xF, v12;
	(v2sf) =	vpush v13, $0xF;
	_ =	sdelay $0x1  }
0x515: {  	v11 =	vsub.s32 s21, v11  }
0x516: {  	v11 =	vadd.s32 v13, v11  }
0x517: {  	[tilespmem:v10+s4+$0x0] =	vst.idx.msk $0xffff, v11  }
0x518: {  	v11 =	vld.idx.msk [tilespmem:v12+s22+$0x0], $0xffff;
	_ =	sdelay $0x4  }
0x519: {  	(xrf0) =	vadd.scan.msk.s32 $0xffff, v11;
	_ =	sdelay $0x2  }
0x51a: {  	s28 =	simm.s32 $0x20  }
0x51b: {  	s25 =	simm.s32 $0x30;
	s23 =	simm.s32 $0x0;
	v10 =	vor.u32 s28, v2  }
.LBB2_35:
0x51c: {  	p1 =	sne.s32 s25, $0xF0;
	v12 =	vshll.u32 v10, $0x7;
	s26 =	spop (v2sf)  }
0x51d: {  	v12 =	vor.u32 $0xF, v12;
	v13, _, _ =	vpop (xrf0);
	s23 =	sadd.s32 s23, s26  }
0x51e: {  	v11 =	vsub.s32 s23, v11;
	(v2sf) =	vpush v13, $0xF  }
0x51f: {  	v11 =	vadd.s32 v13, v11  }
0x520: {  	[tilespmem:v9+s4+$0x0] =	vst.idx.msk $0xffff, v11;
	v9 =	vmov v10;
	_ =	sdelay $0x1  }
0x521: {  	v11 =	vld.idx.msk [tilespmem:v12+s22+$0x0], $0xffff;
	_ =	sdelay $0x5  }
.Ltmp19:
0x522: {  	(xrf0) =	vadd.scan.msk.s32 $0xffff, v11;
	(pc) =	sbr.rel @p1 .LBB2_35-.Ltmp19, $2  }
0x523: {  	_ =	sdelay $0x2  }
0x524: {  	v10 =	vor.u32 s25, v2;
	s25 =	sadd.s32 $0x10, s25  }
0x525: {  	v12 =	vshll.u32 v10, $0x7  }
0x526: {  	s22 =	spop (v2sf);
	v12 =	vor.u32 $0xF, v12  }
0x527: {  	s23 =	sadd.s32 s23, s22  }
0x528: {  	v13, _, _ =	vpop (xrf0);
	v11 =	vsub.s32 s23, v11  }
0x529: {  	v11 =	vadd.s32 v13, v11  }
0x52a: {  	s22 =	simm.s32 $0xD200;
	[tilespmem:v9+s4+$0x0] =	vst.idx.msk $0xffff, v11  }
0x52b: {  	v9 =	vld.idx.msk [tilespmem:v12+s22+$0x0], $0xffff;
	_ =	sdelay $0x2  }
0x52c: {  	(v2sf) =	vpush v13, $0xF;
	_ =	sdelay $0x1  }
0x52d: {  	(xrf0) =	vadd.scan.msk.s32 $0xffff, v9;
	_ =	sdelay $0x5  }
0x52e: {  	v11, _, _ =	vpop (xrf0)  }
0x52f: {  	(v2sf) =	vpush v11, $0xF;
	_ =	sdelay $0x5  }
0x530: {  	v12 =	vmov s21;
	s25 =	spop (v2sf)  }
0x531: {  	s25 =	sadd.s32 s23, s25  }
0x532: {  	v9 =	vsub.s32 s25, v9  }
0x533: {  	v9 =	vadd.s32 v11, v9  }
0x534: {  	[tilespmem:v10+s4+$0x0] =	vst.idx.msk $0xffff, v9  }
0x535: {  	v9 =	vld.idx.msk [tilespmem:v12+s4+$0x0], $0xffff  }
0x536: {  	s21 =	simm.s32 $0x5200;
	v10 =	vld [tilespmem:s22+$0x0]  }
0x537: {  	v12 =	vld [tilespmem:s21+$0x0]  }
0x538: {  	s26 =	simm.s32 $0x1  }
0x539: {  	s23 =	simm.s32 $0x2;
	v11 =	vmov s26;
	s28 =	spop (v2sf)  }
.LBB2_37:
0x53a: {  	p1 =	sne.s32 s23, $0xFF  }
0x53b: {  	v9 =	vadd.s32 v9, v10  }
0x53c: {  	v9 =	vsub.s32 v9, v12  }
0x53d: {  	[tilespmem:s22+$0x0] =	vst v9  }
.Ltmp20:
0x53e: {  	s22 =	sadd.s32 $0x80, s22;
	v9 =	vld.idx.msk [tilespmem:v11+s4+$0x0], $0xffff;
	(pc) =	sbr.rel @p1 .LBB2_37-.Ltmp20, $3  }
0x53f: {  	s21 =	sadd.s32 $0x80, s21;
	v10 =	vld [tilespmem:s22+$0x0]  }
0x540: {  	v12 =	vld [tilespmem:s21+$0x0];
	_ =	sdelay $0x1  }
0x541: {  	v11 =	vmov s23;
	s23 =	sadd.s32 $0x1, s23  }
0x542: {  	_ = 	snop  }
0x543: {  	v9 =	vadd.s32 v9, v10  }
0x544: {  	v9 =	vsub.s32 v9, v12  }
0x545: {  	[tilespmem:s22+$0x0] =	vst v9  }
0x546: {  	s28 =	sadd.s32 $0x80, s22;
	v9 =	vld.idx.msk [tilespmem:v11+s4+$0x0], $0xffff  }
0x547: {  	s21 =	sadd.s32 $0x80, s21;
	v10 =	vld [tilespmem:s28+$0x0]  }
0x548: {  	v11 =	vld [tilespmem:s21+$0x0];
	_ =	sdelay $0x3  }
0x549: {  	v9 =	vadd.s32 v9, v10  }
0x54a: {  	v9 =	vsub.s32 v9, v11  }
0x54b: {  	s21 =	simm.s32 $0x0;
	[tilespmem:s28+$0x0] =	vst v9  }
.LBB2_39:
0x54c: {  	v9 =	vadd.s32 s21, v5;
	_ =	sdelay $0x4  }
0x54d: {  	v10 =	vld.idx.msk [tilespmem:v9+s31+$0x0], $0xffff;
	_ =	sdelay $0x4  }
0x54e: {  	v11 =	vshrl.u32 v10, $0x9  }
0x54f: {  	v11 =	vand.u32 $0x7F80, v11  }
0x550: {  	v11 =	vor.u32 v2, v11;
	_ =	sdelay $0x4  }
0x551: {  	v12 =	vld.idx.msk [tilespmem:v11+s5+$0x0], $0xffff;
	_ =	sdelay $0x4  }
0x552: {  	v13 =	vshra.s32 v12, $0x8  }
0x553: {  	v12 =	vadd.s32 v12, v13  }
0x554: {  	v9 =	vld.idx.msk [tilespmem:v9+s1+$0x0], $0xffff  }
0x555: {  	p1 =	sne.s32 s21, $0xFF  }
.Ltmp21:
0x556: {  	_ = 	snop;
	(pc) =	sbr.rel @p1 .LBB2_39-.Ltmp21, $4  }
0x557: {  	_ = 	snop  }
0x558: {  	[tilespmem:v12+s6+$0x0] =	vst.idx.msk $0xffff, v10  }
0x559: {  	[tilespmem:v12+s7+$0x0] =	vst.idx.msk $0xffff, v9  }
0x55a: {  	s21 =	sadd.s32 $0x1, s21;
	[tilespmem:v11+s5+$0x0] =	vst.idx.add.s32.msk $0xffff, v6  }
0x55b: {  	s21 =	simm.s32 $0x200;
	s22 =	simm.s32 $0x0  }
.LBB2_41:
0x55c: {  	p1 =	sne.s32 s21, $0x1FE00;
	[tilespmem:s22+$0x5200] =	vst v4;
	s22 =	smov.u32 s21;
	s21 =	sadd.s32 $0x200, s21  }
.Ltmp22:
0x55d: {  	(pc) =	sbr.rel @p1 .LBB2_41-.Ltmp22, $2  }
0x55e: {  	_ =	sdelay $0x2  }
0x55f: {  	s22 =	sshra.s32 s22, $0x2  }
0x560: {  	s21 =	simm.s32 $0x0  }
0x561: {  	v9 =	vadd.s32 s21, v5;
	_ =	sdelay $0x3  }
0x562: {  	[tilespmem:s22+$0x5200] =	vst v4  }
0x563: {  	v9 =	vld.idx.msk [tilespmem:v9+s6+$0x0], $0xffff;
	_ =	sdelay $0x4  }
0x564: {  	v9 =	vshrl.u32 v9, $0x11  }
0x565: {  	v9 =	vand.u32 $0x7F80, v9  }
0x566: {  	s28 =	simm.s32 $0x1;
	v9 =	vor.u32 v2, v9  }
0x567: {  	v10 =	vadd.s32 s28, v5;
	s21 =	simm.s32 $0x2  }
.LBB2_43:
0x568: {  	p1 =	sne.s32 s21, $0xFF;
	_ =	sdelay $0x2  }
0x569: {  	[tilespmem:v9+s2+$0x0] =	vst.idx.add.s32.msk $0xffff, v6  }
0x56a: {  	v9 =	vld.idx.msk [tilespmem:v10+s6+$0x0], $0xffff;
	_ =	sdelay $0x4  }
.Ltmp23:
0x56b: {  	(pc) =	sbr.rel @p1 .LBB2_43-.Ltmp23, $4  }
0x56c: {  	v9 =	vshrl.u32 v9, $0x11  }
0x56d: {  	v9 =	vand.u32 $0x7F80, v9  }
0x56e: {  	v9 =	vor.u32 v2, v9  }
0x56f: {  	v10 =	vadd.s32 s21, v5;
	s21 =	sadd.s32 $0x1, s21  }
0x570: {  	_ =	sdelay $0x3  }
0x571: {  	[tilespmem:v9+s2+$0x0] =	vst.idx.add.s32.msk $0xffff, v6  }
0x572: {  	v9 =	vld.idx.msk [tilespmem:v10+s6+$0x0], $0xffff;
	_ =	sdelay $0x4  }
0x573: {  	v9 =	vshrl.u32 v9, $0x11  }
0x574: {  	v9 =	vand.u32 $0x7F80, v9  }
0x575: {  	v9 =	vor.u32 v2, v9;
	_ =	sdelay $0x4  }
0x576: {  	s22 =	simm.s32 $0x0;
	[tilespmem:v9+s2+$0x0] =	vst.idx.add.s32.msk $0xffff, v6  }
0x577: {  	v9 =	vld [tilespmem:s22+$0x5200];
	_ =	sdelay $0x4  }
0x578: {  	s23 =	simm.s32 $0x80;
	(xrf0) =	vadd.scan.msk.s32 $0xffff, v9  }
0x579: {  	v9 =	vld [tilespmem:s23+$0x5200]  }
0x57a: {  	s21 =	simm.s32 $0x400  }
.LBB2_45:
0x57b: {  	p1 =	sne.s32 s21, $0x1FE00  }
.Ltmp24:
0x57c: {  	_ = 	snop;
	(pc) =	sbr.rel @p1 .LBB2_45-.Ltmp24, $4  }
0x57d: {  	_ = 	snop  }
0x57e: {  	s25 =	sshra.s32 s21, $0x2;
	s21 =	sadd.s32 $0x200, s21;
	(xrf0) =	vadd.scan.msk.s32 $0xffff, v9;
	v10, _, _ =	vpop (xrf0)  }
0x57f: {  	v9 =	vld [tilespmem:s25+$0x5200];
	[tilespmem:s22+$0xD200] =	vst v10;
	s22 =	smov.u32 s23  }
0x580: {  	s23 =	smov.u32 s25  }
0x581: {  	_ =	sdelay $0x2  }
0x582: {  	s21 =	simm.s32 $0x0;
	(xrf0) =	vadd.scan.msk.s32 $0xffff, v9  }
0x583: {  	v10 =	vor.u32 s21, v2  }
0x584: {  	v9 =	vshll.u32 v10, $0x7  }
0x585: {  	v9 =	vor.u32 $0xF, v9;
	_ =	sdelay $0x1  }
0x586: {  	v11, _, _ =	vpop (xrf0)  }
0x587: {  	[tilespmem:s22+$0xD200] =	vst v11;
	v11, _, _ =	vpop (xrf0)  }
0x588: {  	s22 =	simm.s32 $0xD200;
	[tilespmem:s23+$0xD200] =	vst v11  }
0x589: {  	v11 =	vld.idx.msk [tilespmem:v9+s22+$0x0], $0xffff;
	_ =	sdelay $0x4  }
0x58a: {  	(xrf0) =	vadd.scan.msk.s32 $0xffff, v11;
	_ =	sdelay $0x3  }
0x58b: {  	s26 =	simm.s32 $0x10  }
0x58c: {  	v9 =	vor.u32 s26, v2  }
0x58d: {  	v12 =	vshll.u32 v9, $0x7;
	v13, _, _ =	vpop (xrf0)  }
0x58e: {  	v12 =	vor.u32 $0xF, v12;
	(v2sf) =	vpush v13, $0xF;
	_ =	sdelay $0x1  }
0x58f: {  	v11 =	vsub.s32 s21, v11  }
0x590: {  	v11 =	vadd.s32 v13, v11  }
0x591: {  	[tilespmem:v10+s4+$0x0] =	vst.idx.msk $0xffff, v11  }
0x592: {  	v11 =	vld.idx.msk [tilespmem:v12+s22+$0x0], $0xffff;
	_ =	sdelay $0x4  }
0x593: {  	(xrf0) =	vadd.scan.msk.s32 $0xffff, v11;
	_ =	sdelay $0x2  }
0x594: {  	s28 =	simm.s32 $0x20  }
0x595: {  	s25 =	simm.s32 $0x30;
	s23 =	simm.s32 $0x0;
	v10 =	vor.u32 s28, v2  }
.LBB2_47:
0x596: {  	p1 =	sne.s32 s25, $0xF0;
	v12 =	vshll.u32 v10, $0x7;
	s26 =	spop (v2sf)  }
0x597: {  	v12 =	vor.u32 $0xF, v12;
	v13, _, _ =	vpop (xrf0);
	s23 =	sadd.s32 s23, s26  }
0x598: {  	v11 =	vsub.s32 s23, v11;
	(v2sf) =	vpush v13, $0xF  }
0x599: {  	v11 =	vadd.s32 v13, v11  }
0x59a: {  	[tilespmem:v9+s4+$0x0] =	vst.idx.msk $0xffff, v11;
	v9 =	vmov v10;
	_ =	sdelay $0x1  }
0x59b: {  	v11 =	vld.idx.msk [tilespmem:v12+s22+$0x0], $0xffff;
	_ =	sdelay $0x5  }
.Ltmp25:
0x59c: {  	(xrf0) =	vadd.scan.msk.s32 $0xffff, v11;
	(pc) =	sbr.rel @p1 .LBB2_47-.Ltmp25, $2  }
0x59d: {  	_ =	sdelay $0x2  }
0x59e: {  	v10 =	vor.u32 s25, v2;
	s25 =	sadd.s32 $0x10, s25  }
0x59f: {  	v12 =	vshll.u32 v10, $0x7  }
0x5a0: {  	s22 =	spop (v2sf);
	v12 =	vor.u32 $0xF, v12  }
0x5a1: {  	s23 =	sadd.s32 s23, s22  }
0x5a2: {  	v13, _, _ =	vpop (xrf0);
	v11 =	vsub.s32 s23, v11  }
0x5a3: {  	v11 =	vadd.s32 v13, v11  }
0x5a4: {  	s22 =	simm.s32 $0xD200;
	[tilespmem:v9+s4+$0x0] =	vst.idx.msk $0xffff, v11  }
0x5a5: {  	v9 =	vld.idx.msk [tilespmem:v12+s22+$0x0], $0xffff;
	_ =	sdelay $0x2  }
0x5a6: {  	(v2sf) =	vpush v13, $0xF;
	_ =	sdelay $0x1  }
0x5a7: {  	(xrf0) =	vadd.scan.msk.s32 $0xffff, v9;
	_ =	sdelay $0x5  }
0x5a8: {  	v11, _, _ =	vpop (xrf0)  }
0x5a9: {  	(v2sf) =	vpush v11, $0xF;
	_ =	sdelay $0x5  }
0x5aa: {  	v12 =	vmov s21;
	s25 =	spop (v2sf)  }
0x5ab: {  	s25 =	sadd.s32 s23, s25  }
0x5ac: {  	v9 =	vsub.s32 s25, v9  }
0x5ad: {  	v9 =	vadd.s32 v11, v9  }
0x5ae: {  	[tilespmem:v10+s4+$0x0] =	vst.idx.msk $0xffff, v9  }
0x5af: {  	v9 =	vld.idx.msk [tilespmem:v12+s4+$0x0], $0xffff  }
0x5b0: {  	s21 =	simm.s32 $0x5200;
	v10 =	vld [tilespmem:s22+$0x0]  }
0x5b1: {  	v12 =	vld [tilespmem:s21+$0x0]  }
0x5b2: {  	s26 =	simm.s32 $0x1  }
0x5b3: {  	s23 =	simm.s32 $0x2;
	v11 =	vmov s26;
	s28 =	spop (v2sf)  }
.LBB2_49:
0x5b4: {  	p1 =	sne.s32 s23, $0xFF  }
0x5b5: {  	v9 =	vadd.s32 v9, v10  }
0x5b6: {  	v9 =	vsub.s32 v9, v12  }
0x5b7: {  	[tilespmem:s22+$0x0] =	vst v9  }
.Ltmp26:
0x5b8: {  	s22 =	sadd.s32 $0x80, s22;
	v9 =	vld.idx.msk [tilespmem:v11+s4+$0x0], $0xffff;
	(pc) =	sbr.rel @p1 .LBB2_49-.Ltmp26, $3  }
0x5b9: {  	s21 =	sadd.s32 $0x80, s21;
	v10 =	vld [tilespmem:s22+$0x0]  }
0x5ba: {  	v12 =	vld [tilespmem:s21+$0x0];
	_ =	sdelay $0x1  }
0x5bb: {  	v11 =	vmov s23;
	s23 =	sadd.s32 $0x1, s23  }
0x5bc: {  	_ = 	snop  }
0x5bd: {  	v9 =	vadd.s32 v9, v10  }
0x5be: {  	v9 =	vsub.s32 v9, v12  }
0x5bf: {  	[tilespmem:s22+$0x0] =	vst v9  }
0x5c0: {  	s28 =	sadd.s32 $0x80, s22;
	v9 =	vld.idx.msk [tilespmem:v11+s4+$0x0], $0xffff  }
0x5c1: {  	s21 =	sadd.s32 $0x80, s21;
	v10 =	vld [tilespmem:s28+$0x0]  }
0x5c2: {  	v11 =	vld [tilespmem:s21+$0x0];
	_ =	sdelay $0x3  }
0x5c3: {  	v9 =	vadd.s32 v9, v10  }
0x5c4: {  	v9 =	vsub.s32 v9, v11  }
0x5c5: {  	s22 =	simm.s32 $0x0;
	s21 =	simm.s32 $0x0;
	[tilespmem:s28+$0x0] =	vst v9  }
.LBB2_51:
0x5c6: {  	v9 =	vadd.s32 s22, v5;
	_ =	sdelay $0x4  }
0x5c7: {  	v10 =	vld.idx.msk [tilespmem:v9+s6+$0x0], $0xffff;
	_ =	sdelay $0x4  }
0x5c8: {  	v11 =	vshrl.u32 v10, $0x11  }
0x5c9: {  	v11 =	vand.u32 $0x7F80, v11  }
0x5ca: {  	v11 =	vor.u32 v2, v11;
	_ =	sdelay $0x4  }
0x5cb: {  	v12 =	vld.idx.msk [tilespmem:v11+s5+$0x0], $0xffff;
	_ =	sdelay $0x4  }
0x5cc: {  	v13 =	vshra.s32 v12, $0x8  }
0x5cd: {  	v12 =	vadd.s32 v12, v13  }
0x5ce: {  	v9 =	vld.idx.msk [tilespmem:v9+s7+$0x0], $0xffff  }
0x5cf: {  	p1 =	sne.s32 s22, $0xFF  }
.Ltmp27:
0x5d0: {  	_ = 	snop;
	(pc) =	sbr.rel @p1 .LBB2_51-.Ltmp27, $4  }
0x5d1: {  	_ = 	snop  }
0x5d2: {  	[tilespmem:v12+s31+$0x0] =	vst.idx.msk $0xffff, v10  }
0x5d3: {  	[tilespmem:v12+s1+$0x0] =	vst.idx.msk $0xffff, v9  }
0x5d4: {  	s22 =	sadd.s32 $0x1, s22;
	[tilespmem:v11+s5+$0x0] =	vst.idx.add.s32.msk $0xffff, v6  }
0x5d5: {  	v9 =	vmov s21  }
0x5d6: {  	v9 =	vshrl.u32 v9, $0x8  }
0x5d7: {  	v9 =	vadd.s32 s21, v9  }
0x5d8: {  	v9 =	vadd.s32 v2, v9;
	_ =	sdelay $0x4  }
0x5d9: {  	v10 =	vld.idx.msk [tilespmem:v9+s31+$0x0], $0xffff  }
0x5da: {  	s22 =	simm.s32 $0x10  }
0x5db: {  	v11 =	vmov s22  }
0x5dc: {  	v11 =	vshrl.u32 v11, $0x8  }
0x5dd: {  	v11 =	vadd.s32 s22, v11;
	v9 =	vld.idx.msk [tilespmem:v9+s1+$0x0], $0xffff  }
0x5de: {  	v12 =	vadd.s32 v2, v11;
	vm1 =	vlt.s32 v10, $0x0  }
0x5df: {  	v11 =	vsel vm1, $0x0, v3  }
0x5e0: {  	v10 =	vxor.u32 v10, v11  }
0x5e1: {  	s22 =	simm.s32 $0x15300;
	[tilespmem:s21+$0x0] =	vst v10  }
0x5e2: {  	[tilespmem:s22+$0x0] =	vst v9  }
0x5e3: {  	v9 =	vld.idx.msk [tilespmem:v12+s31+$0x0], $0xffff  }
0x5e4: {  	s23 =	simm.s32 $0x20  }
0x5e5: {  	v10 =	vmov s23  }
0x5e6: {  	s25 =	simm.s32 $0x30;
	v11 =	vshrl.u32 v10, $0x8;
	v10 =	vld.idx.msk [tilespmem:v12+s1+$0x0], $0xffff  }
.LBB2_53:
0x5e7: {  	p1 =	sne.s32 s25, $0x7F0;
	v11 =	vadd.s32 s23, v11;
	s23 =	smov.u32 s25  }
0x5e8: {  	vm1 =	vlt.s32 v9, $0x0;
	v12 =	vadd.s32 v2, v11  }
0x5e9: {  	v11 =	vsel vm1, $0x0, v3  }
0x5ea: {  	s21 =	sadd.s32 $0x10, s21;
	v9 =	vxor.u32 v9, v11  }
0x5eb: {  	s22 =	sadd.s32 $0x10, s22;
	[tilespmem:s21+$0x0] =	vst v9  }
0x5ec: {  	[tilespmem:s22+$0x0] =	vst v10  }
.Ltmp28:
0x5ed: {  	v9 =	vld.idx.msk [tilespmem:v12+s31+$0x0], $0xffff;
	(pc) =	sbr.rel @p1 .LBB2_53-.Ltmp28, $3  }
0x5ee: {  	_ =	sdelay $0x1  }
0x5ef: {  	v10 =	vmov s25  }
0x5f0: {  	s25 =	sadd.s32 $0x10, s25;
	v11 =	vshrl.u32 v10, $0x8;
	v10 =	vld.idx.msk [tilespmem:v12+s1+$0x0], $0xffff  }
0x5f1: {  	v11 =	vadd.s32 s23, v11  }
0x5f2: {  	vm1 =	vlt.s32 v9, $0x0;
	v11 =	vadd.s32 v2, v11  }
0x5f3: {  	v12 =	vsel vm1, $0x0, v3  }
0x5f4: {  	s21 =	sadd.s32 $0x10, s21;
	v9 =	vxor.u32 v9, v12  }
0x5f5: {  	s22 =	sadd.s32 $0x10, s22;
	[tilespmem:s21+$0x0] =	vst v9  }
0x5f6: {  	[tilespmem:s22+$0x0] =	vst v10  }
0x5f7: {  	v9 =	vld.idx.msk [tilespmem:v11+s31+$0x0], $0xffff;
	_ =	sdelay $0x3  }
0x5f8: {  	v10 =	vld.idx.msk [tilespmem:v11+s1+$0x0], $0xffff  }
0x5f9: {  	vm1 =	vlt.s32 v9, $0x0  }
0x5fa: {  	v11 =	vsel vm1, $0x0, v3  }
0x5fb: {  	s21 =	sadd.s32 $0x10, s21;
	v9 =	vxor.u32 v9, v11  }
0x5fc: {  	s22 =	sadd.s32 $0x10, s22;
	[tilespmem:s21+$0x0] =	vst v9  }
0x5fd: {  	s23 =	simm.s32 $0x0;
	s25 =	rddreg [dreg:$0x9];
	[tilespmem:s22+$0x0] =	vst v10  }
0x5fe: {  	[hbm4b:s25+s23] =	stream.linear.scatter [tilespmem:s23], [sflag:$0x3], $0x800, $0x38;
	[tilespmem:$0x1DD00] =	vst v63  }
0x5ff: {  	_ =	swait.ge [sflag:s30], $0x800  }
0x600: {  	[sflag:s30] =	ssyncset.done $0x0  }
0x601: {  	s28 =	simm.s32 $0x15300;
	s26 =	rddreg [dreg:$0xa];
	[sflag:s30] =	ssyncadd.s32 $0xFFFFF800  }
0x602: {  	[hbm4b:s26+s23] =	stream.linear.scatter [tilespmem:s28], [sflag:$0x3], $0x800, $0x38;
	[tilespmem:$0x1DD00] =	vst v63  }
0x603: {  	_ =	swait.ge [sflag:s30], $0x800  }
0x604: {  	[sflag:s30] =	ssyncset.done $0x0  }
0x605: {  	s21 =	simm.s32 $0x0;
	s22 =	simm.s32 $0x40;
	[sflag:s30] =	ssyncadd.s32 $0xFFFFF800  }
.LBB2_55:
0x606: {  	p1 =	sne.s32 s22, $0x1FC0;
	v9 =	vld [tilespmem:s21+$0x15300];
	_ =	sdelay $0x1  }
.Ltmp29:
0x607: {  	(pc) =	sbr.rel @p1 .LBB2_55-.Ltmp29, $3  }
0x608: {  	_ =	sdelay $0x1  }
0x609: {  	v9 =	vadd.s32 v0, v9  }
0x60a: {  	[tilespmem:s21+$0x15300] =	vst v9;
	s21 =	sshra.s32 s22, $0x2;
	s22 =	sadd.s32 $0x40, s22  }
0x60b: {  	v9 =	vld [tilespmem:s21+$0x15300];
	_ =	sdelay $0x4  }
0x60c: {  	v9 =	vadd.s32 v0, v9  }
0x60d: {  	s28 =	rddreg [dreg:$0xb];
	s22 =	simm.s32 $0x15300;
	[tilespmem:s21+$0x15300] =	vst v9  }
0x60e: {  	[spmem:s28] =	stream.linear.scatter [tilespmem:s22], [sflag:$0x3], $0x800, $0x38;
	[tilespmem:$0x1DD00] =	vst v63  }
0x60f: {  	_ =	swait.ge [sflag:s30], $0x800  }
0x610: {  	[sflag:s30] =	ssyncset.done $0x0  }
0x611: {  	s21 =	simm.s32 $0x40;
	s22 =	simm.s32 $0x0;
	[sflag:s30] =	ssyncadd.s32 $0xFFFFF800  }
.LBB2_57:
0x612: {  	p1 =	sne.s32 s21, $0x1FC0;
	[tilespmem:s22+$0x15300] =	vst v1;
	s22 =	smov.u32 s21;
	s21 =	sadd.s32 $0x40, s21  }
.Ltmp30:
0x613: {  	(pc) =	sbr.rel @p1 .LBB2_57-.Ltmp30, $2  }
0x614: {  	_ =	sdelay $0x2  }
0x615: {  	s22 =	sshra.s32 s22, $0x2  }
.Ltmp31:
0x616: {  	_ = 	snop;
	(pc) =	sbr.rel .LBB2_58-.Ltmp31, $1  }
0x617: {  	_ =	sdelay $0x3  }
.LBB2_60:
0x618: {  	_ =	sfence.sel $0x180000  }
0x619: {  	[bflag:$0x0] =	sbarrier.arrive $0xFFFF  }
0x61a: {  	_ =	strace $0x90000047  }
0x61b: {  	s0 =	stileid.u32;
	[bflag:$0x2] =	sbarrier.arrive $0xFFFF  }
0x61c: {  	p0 =	sne.s32 s0, $0x0;
	s0 =	rddreg [dreg:$0x7]  }
0x61d: {  	s0 =	sadd.s32 @!p0 $0x100000, s0  }
0x61e: {  	[sflag:s0] =	ssyncadd.tile.s32 @!p0 $0x1;
	_ =	shalt  }
.Lfunc_end2:
_tile_overlayer_lowered:
.L_overlay_start_2:
0x61f: {  	(tag) =	ssettag $0x2  }
0x620: {  	s0 =	rddreg [dreg:$0x0];
	s2 =	stileid.u32  }
0x621: {  	s1 =	rddreg [dreg:$0x1];
	p0 =	sne.s32 s2, $0x0  }
0x622: {  	s3 =	rddreg [dreg:$0x2];
	[bflag:$0x3] =	sbarrier.arrive $0xFFFF;
	s2 =	simm.s32 @!p0 $0x1C03  }
0x623: {  	[timem:s3], [sflag:s2] =	dma.local @!p0 [hbm:s0], s1  }
0x624: {  	s0 =	simm.s32 @!p0 $0x3  }
0x625: {  	_ =	swait.ge @!p0 [sflag:s0], s1  }
0x626: {  	s1 =	ssub.s32 @!p0 $0x0, s1;
	[sflag:s0] =	ssyncset.done @!p0 $0x0  }
0x627: {  	[sflag:s0] =	ssyncadd.s32 @!p0 s1  }
0x628: {  	[bflag:$0x3] =	sbarrier.arrive $0xFFFF  }
0x629: {  	_ =	shalt  }

</sc_bundles>
